<compile_context>
chip_gen: v7x
topology: tpu7x:2x2x1
jax: 0.10.2.dev20260603
libtpu: 0.0.44.dev20260713+nightly
codegen_flags: <defaults>
</compile_context>

<pallas_src>
import functools

import jax
import jax.numpy as jnp
from jax import lax
from jax.experimental import pallas as pl
from jax.experimental.pallas import tpu as pltpu
from jax.experimental.pallas import tpu_sc as plsc

B = 16384
D = 64
NC = 2
NS = 16
NW = NC * NS
BPW = B // NW
HB = BPW // 2
L = 16


def _sc_kernel(ent_idx_hbm, rel_idx_hbm, ts_hbm, ent_tab, rel_tab, time_tab,
               decay_hbm, out_ent, out_comb,
               eidx_v, ridx_v, ts_v, fac_v, dec_v, ent_v, time_v, rel_v,
               sem_e, sem_rt):
    wid = lax.axis_index("s") * NC + lax.axis_index("c")
    base = wid * BPW

    pltpu.sync_copy(ent_idx_hbm.at[pl.ds(base, BPW)], eidx_v)
    pltpu.sync_copy(rel_idx_hbm.at[pl.ds(base, BPW)], ridx_v)
    pltpu.sync_copy(ts_hbm.at[pl.ds(base, BPW)], ts_v)
    pltpu.sync_copy(decay_hbm, dec_v)

    def ent_issue(half):
        def issue(k, carry):
            off = pl.multiple_of(half * HB + k * L, L)
            vec = eidx_v[pl.ds(off, L)]
            dst = pl.multiple_of(k * L, L)
            for l in range(L):
                r = vec[l]
                pltpu.async_copy(ent_tab.at[pl.ds(r, 1), :],
                                 ent_v.at[pl.ds(dst + l, 1), :], sem_e)
            return carry

        lax.fori_loop(0, HB // L, issue, 0)

    def rt_issue(half):
        def issue(k, carry):
            off = pl.multiple_of(half * HB + k * L, L)
            vec = ridx_v[pl.ds(off, L)]
            dst = pl.multiple_of(k * L, L)
            for l in range(L):
                r = vec[l]
                pltpu.async_copy(time_tab.at[pl.ds(r, 1), :],
                                 time_v.at[pl.ds(dst + l, 1), :], sem_rt)
                pltpu.async_copy(rel_tab.at[pl.ds(r, 1), :],
                                 rel_v.at[pl.ds(dst + l, 1), :], sem_rt)
            return carry

        lax.fori_loop(0, HB // L, issue, 0)

    def ent_drain_write(half):
        pltpu.make_async_copy(ent_tab.at[pl.ds(0, HB), :], ent_v, sem_e).wait()
        pltpu.sync_copy(ent_v, out_ent.at[pl.ds(base + half * HB, HB), :])

    def rt_drain(half):
        pltpu.make_async_copy(ent_tab.at[pl.ds(0, HB), :], time_v,
                              sem_rt).wait()
        pltpu.make_async_copy(ent_tab.at[pl.ds(0, HB), :], rel_v,
                              sem_rt).wait()

    def combine_write(half):
        def comb_body(i, carry):
            fi = jnp.full((L,), half * HB, jnp.int32) + i
            f = plsc.load_gather(fac_v, [fi])
            for c in range(D // L):
                sl = pl.ds(c * L, L)
                time_v[i, sl] = time_v[i, sl] * f + rel_v[i, sl]
            return carry

        lax.fori_loop(0, HB, comb_body, 0)
        pltpu.sync_copy(time_v, out_comb.at[pl.ds(base + half * HB, HB), :])

    ent_issue(0)
    rt_issue(0)

    neg_decay = dec_v[...]

    def fac_body(k, carry):
        off = pl.multiple_of(k * L, L)
        t = ts_v[pl.ds(off, L)].astype(jnp.float32)
        fac_v[pl.ds(off, L)] = jnp.exp(neg_decay * t)
        return carry

    lax.fori_loop(0, BPW // L, fac_body, 0)

    ent_drain_write(0)
    ent_issue(1)
    rt_drain(0)
    combine_write(0)
    rt_issue(1)
    ent_drain_write(1)
    rt_drain(1)
    combine_write(1)


@jax.jit
def _run(entity_indices, relation_indices, timestamp_indices, entity_table,
         relation_table, time_table, neg_decay):
    mesh = plsc.VectorSubcoreMesh(core_axis_name="c", subcore_axis_name="s",
                                  num_cores=NC, num_subcores=NS)
    f = functools.partial(
        pl.kernel,
        out_type=[
            jax.ShapeDtypeStruct((B, D), jnp.float32),
            jax.ShapeDtypeStruct((B, D), jnp.float32),
        ],
        mesh=mesh,
        scratch_types=[
            pltpu.VMEM((BPW,), jnp.int32),
            pltpu.VMEM((BPW,), jnp.int32),
            pltpu.VMEM((BPW,), jnp.int32),
            pltpu.VMEM((BPW,), jnp.float32),
            pltpu.VMEM((L,), jnp.float32),
            pltpu.VMEM((HB, D), jnp.float32),
            pltpu.VMEM((HB, D), jnp.float32),
            pltpu.VMEM((HB, D), jnp.float32),
            pltpu.SemaphoreType.DMA,
            pltpu.SemaphoreType.DMA,
        ],
        compiler_params=pltpu.CompilerParams(needs_layout_passes=False,
                                             use_tc_tiling_on_sc=True),
        name="kg_embeddings_sc",
    )(_sc_kernel)
    return f(entity_indices, relation_indices, timestamp_indices,
             entity_table, relation_table, time_table, neg_decay)


def kernel(entity_indices, relation_indices, timestamp_indices, entity_table,
           relation_table, time_table, time_decay):
    ent_idx = entity_indices.astype(jnp.int32)
    rel_idx = relation_indices.astype(jnp.int32)
    ts = timestamp_indices.astype(jnp.int32)
    neg_decay = jnp.broadcast_to(-time_decay, (L,))
    out_ent, out_comb = _run(ent_idx, rel_idx, ts, entity_table,
                             relation_table, time_table, neg_decay)
    return (out_ent, out_comb)

# --- scband reference (transcript-rebuilt; emitter-appended) ---
"""Pipeline reference for scband-enhanced-kgembeddings-45028437131898 (READ-ONLY COPY).

The authoritative reference and input builder live on the scoring server;
editing this copy changes nothing except your own understanding.
"""

import jax, jax.numpy as jnp
import numpy as np

NUM_ENTITIES = 1000000
NUM_RELATIONS = 1000
EMB_DIM = 64
TIME_EMB_DIM = 64
BATCH = 16384

def _xavier(key, shape):
    fan_in, fan_out = shape[0], shape[1]
    limit = float(np.sqrt(6.0 / (fan_in + fan_out)))
    return jax.random.uniform(key, shape, dtype=jnp.float32, minval=-limit, maxval=limit)

def setup_inputs(seed: int = 0) -> dict:
    key = jax.random.key(seed)
    k1, k2, k3, k4, k5, k6, k7 = jax.random.split(key, 7)
    entity_indices = jax.random.randint(k1, (BATCH,), 0, NUM_ENTITIES, dtype=jnp.int64) if jax.config.jax_enable_x64 else jax.random.randint(k1, (BATCH,), 0, NUM_ENTITIES).astype(jnp.int32)
    relation_indices = jax.random.randint(k2, (BATCH,), 0, NUM_RELATIONS).astype(jnp.int32)
    timestamp_indices = jax.random.randint(k3, (BATCH,), 0, 365).astype(jnp.int32)
    entity_table = _xavier(k4, (NUM_ENTITIES, EMB_DIM))
    relation_table = _xavier(k5, (NUM_RELATIONS, EMB_DIM))
    time_table = _xavier(k6, (NUM_RELATIONS, TIME_EMB_DIM))
    time_decay = jax.random.uniform(k7, (1,), dtype=jnp.float32, minval=-1.0, maxval=1.0)
    return {
        "entity_indices": entity_indices,
        "relation_indices": relation_indices,
        "timestamp_indices": timestamp_indices,
        "entity_table": entity_table,
        "relation_table": relation_table,
        "time_table": time_table,
        "time_decay": time_decay,
    }

def reference(entity_indices, relation_indices, timestamp_indices, entity_table, relation_table, time_table, time_decay):
    entity_embs = jnp.take(entity_table, entity_indices, axis=0)
    relation_embs = jnp.take(relation_table, relation_indices, axis=0)
    time_embs = jnp.take(time_table, relation_indices, axis=0)
    decayed_time_embs = time_embs * jnp.exp(-time_decay * timestamp_indices.astype(jnp.float32)[:, None])
    combined_embs = relation_embs + decayed_time_embs
    return (entity_embs, combined_embs)

if __name__ == "__main__":
    import jax
    _d = setup_inputs()
    print(jax.jit(kernel)(*tuple(_d.values())))

</pallas_src>

<mosaic_0001>
#map = affine_map<(d0, d1) -> (0)>
#map1 = affine_map<(d0, d1) -> (0, 0)>
module attributes {stable_mosaic.version = 14 : i64} {
  func.func @kg_embeddings_sc(%arg0: i32, %arg1: i32, %arg2: memref<16384xi32, #tpu.memory_space<hbm>>, %arg3: memref<16384xi32, #tpu.memory_space<hbm>>, %arg4: memref<16384xi32, #tpu.memory_space<hbm>>, %arg5: memref<1000000x64xf32, #tpu.memory_space<hbm>>, %arg6: memref<1000x64xf32, #tpu.memory_space<hbm>>, %arg7: memref<1000x64xf32, #tpu.memory_space<hbm>>, %arg8: memref<16xf32, #tpu.memory_space<hbm>>, %arg9: memref<16384x64xf32, #tpu.memory_space<hbm>>, %arg10: memref<16384x64xf32, #tpu.memory_space<hbm>>, %arg11: memref<512xi32, #tpu.memory_space<vmem>>, %arg12: memref<512xi32, #tpu.memory_space<vmem>>, %arg13: memref<512xi32, #tpu.memory_space<vmem>>, %arg14: memref<512xf32, #tpu.memory_space<vmem>>, %arg15: memref<16xf32, #tpu.memory_space<vmem>>, %arg16: memref<256x64xf32, #tpu.memory_space<vmem>>, %arg17: memref<256x64xf32, #tpu.memory_space<vmem>>, %arg18: memref<256x64xf32, #tpu.memory_space<vmem>>, %arg19: memref<!tpu.dma_semaphore, #tpu.memory_space<semaphore_mem>>, %arg20: memref<!tpu.dma_semaphore, #tpu.memory_space<semaphore_mem>>) attributes {dimension_semantics = [#tpu.dimension_semantics<core_parallel>, #tpu.dimension_semantics<subcore_parallel>], iteration_bounds = array<i64: 2, 16>, scalar_prefetch = 0 : i64, scratch_operands = 10 : i64, tpu.core_type = #tpu.core_type<sc_vector_subcore>, window_params = [{transform_indices = #map}, {transform_indices = #map}, {transform_indices = #map}, {transform_indices = #map1}, {transform_indices = #map1}, {transform_indices = #map1}, {transform_indices = #map}, {transform_indices = #map1}, {transform_indices = #map1}]} {
    %mul3A = arith.constant 2 : i32
    %mul3A_0 = arith.muli %arg1, %mul3A : i32
    %add3A = arith.addi %mul3A_0, %arg0 : i32
    %mul3A_1 = arith.constant 512 : i32
    %mul3A_2 = arith.muli %add3A, %mul3A_1 : i32
    "tpu.region"() ({
      %run_scoped3A = tpu.sem_alloc : memref<!tpu.dma_semaphore, #tpu.memory_space<semaphore_mem>>
      %dma_start3A = tpu.memref_slice %arg2[%mul3A_2] : memref<16384xi32, #tpu.memory_space<hbm>> -> memref<512xi32, #tpu.memory_space<hbm>>
      %dma_start3A_88 = tpu.memref_slice %arg2[%mul3A_2] : memref<16384xi32, #tpu.memory_space<hbm>> -> memref<512xi32, #tpu.memory_space<hbm>>
      tpu.enqueue_dma source(%dma_start3A_88 : memref<512xi32, #tpu.memory_space<hbm>>) target(%arg11 : memref<512xi32, #tpu.memory_space<vmem>>) target_semaphore(%run_scoped3A : memref<!tpu.dma_semaphore, #tpu.memory_space<semaphore_mem>>)
      %dma_wait3A_89 = tpu.memref_slice %arg2[%mul3A_2] : memref<16384xi32, #tpu.memory_space<hbm>> -> memref<512xi32, #tpu.memory_space<hbm>>
      %dma_wait3A_90 = tpu.memref_slice %arg2[%mul3A_2] : memref<16384xi32, #tpu.memory_space<hbm>> -> memref<512xi32, #tpu.memory_space<hbm>>
      tpu.wait_dma2 semaphore(%run_scoped3A : memref<!tpu.dma_semaphore, #tpu.memory_space<semaphore_mem>>) src(%dma_wait3A_90 : memref<512xi32, #tpu.memory_space<hbm>>) dst(%arg11 : memref<512xi32, #tpu.memory_space<vmem>>)
      tpu.yield
    }) : () -> ()
    "tpu.region"() ({
      %run_scoped3A = tpu.sem_alloc : memref<!tpu.dma_semaphore, #tpu.memory_space<semaphore_mem>>
      %dma_start3A = tpu.memref_slice %arg3[%mul3A_2] : memref<16384xi32, #tpu.memory_space<hbm>> -> memref<512xi32, #tpu.memory_space<hbm>>
      %dma_start3A_88 = tpu.memref_slice %arg3[%mul3A_2] : memref<16384xi32, #tpu.memory_space<hbm>> -> memref<512xi32, #tpu.memory_space<hbm>>
      tpu.enqueue_dma source(%dma_start3A_88 : memref<512xi32, #tpu.memory_space<hbm>>) target(%arg12 : memref<512xi32, #tpu.memory_space<vmem>>) target_semaphore(%run_scoped3A : memref<!tpu.dma_semaphore, #tpu.memory_space<semaphore_mem>>)
      %dma_wait3A_89 = tpu.memref_slice %arg3[%mul3A_2] : memref<16384xi32, #tpu.memory_space<hbm>> -> memref<512xi32, #tpu.memory_space<hbm>>
      %dma_wait3A_90 = tpu.memref_slice %arg3[%mul3A_2] : memref<16384xi32, #tpu.memory_space<hbm>> -> memref<512xi32, #tpu.memory_space<hbm>>
      tpu.wait_dma2 semaphore(%run_scoped3A : memref<!tpu.dma_semaphore, #tpu.memory_space<semaphore_mem>>) src(%dma_wait3A_90 : memref<512xi32, #tpu.memory_space<hbm>>) dst(%arg12 : memref<512xi32, #tpu.memory_space<vmem>>)
      tpu.yield
    }) : () -> ()
    "tpu.region"() ({
      %run_scoped3A = tpu.sem_alloc : memref<!tpu.dma_semaphore, #tpu.memory_space<semaphore_mem>>
      %dma_start3A = tpu.memref_slice %arg4[%mul3A_2] : memref<16384xi32, #tpu.memory_space<hbm>> -> memref<512xi32, #tpu.memory_space<hbm>>
      %dma_start3A_88 = tpu.memref_slice %arg4[%mul3A_2] : memref<16384xi32, #tpu.memory_space<hbm>> -> memref<512xi32, #tpu.memory_space<hbm>>
      tpu.enqueue_dma source(%dma_start3A_88 : memref<512xi32, #tpu.memory_space<hbm>>) target(%arg13 : memref<512xi32, #tpu.memory_space<vmem>>) target_semaphore(%run_scoped3A : memref<!tpu.dma_semaphore, #tpu.memory_space<semaphore_mem>>)
      %dma_wait3A_89 = tpu.memref_slice %arg4[%mul3A_2] : memref<16384xi32, #tpu.memory_space<hbm>> -> memref<512xi32, #tpu.memory_space<hbm>>
      %dma_wait3A_90 = tpu.memref_slice %arg4[%mul3A_2] : memref<16384xi32, #tpu.memory_space<hbm>> -> memref<512xi32, #tpu.memory_space<hbm>>
      tpu.wait_dma2 semaphore(%run_scoped3A : memref<!tpu.dma_semaphore, #tpu.memory_space<semaphore_mem>>) src(%dma_wait3A_90 : memref<512xi32, #tpu.memory_space<hbm>>) dst(%arg13 : memref<512xi32, #tpu.memory_space<vmem>>)
      tpu.yield
    }) : () -> ()
    "tpu.region"() ({
      %run_scoped3A = tpu.sem_alloc : memref<!tpu.dma_semaphore, #tpu.memory_space<semaphore_mem>>
      tpu.enqueue_dma source(%arg8 : memref<16xf32, #tpu.memory_space<hbm>>) target(%arg15 : memref<16xf32, #tpu.memory_space<vmem>>) target_semaphore(%run_scoped3A : memref<!tpu.dma_semaphore, #tpu.memory_space<semaphore_mem>>)
      tpu.wait_dma2 semaphore(%run_scoped3A : memref<!tpu.dma_semaphore, #tpu.memory_space<semaphore_mem>>) src(%arg8 : memref<16xf32, #tpu.memory_space<hbm>>) dst(%arg15 : memref<16xf32, #tpu.memory_space<vmem>>)
      tpu.yield
    }) : () -> ()
    %scan3A = arith.constant 0 : i32
    %scan3A_3 = arith.constant 0 : i32
    %scan3A_4 = arith.constant 16 : i32
    %scan3A_5 = arith.addi %scan3A_3, %scan3A_4 : i32
    %scan3A_6 = arith.constant 1 : i32
    scf.for %scan3A_88 = %scan3A_3 to %scan3A_5 step %scan3A_6  : i32 {
      %mul3A_89 = arith.constant 16 : i32
      %mul3A_90 = arith.muli %scan3A_88, %mul3A_89 : i32
      %add3A_91 = arith.constant 0 : i32
      %add3A_92 = arith.addi %add3A_91, %mul3A_90 : i32
      %multiple_of3A = tpu.assume_multiple %add3A_92, 16 : i32
      %get3A_93 = arith.index_cast %multiple_of3A : i32 to index
      %get3A_94 = tpu.vector_load %arg11[%get3A_93] {strides = array<i32>} : memref<512xi32, #tpu.memory_space<vmem>>, vector<16xi32>,
      %mul3A_95 = arith.constant 16 : i32
      %mul3A_96 = arith.muli %scan3A_88, %mul3A_95 : i32
      %multiple_of3A_97 = tpu.assume_multiple %mul3A_96, 16 : i32
      %slice3A = vector.extract_strided_slice %get3A_94 {offsets = [0], sizes = [1], strides = [1]} : vector<16xi32> to vector<1xi32>
      %squeeze3A = vector.extract %slice3A[0] : i32 from vector<1xi32>
      %add3A_98 = arith.constant 0 : i32
      %add3A_99 = arith.addi %multiple_of3A_97, %add3A_98 : i32
      %dma_start3A = arith.constant 0 : i32
      %dma_start3A_100 = tpu.memref_slice %arg16[%add3A_99, %dma_start3A] : memref<256x64xf32, #tpu.memory_space<vmem>> -> memref<1x64xf32, #tpu.memory_space<vmem>>
      %dma_start3A_101 = arith.constant 0 : i32
      %dma_start3A_102 = tpu.memref_slice %arg5[%squeeze3A, %dma_start3A_101] : memref<1000000x64xf32, #tpu.memory_space<hbm>> -> memref<1x64xf32, #tpu.memory_space<hbm>>
      %dma_start3A_103 = arith.constant 0 : i32
      %dma_start3A_104 = tpu.memref_slice %arg16[%add3A_99, %dma_start3A_103] : memref<256x64xf32, #tpu.memory_space<vmem>> -> memref<1x64xf32, #tpu.memory_space<vmem>>
      %dma_start3A_105 = arith.constant 0 : i32
      %dma_start3A_106 = tpu.memref_slice %arg5[%squeeze3A, %dma_start3A_105] : memref<1000000x64xf32, #tpu.memory_space<hbm>> -> memref<1x64xf32, #tpu.memory_space<hbm>>
      tpu.enqueue_dma source(%dma_start3A_106 : memref<1x64xf32, #tpu.memory_space<hbm>>) target(%dma_start3A_104 : memref<1x64xf32, #tpu.memory_space<vmem>>) target_semaphore(%arg19 : memref<!tpu.dma_semaphore, #tpu.memory_space<semaphore_mem>>)
      %slice3A_107 = vector.extract_strided_slice %get3A_94 {offsets = [1], sizes = [1], strides = [1]} : vector<16xi32> to vector<1xi32>
      %squeeze3A_108 = vector.extract %slice3A_107[0] : i32 from vector<1xi32>
      %add3A_109 = arith.constant 1 : i32
      %add3A_110 = arith.addi %multiple_of3A_97, %add3A_109 : i32
      %dma_start3A_111 = arith.constant 0 : i32
      %dma_start3A_112 = tpu.memref_slice %arg16[%add3A_110, %dma_start3A_111] : memref<256x64xf32, #tpu.memory_space<vmem>> -> memref<1x64xf32, #tpu.memory_space<vmem>>
      %dma_start3A_113 = arith.constant 0 : i32
      %dma_start3A_114 = tpu.memref_slice %arg5[%squeeze3A_108, %dma_start3A_113] : memref<1000000x64xf32, #tpu.memory_space<hbm>> -> memref<1x64xf32, #tpu.memory_space<hbm>>
      %dma_start3A_115 = arith.constant 0 : i32
      %dma_start3A_116 = tpu.memref_slice %arg16[%add3A_110, %dma_start3A_115] : memref<256x64xf32, #tpu.memory_space<vmem>> -> memref<1x64xf32, #tpu.memory_space<vmem>>
      %dma_start3A_117 = arith.constant 0 : i32
      %dma_start3A_118 = tpu.memref_slice %arg5[%squeeze3A_108, %dma_start3A_117] : memref<1000000x64xf32, #tpu.memory_space<hbm>> -> memref<1x64xf32, #tpu.memory_space<hbm>>
      tpu.enqueue_dma source(%dma_start3A_118 : memref<1x64xf32, #tpu.memory_space<hbm>>) target(%dma_start3A_116 : memref<1x64xf32, #tpu.memory_space<vmem>>) target_semaphore(%arg19 : memref<!tpu.dma_semaphore, #tpu.memory_space<semaphore_mem>>)
      %slice3A_119 = vector.extract_strided_slice %get3A_94 {offsets = [2], sizes = [1], strides = [1]} : vector<16xi32> to vector<1xi32>
      %squeeze3A_120 = vector.extract %slice3A_119[0] : i32 from vector<1xi32>
      %add3A_121 = arith.constant 2 : i32
      %add3A_122 = arith.addi %multiple_of3A_97, %add3A_121 : i32
      %dma_start3A_123 = arith.constant 0 : i32
      %dma_start3A_124 = tpu.memref_slice %arg16[%add3A_122, %dma_start3A_123] : memref<256x64xf32, #tpu.memory_space<vmem>> -> memref<1x64xf32, #tpu.memory_space<vmem>>
      %dma_start3A_125 = arith.constant 0 : i32
      %dma_start3A_126 = tpu.memref_slice %arg5[%squeeze3A_120, %dma_start3A_125] : memref<1000000x64xf32, #tpu.memory_space<hbm>> -> memref<1x64xf32, #tpu.memory_space<hbm>>
      %dma_start3A_127 = arith.constant 0 : i32
      %dma_start3A_128 = tpu.memref_slice %arg16[%add3A_122, %dma_start3A_127] : memref<256x64xf32, #tpu.memory_space<vmem>> -> memref<1x64xf32, #tpu.memory_space<vmem>>
      %dma_start3A_129 = arith.constant 0 : i32
      %dma_start3A_130 = tpu.memref_slice %arg5[%squeeze3A_120, %dma_start3A_129] : memref<1000000x64xf32, #tpu.memory_space<hbm>> -> memref<1x64xf32, #tpu.memory_space<hbm>>
      tpu.enqueue_dma source(%dma_start3A_130 : memref<1x64xf32, #tpu.memory_space<hbm>>) target(%dma_start3A_128 : memref<1x64xf32, #tpu.memory_space<vmem>>) target_semaphore(%arg19 : memref<!tpu.dma_semaphore, #tpu.memory_space<semaphore_mem>>)
      %slice3A_131 = vector.extract_strided_slice %get3A_94 {offsets = [3], sizes = [1], strides = [1]} : vector<16xi32> to vector<1xi32>
      %squeeze3A_132 = vector.extract %slice3A_131[0] : i32 from vector<1xi32>
      %add3A_133 = arith.constant 3 : i32
      %add3A_134 = arith.addi %multiple_of3A_97, %add3A_133 : i32
      %dma_start3A_135 = arith.constant 0 : i32
      %dma_start3A_136 = tpu.memref_slice %arg16[%add3A_134, %dma_start3A_135] : memref<256x64xf32, #tpu.memory_space<vmem>> -> memref<1x64xf32, #tpu.memory_space<vmem>>
      %dma_start3A_137 = arith.constant 0 : i32
      %dma_start3A_138 = tpu.memref_slice %arg5[%squeeze3A_132, %dma_start3A_137] : memref<1000000x64xf32, #tpu.memory_space<hbm>> -> memref<1x64xf32, #tpu.memory_space<hbm>>
      %dma_start3A_139 = arith.constant 0 : i32
      %dma_start3A_140 = tpu.memref_slice %arg16[%add3A_134, %dma_start3A_139] : memref<256x64xf32, #tpu.memory_space<vmem>> -> memref<1x64xf32, #tpu.memory_space<vmem>>
      %dma_start3A_141 = arith.constant 0 : i32
      %dma_start3A_142 = tpu.memref_slice %arg5[%squeeze3A_132, %dma_start3A_141] : memref<1000000x64xf32, #tpu.memory_space<hbm>> -> memref<1x64xf32, #tpu.memory_space<hbm>>
      tpu.enqueue_dma source(%dma_start3A_142 : memref<1x64xf32, #tpu.memory_space<hbm>>) target(%dma_start3A_140 : memref<1x64xf32, #tpu.memory_space<vmem>>) target_semaphore(%arg19 : memref<!tpu.dma_semaphore, #tpu.memory_space<semaphore_mem>>)
      %slice3A_143 = vector.extract_strided_slice %get3A_94 {offsets = [4], sizes = [1], strides = [1]} : vector<16xi32> to vector<1xi32>
      %squeeze3A_144 = vector.extract %slice3A_143[0] : i32 from vector<1xi32>
      %add3A_145 = arith.constant 4 : i32
      %add3A_146 = arith.addi %multiple_of3A_97, %add3A_145 : i32
      %dma_start3A_147 = arith.constant 0 : i32
      %dma_start3A_148 = tpu.memref_slice %arg16[%add3A_146, %dma_start3A_147] : memref<256x64xf32, #tpu.memory_space<vmem>> -> memref<1x64xf32, #tpu.memory_space<vmem>>
      %dma_start3A_149 = arith.constant 0 : i32
      %dma_start3A_150 = tpu.memref_slice %arg5[%squeeze3A_144, %dma_start3A_149] : memref<1000000x64xf32, #tpu.memory_space<hbm>> -> memref<1x64xf32, #tpu.memory_space<hbm>>
      %dma_start3A_151 = arith.constant 0 : i32
      %dma_start3A_152 = tpu.memref_slice %arg16[%add3A_146, %dma_start3A_151] : memref<256x64xf32, #tpu.memory_space<vmem>> -> memref<1x64xf32, #tpu.memory_space<vmem>>
      %dma_start3A_153 = arith.constant 0 : i32
      %dma_start3A_154 = tpu.memref_slice %arg5[%squeeze3A_144, %dma_start3A_153] : memref<1000000x64xf32, #tpu.memory_space<hbm>> -> memref<1x64xf32, #tpu.memory_space<hbm>>
      tpu.enqueue_dma source(%dma_start3A_154 : memref<1x64xf32, #tpu.memory_space<hbm>>) target(%dma_start3A_152 : memref<1x64xf32, #tpu.memory_space<vmem>>) target_semaphore(%arg19 : memref<!tpu.dma_semaphore, #tpu.memory_space<semaphore_mem>>)
      %slice3A_155 = vector.extract_strided_slice %get3A_94 {offsets = [5], sizes = [1], strides = [1]} : vector<16xi32> to vector<1xi32>
      %squeeze3A_156 = vector.extract %slice3A_155[0] : i32 from vector<1xi32>
      %add3A_157 = arith.constant 5 : i32
      %add3A_158 = arith.addi %multiple_of3A_97, %add3A_157 : i32
      %dma_start3A_159 = arith.constant 0 : i32
      %dma_start3A_160 = tpu.memref_slice %arg16[%add3A_158, %dma_start3A_159] : memref<256x64xf32, #tpu.memory_space<vmem>> -> memref<1x64xf32, #tpu.memory_space<vmem>>
      %dma_start3A_161 = arith.constant 0 : i32
      %dma_start3A_162 = tpu.memref_slice %arg5[%squeeze3A_156, %dma_start3A_161] : memref<1000000x64xf32, #tpu.memory_space<hbm>> -> memref<1x64xf32, #tpu.memory_space<hbm>>
      %dma_start3A_163 = arith.constant 0 : i32
      %dma_start3A_164 = tpu.memref_slice %arg16[%add3A_158, %dma_start3A_163] : memref<256x64xf32, #tpu.memory_space<vmem>> -> memref<1x64xf32, #tpu.memory_space<vmem>>
      %dma_start3A_165 = arith.constant 0 : i32
      %dma_start3A_166 = tpu.memref_slice %arg5[%squeeze3A_156, %dma_start3A_165] : memref<1000000x64xf32, #tpu.memory_space<hbm>> -> memref<1x64xf32, #tpu.memory_space<hbm>>
      tpu.enqueue_dma source(%dma_start3A_166 : memref<1x64xf32, #tpu.memory_space<hbm>>) target(%dma_start3A_164 : memref<1x64xf32, #tpu.memory_space<vmem>>) target_semaphore(%arg19 : memref<!tpu.dma_semaphore, #tpu.memory_space<semaphore_mem>>)
      %slice3A_167 = vector.extract_strided_slice %get3A_94 {offsets = [6], sizes = [1], strides = [1]} : vector<16xi32> to vector<1xi32>
      %squeeze3A_168 = vector.extract %slice3A_167[0] : i32 from vector<1xi32>
      %add3A_169 = arith.constant 6 : i32
      %add3A_170 = arith.addi %multiple_of3A_97, %add3A_169 : i32
      %dma_start3A_171 = arith.constant 0 : i32
      %dma_start3A_172 = tpu.memref_slice %arg16[%add3A_170, %dma_start3A_171] : memref<256x64xf32, #tpu.memory_space<vmem>> -> memref<1x64xf32, #tpu.memory_space<vmem>>
      %dma_start3A_173 = arith.constant 0 : i32
      %dma_start3A_174 = tpu.memref_slice %arg5[%squeeze3A_168, %dma_start3A_173] : memref<1000000x64xf32, #tpu.memory_space<hbm>> -> memref<1x64xf32, #tpu.memory_space<hbm>>
      %dma_start3A_175 = arith.constant 0 : i32
      %dma_start3A_176 = tpu.memref_slice %arg16[%add3A_170, %dma_start3A_175] : memref<256x64xf32, #tpu.memory_space<vmem>> -> memref<1x64xf32, #tpu.memory_space<vmem>>
      %dma_start3A_177 = arith.constant 0 : i32
      %dma_start3A_178 = tpu.memref_slice %arg5[%squeeze3A_168, %dma_start3A_177] : memref<1000000x64xf32, #tpu.memory_space<hbm>> -> memref<1x64xf32, #tpu.memory_space<hbm>>
      tpu.enqueue_dma source(%dma_start3A_178 : memref<1x64xf32, #tpu.memory_space<hbm>>) target(%dma_start3A_176 : memref<1x64xf32, #tpu.memory_space<vmem>>) target_semaphore(%arg19 : memref<!tpu.dma_semaphore, #tpu.memory_space<semaphore_mem>>)
      %slice3A_179 = vector.extract_strided_slice %get3A_94 {offsets = [7], sizes = [1], strides = [1]} : vector<16xi32> to vector<1xi32>
      %squeeze3A_180 = vector.extract %slice3A_179[0] : i32 from vector<1xi32>
      %add3A_181 = arith.constant 7 : i32
      %add3A_182 = arith.addi %multiple_of3A_97, %add3A_181 : i32
      %dma_start3A_183 = arith.constant 0 : i32
      %dma_start3A_184 = tpu.memref_slice %arg16[%add3A_182, %dma_start3A_183] : memref<256x64xf32, #tpu.memory_space<vmem>> -> memref<1x64xf32, #tpu.memory_space<vmem>>
      %dma_start3A_185 = arith.constant 0 : i32
      %dma_start3A_186 = tpu.memref_slice %arg5[%squeeze3A_180, %dma_start3A_185] : memref<1000000x64xf32, #tpu.memory_space<hbm>> -> memref<1x64xf32, #tpu.memory_space<hbm>>
      %dma_start3A_187 = arith.constant 0 : i32
      %dma_start3A_188 = tpu.memref_slice %arg16[%add3A_182, %dma_start3A_187] : memref<256x64xf32, #tpu.memory_space<vmem>> -> memref<1x64xf32, #tpu.memory_space<vmem>>
      %dma_start3A_189 = arith.constant 0 : i32
      %dma_start3A_190 = tpu.memref_slice %arg5[%squeeze3A_180, %dma_start3A_189] : memref<1000000x64xf32, #tpu.memory_space<hbm>> -> memref<1x64xf32, #tpu.memory_space<hbm>>
      tpu.enqueue_dma source(%dma_start3A_190 : memref<1x64xf32, #tpu.memory_space<hbm>>) target(%dma_start3A_188 : memref<1x64xf32, #tpu.memory_space<vmem>>) target_semaphore(%arg19 : memref<!tpu.dma_semaphore, #tpu.memory_space<semaphore_mem>>)
      %slice3A_191 = vector.extract_strided_slice %get3A_94 {offsets = [8], sizes = [1], strides = [1]} : vector<16xi32> to vector<1xi32>
      %squeeze3A_192 = vector.extract %slice3A_191[0] : i32 from vector<1xi32>
      %add3A_193 = arith.constant 8 : i32
      %add3A_194 = arith.addi %multiple_of3A_97, %add3A_193 : i32
      %dma_start3A_195 = arith.constant 0 : i32
      %dma_start3A_196 = tpu.memref_slice %arg16[%add3A_194, %dma_start3A_195] : memref<256x64xf32, #tpu.memory_space<vmem>> -> memref<1x64xf32, #tpu.memory_space<vmem>>
      %dma_start3A_197 = arith.constant 0 : i32
      %dma_start3A_198 = tpu.memref_slice %arg5[%squeeze3A_192, %dma_start3A_197] : memref<1000000x64xf32, #tpu.memory_space<hbm>> -> memref<1x64xf32, #tpu.memory_space<hbm>>
      %dma_start3A_199 = arith.constant 0 : i32
      %dma_start3A_200 = tpu.memref_slice %arg16[%add3A_194, %dma_start3A_199] : memref<256x64xf32, #tpu.memory_space<vmem>> -> memref<1x64xf32, #tpu.memory_space<vmem>>
      %dma_start3A_201 = arith.constant 0 : i32
      %dma_start3A_202 = tpu.memref_slice %arg5[%squeeze3A_192, %dma_start3A_201] : memref<1000000x64xf32, #tpu.memory_space<hbm>> -> memref<1x64xf32, #tpu.memory_space<hbm>>
      tpu.enqueue_dma source(%dma_start3A_202 : memref<1x64xf32, #tpu.memory_space<hbm>>) target(%dma_start3A_200 : memref<1x64xf32, #tpu.memory_space<vmem>>) target_semaphore(%arg19 : memref<!tpu.dma_semaphore, #tpu.memory_space<semaphore_mem>>)
      %slice3A_203 = vector.extract_strided_slice %get3A_94 {offsets = [9], sizes = [1], strides = [1]} : vector<16xi32> to vector<1xi32>
      %squeeze3A_204 = vector.extract %slice3A_203[0] : i32 from vector<1xi32>
      %add3A_205 = arith.constant 9 : i32
      %add3A_206 = arith.addi %multiple_of3A_97, %add3A_205 : i32
      %dma_start3A_207 = arith.constant 0 : i32
      %dma_start3A_208 = tpu.memref_slice %arg16[%add3A_206, %dma_start3A_207] : memref<256x64xf32, #tpu.memory_space<vmem>> -> memref<1x64xf32, #tpu.memory_space<vmem>>
      %dma_start3A_209 = arith.constant 0 : i32
      %dma_start3A_210 = tpu.memref_slice %arg5[%squeeze3A_204, %dma_start3A_209] : memref<1000000x64xf32, #tpu.memory_space<hbm>> -> memref<1x64xf32, #tpu.memory_space<hbm>>
      %dma_start3A_211 = arith.constant 0 : i32
      %dma_start3A_212 = tpu.memref_slice %arg16[%add3A_206, %dma_start3A_211] : memref<256x64xf32, #tpu.memory_space<vmem>> -> memref<1x64xf32, #tpu.memory_space<vmem>>
      %dma_start3A_213 = arith.constant 0 : i32
      %dma_start3A_214 = tpu.memref_slice %arg5[%squeeze3A_204, %dma_start3A_213] : memref<1000000x64xf32, #tpu.memory_space<hbm>> -> memref<1x64xf32, #tpu.memory_space<hbm>>
      tpu.enqueue_dma source(%dma_start3A_214 : memref<1x64xf32, #tpu.memory_space<hbm>>) target(%dma_start3A_212 : memref<1x64xf32, #tpu.memory_space<vmem>>) target_semaphore(%arg19 : memref<!tpu.dma_semaphore, #tpu.memory_space<semaphore_mem>>)
      %slice3A_215 = vector.extract_strided_slice %get3A_94 {offsets = [10], sizes = [1], strides = [1]} : vector<16xi32> to vector<1xi32>
      %squeeze3A_216 = vector.extract %slice3A_215[0] : i32 from vector<1xi32>
      %add3A_217 = arith.constant 10 : i32
      %add3A_218 = arith.addi %multiple_of3A_97, %add3A_217 : i32
      %dma_start3A_219 = arith.constant 0 : i32
      %dma_start3A_220 = tpu.memref_slice %arg16[%add3A_218, %dma_start3A_219] : memref<256x64xf32, #tpu.memory_space<vmem>> -> memref<1x64xf32, #tpu.memory_space<vmem>>
      %dma_start3A_221 = arith.constant 0 : i32
      %dma_start3A_222 = tpu.memref_slice %arg5[%squeeze3A_216, %dma_start3A_221] : memref<1000000x64xf32, #tpu.memory_space<hbm>> -> memref<1x64xf32, #tpu.memory_space<hbm>>
      %dma_start3A_223 = arith.constant 0 : i32
      %dma_start3A_224 = tpu.memref_slice %arg16[%add3A_218, %dma_start3A_223] : memref<256x64xf32, #tpu.memory_space<vmem>> -> memref<1x64xf32, #tpu.memory_space<vmem>>
      %dma_start3A_225 = arith.constant 0 : i32
      %dma_start3A_226 = tpu.memref_slice %arg5[%squeeze3A_216, %dma_start3A_225] : memref<1000000x64xf32, #tpu.memory_space<hbm>> -> memref<1x64xf32, #tpu.memory_space<hbm>>
      tpu.enqueue_dma source(%dma_start3A_226 : memref<1x64xf32, #tpu.memory_space<hbm>>) target(%dma_start3A_224 : memref<1x64xf32, #tpu.memory_space<vmem>>) target_semaphore(%arg19 : memref<!tpu.dma_semaphore, #tpu.memory_space<semaphore_mem>>)
      %slice3A_227 = vector.extract_strided_slice %get3A_94 {offsets = [11], sizes = [1], strides = [1]} : vector<16xi32> to vector<1xi32>
      %squeeze3A_228 = vector.extract %slice3A_227[0] : i32 from vector<1xi32>
      %add3A_229 = arith.constant 11 : i32
      %add3A_230 = arith.addi %multiple_of3A_97, %add3A_229 : i32
      %dma_start3A_231 = arith.constant 0 : i32
      %dma_start3A_232 = tpu.memref_slice %arg16[%add3A_230, %dma_start3A_231] : memref<256x64xf32, #tpu.memory_space<vmem>> -> memref<1x64xf32, #tpu.memory_space<vmem>>
      %dma_start3A_233 = arith.constant 0 : i32
      %dma_start3A_234 = tpu.memref_slice %arg5[%squeeze3A_228, %dma_start3A_233] : memref<1000000x64xf32, #tpu.memory_space<hbm>> -> memref<1x64xf32, #tpu.memory_space<hbm>>
      %dma_start3A_235 = arith.constant 0 : i32
      %dma_start3A_236 = tpu.memref_slice %arg16[%add3A_230, %dma_start3A_235] : memref<256x64xf32, #tpu.memory_space<vmem>> -> memref<1x64xf32, #tpu.memory_space<vmem>>
      %dma_start3A_237 = arith.constant 0 : i32
      %dma_start3A_238 = tpu.memref_slice %arg5[%squeeze3A_228, %dma_start3A_237] : memref<1000000x64xf32, #tpu.memory_space<hbm>> -> memref<1x64xf32, #tpu.memory_space<hbm>>
      tpu.enqueue_dma source(%dma_start3A_238 : memref<1x64xf32, #tpu.memory_space<hbm>>) target(%dma_start3A_236 : memref<1x64xf32, #tpu.memory_space<vmem>>) target_semaphore(%arg19 : memref<!tpu.dma_semaphore, #tpu.memory_space<semaphore_mem>>)
      %slice3A_239 = vector.extract_strided_slice %get3A_94 {offsets = [12], sizes = [1], strides = [1]} : vector<16xi32> to vector<1xi32>
      %squeeze3A_240 = vector.extract %slice3A_239[0] : i32 from vector<1xi32>
      %add3A_241 = arith.constant 12 : i32
      %add3A_242 = arith.addi %multiple_of3A_97, %add3A_241 : i32
      %dma_start3A_243 = arith.constant 0 : i32
      %dma_start3A_244 = tpu.memref_slice %arg16[%add3A_242, %dma_start3A_243] : memref<256x64xf32, #tpu.memory_space<vmem>> -> memref<1x64xf32, #tpu.memory_space<vmem>>
      %dma_start3A_245 = arith.constant 0 : i32
      %dma_start3A_246 = tpu.memref_slice %arg5[%squeeze3A_240, %dma_start3A_245] : memref<1000000x64xf32, #tpu.memory_space<hbm>> -> memref<1x64xf32, #tpu.memory_space<hbm>>
      %dma_start3A_247 = arith.constant 0 : i32
      %dma_start3A_248 = tpu.memref_slice %arg16[%add3A_242, %dma_start3A_247] : memref<256x64xf32, #tpu.memory_space<vmem>> -> memref<1x64xf32, #tpu.memory_space<vmem>>
      %dma_start3A_249 = arith.constant 0 : i32
      %dma_start3A_250 = tpu.memref_slice %arg5[%squeeze3A_240, %dma_start3A_249] : memref<1000000x64xf32, #tpu.memory_space<hbm>> -> memref<1x64xf32, #tpu.memory_space<hbm>>
      tpu.enqueue_dma source(%dma_start3A_250 : memref<1x64xf32, #tpu.memory_space<hbm>>) target(%dma_start3A_248 : memref<1x64xf32, #tpu.memory_space<vmem>>) target_semaphore(%arg19 : memref<!tpu.dma_semaphore, #tpu.memory_space<semaphore_mem>>)
      %slice3A_251 = vector.extract_strided_slice %get3A_94 {offsets = [13], sizes = [1], strides = [1]} : vector<16xi32> to vector<1xi32>
      %squeeze3A_252 = vector.extract %slice3A_251[0] : i32 from vector<1xi32>
      %add3A_253 = arith.constant 13 : i32
      %add3A_254 = arith.addi %multiple_of3A_97, %add3A_253 : i32
      %dma_start3A_255 = arith.constant 0 : i32
      %dma_start3A_256 = tpu.memref_slice %arg16[%add3A_254, %dma_start3A_255] : memref<256x64xf32, #tpu.memory_space<vmem>> -> memref<1x64xf32, #tpu.memory_space<vmem>>
      %dma_start3A_257 = arith.constant 0 : i32
      %dma_start3A_258 = tpu.memref_slice %arg5[%squeeze3A_252, %dma_start3A_257] : memref<1000000x64xf32, #tpu.memory_space<hbm>> -> memref<1x64xf32, #tpu.memory_space<hbm>>
      %dma_start3A_259 = arith.constant 0 : i32
      %dma_start3A_260 = tpu.memref_slice %arg16[%add3A_254, %dma_start3A_259] : memref<256x64xf32, #tpu.memory_space<vmem>> -> memref<1x64xf32, #tpu.memory_space<vmem>>
      %dma_start3A_261 = arith.constant 0 : i32
      %dma_start3A_262 = tpu.memref_slice %arg5[%squeeze3A_252, %dma_start3A_261] : memref<1000000x64xf32, #tpu.memory_space<hbm>> -> memref<1x64xf32, #tpu.memory_space<hbm>>
      tpu.enqueue_dma source(%dma_start3A_262 : memref<1x64xf32, #tpu.memory_space<hbm>>) target(%dma_start3A_260 : memref<1x64xf32, #tpu.memory_space<vmem>>) target_semaphore(%arg19 : memref<!tpu.dma_semaphore, #tpu.memory_space<semaphore_mem>>)
      %slice3A_263 = vector.extract_strided_slice %get3A_94 {offsets = [14], sizes = [1], strides = [1]} : vector<16xi32> to vector<1xi32>
      %squeeze3A_264 = vector.extract %slice3A_263[0] : i32 from vector<1xi32>
      %add3A_265 = arith.constant 14 : i32
      %add3A_266 = arith.addi %multiple_of3A_97, %add3A_265 : i32
      %dma_start3A_267 = arith.constant 0 : i32
      %dma_start3A_268 = tpu.memref_slice %arg16[%add3A_266, %dma_start3A_267] : memref<256x64xf32, #tpu.memory_space<vmem>> -> memref<1x64xf32, #tpu.memory_space<vmem>>
      %dma_start3A_269 = arith.constant 0 : i32
      %dma_start3A_270 = tpu.memref_slice %arg5[%squeeze3A_264, %dma_start3A_269] : memref<1000000x64xf32, #tpu.memory_space<hbm>> -> memref<1x64xf32, #tpu.memory_space<hbm>>
      %dma_start3A_271 = arith.constant 0 : i32
      %dma_start3A_272 = tpu.memref_slice %arg16[%add3A_266, %dma_start3A_271] : memref<256x64xf32, #tpu.memory_space<vmem>> -> memref<1x64xf32, #tpu.memory_space<vmem>>
      %dma_start3A_273 = arith.constant 0 : i32
      %dma_start3A_274 = tpu.memref_slice %arg5[%squeeze3A_264, %dma_start3A_273] : memref<1000000x64xf32, #tpu.memory_space<hbm>> -> memref<1x64xf32, #tpu.memory_space<hbm>>
      tpu.enqueue_dma source(%dma_start3A_274 : memref<1x64xf32, #tpu.memory_space<hbm>>) target(%dma_start3A_272 : memref<1x64xf32, #tpu.memory_space<vmem>>) target_semaphore(%arg19 : memref<!tpu.dma_semaphore, #tpu.memory_space<semaphore_mem>>)
      %slice3A_275 = vector.extract_strided_slice %get3A_94 {offsets = [15], sizes = [1], strides = [1]} : vector<16xi32> to vector<1xi32>
      %squeeze3A_276 = vector.extract %slice3A_275[0] : i32 from vector<1xi32>
      %add3A_277 = arith.constant 15 : i32
      %add3A_278 = arith.addi %multiple_of3A_97, %add3A_277 : i32
      %dma_start3A_279 = arith.constant 0 : i32
      %dma_start3A_280 = tpu.memref_slice %arg16[%add3A_278, %dma_start3A_279] : memref<256x64xf32, #tpu.memory_space<vmem>> -> memref<1x64xf32, #tpu.memory_space<vmem>>
      %dma_start3A_281 = arith.constant 0 : i32
      %dma_start3A_282 = tpu.memref_slice %arg5[%squeeze3A_276, %dma_start3A_281] : memref<1000000x64xf32, #tpu.memory_space<hbm>> -> memref<1x64xf32, #tpu.memory_space<hbm>>
      %dma_start3A_283 = arith.constant 0 : i32
      %dma_start3A_284 = tpu.memref_slice %arg16[%add3A_278, %dma_start3A_283] : memref<256x64xf32, #tpu.memory_space<vmem>> -> memref<1x64xf32, #tpu.memory_space<vmem>>
      %dma_start3A_285 = arith.constant 0 : i32
      %dma_start3A_286 = tpu.memref_slice %arg5[%squeeze3A_276, %dma_start3A_285] : memref<1000000x64xf32, #tpu.memory_space<hbm>> -> memref<1x64xf32, #tpu.memory_space<hbm>>
      tpu.enqueue_dma source(%dma_start3A_286 : memref<1x64xf32, #tpu.memory_space<hbm>>) target(%dma_start3A_284 : memref<1x64xf32, #tpu.memory_space<vmem>>) target_semaphore(%arg19 : memref<!tpu.dma_semaphore, #tpu.memory_space<semaphore_mem>>)
    }
    %scan3A_7 = arith.constant 16 : i32
    %scan3A_8 = arith.constant 0 : i32
    %scan3A_9 = arith.constant 0 : i32
    %scan3A_10 = arith.constant 16 : i32
    %scan3A_11 = arith.addi %scan3A_9, %scan3A_10 : i32
    %scan3A_12 = arith.constant 1 : i32
    scf.for %scan3A_88 = %scan3A_9 to %scan3A_11 step %scan3A_12  : i32 {
      %mul3A_89 = arith.constant 16 : i32
      %mul3A_90 = arith.muli %scan3A_88, %mul3A_89 : i32
      %add3A_91 = arith.constant 0 : i32
      %add3A_92 = arith.addi %add3A_91, %mul3A_90 : i32
      %multiple_of3A = tpu.assume_multiple %add3A_92, 16 : i32
      %get3A_93 = arith.index_cast %multiple_of3A : i32 to index
      %get3A_94 = tpu.vector_load %arg12[%get3A_93] {strides = array<i32>} : memref<512xi32, #tpu.memory_space<vmem>>, vector<16xi32>,
      %mul3A_95 = arith.constant 16 : i32
      %mul3A_96 = arith.muli %scan3A_88, %mul3A_95 : i32
      %multiple_of3A_97 = tpu.assume_multiple %mul3A_96, 16 : i32
      %slice3A = vector.extract_strided_slice %get3A_94 {offsets = [0], sizes = [1], strides = [1]} : vector<16xi32> to vector<1xi32>
      %squeeze3A = vector.extract %slice3A[0] : i32 from vector<1xi32>
      %add3A_98 = arith.constant 0 : i32
      %add3A_99 = arith.addi %multiple_of3A_97, %add3A_98 : i32
      %dma_start3A = arith.constant 0 : i32
      %dma_start3A_100 = tpu.memref_slice %arg17[%add3A_99, %dma_start3A] : memref<256x64xf32, #tpu.memory_space<vmem>> -> memref<1x64xf32, #tpu.memory_space<vmem>>
      %dma_start3A_101 = arith.constant 0 : i32
      %dma_start3A_102 = tpu.memref_slice %arg7[%squeeze3A, %dma_start3A_101] : memref<1000x64xf32, #tpu.memory_space<hbm>> -> memref<1x64xf32, #tpu.memory_space<hbm>>
      %dma_start3A_103 = arith.constant 0 : i32
      %dma_start3A_104 = tpu.memref_slice %arg17[%add3A_99, %dma_start3A_103] : memref<256x64xf32, #tpu.memory_space<vmem>> -> memref<1x64xf32, #tpu.memory_space<vmem>>
      %dma_start3A_105 = arith.constant 0 : i32
      %dma_start3A_106 = tpu.memref_slice %arg7[%squeeze3A, %dma_start3A_105] : memref<1000x64xf32, #tpu.memory_space<hbm>> -> memref<1x64xf32, #tpu.memory_space<hbm>>
      tpu.enqueue_dma source(%dma_start3A_106 : memref<1x64xf32, #tpu.memory_space<hbm>>) target(%dma_start3A_104 : memref<1x64xf32, #tpu.memory_space<vmem>>) target_semaphore(%arg20 : memref<!tpu.dma_semaphore, #tpu.memory_space<semaphore_mem>>)
      %add3A_107 = arith.constant 0 : i32
      %add3A_108 = arith.addi %multiple_of3A_97, %add3A_107 : i32
      %dma_start3A_109 = arith.constant 0 : i32
      %dma_start3A_110 = tpu.memref_slice %arg18[%add3A_108, %dma_start3A_109] : memref<256x64xf32, #tpu.memory_space<vmem>> -> memref<1x64xf32, #tpu.memory_space<vmem>>
      %dma_start3A_111 = arith.constant 0 : i32
      %dma_start3A_112 = tpu.memref_slice %arg6[%squeeze3A, %dma_start3A_111] : memref<1000x64xf32, #tpu.memory_space<hbm>> -> memref<1x64xf32, #tpu.memory_space<hbm>>
      %dma_start3A_113 = arith.constant 0 : i32
      %dma_start3A_114 = tpu.memref_slice %arg18[%add3A_108, %dma_start3A_113] : memref<256x64xf32, #tpu.memory_space<vmem>> -> memref<1x64xf32, #tpu.memory_space<vmem>>
      %dma_start3A_115 = arith.constant 0 : i32
      %dma_start3A_116 = tpu.memref_slice %arg6[%squeeze3A, %dma_start3A_115] : memref<1000x64xf32, #tpu.memory_space<hbm>> -> memref<1x64xf32, #tpu.memory_space<hbm>>
      tpu.enqueue_dma source(%dma_start3A_116 : memref<1x64xf32, #tpu.memory_space<hbm>>) target(%dma_start3A_114 : memref<1x64xf32, #tpu.memory_space<vmem>>) target_semaphore(%arg20 : memref<!tpu.dma_semaphore, #tpu.memory_space<semaphore_mem>>)
      %slice3A_117 = vector.extract_strided_slice %get3A_94 {offsets = [1], sizes = [1], strides = [1]} : vector<16xi32> to vector<1xi32>
      %squeeze3A_118 = vector.extract %slice3A_117[0] : i32 from vector<1xi32>
      %add3A_119 = arith.constant 1 : i32
      %add3A_120 = arith.addi %multiple_of3A_97, %add3A_119 : i32
      %dma_start3A_121 = arith.constant 0 : i32
      %dma_start3A_122 = tpu.memref_slice %arg17[%add3A_120, %dma_start3A_121] : memref<256x64xf32, #tpu.memory_space<vmem>> -> memref<1x64xf32, #tpu.memory_space<vmem>>
      %dma_start3A_123 = arith.constant 0 : i32
      %dma_start3A_124 = tpu.memref_slice %arg7[%squeeze3A_118, %dma_start3A_123] : memref<1000x64xf32, #tpu.memory_space<hbm>> -> memref<1x64xf32, #tpu.memory_space<hbm>>
      %dma_start3A_125 = arith.constant 0 : i32
      %dma_start3A_126 = tpu.memref_slice %arg17[%add3A_120, %dma_start3A_125] : memref<256x64xf32, #tpu.memory_space<vmem>> -> memref<1x64xf32, #tpu.memory_space<vmem>>
      %dma_start3A_127 = arith.constant 0 : i32
      %dma_start3A_128 = tpu.memref_slice %arg7[%squeeze3A_118, %dma_start3A_127] : memref<1000x64xf32, #tpu.memory_space<hbm>> -> memref<1x64xf32, #tpu.memory_space<hbm>>
      tpu.enqueue_dma source(%dma_start3A_128 : memref<1x64xf32, #tpu.memory_space<hbm>>) target(%dma_start3A_126 : memref<1x64xf32, #tpu.memory_space<vmem>>) target_semaphore(%arg20 : memref<!tpu.dma_semaphore, #tpu.memory_space<semaphore_mem>>)
      %add3A_129 = arith.constant 1 : i32
      %add3A_130 = arith.addi %multiple_of3A_97, %add3A_129 : i32
      %dma_start3A_131 = arith.constant 0 : i32
      %dma_start3A_132 = tpu.memref_slice %arg18[%add3A_130, %dma_start3A_131] : memref<256x64xf32, #tpu.memory_space<vmem>> -> memref<1x64xf32, #tpu.memory_space<vmem>>
      %dma_start3A_133 = arith.constant 0 : i32
      %dma_start3A_134 = tpu.memref_slice %arg6[%squeeze3A_118, %dma_start3A_133] : memref<1000x64xf32, #tpu.memory_space<hbm>> -> memref<1x64xf32, #tpu.memory_space<hbm>>
      %dma_start3A_135 = arith.constant 0 : i32
      %dma_start3A_136 = tpu.memref_slice %arg18[%add3A_130, %dma_start3A_135] : memref<256x64xf32, #tpu.memory_space<vmem>> -> memref<1x64xf32, #tpu.memory_space<vmem>>
      %dma_start3A_137 = arith.constant 0 : i32
      %dma_start3A_138 = tpu.memref_slice %arg6[%squeeze3A_118, %dma_start3A_137] : memref<1000x64xf32, #tpu.memory_space<hbm>> -> memref<1x64xf32, #tpu.memory_space<hbm>>
      tpu.enqueue_dma source(%dma_start3A_138 : memref<1x64xf32, #tpu.memory_space<hbm>>) target(%dma_start3A_136 : memref<1x64xf32, #tpu.memory_space<vmem>>) target_semaphore(%arg20 : memref<!tpu.dma_semaphore, #tpu.memory_space<semaphore_mem>>)
      %slice3A_139 = vector.extract_strided_slice %get3A_94 {offsets = [2], sizes = [1], strides = [1]} : vector<16xi32> to vector<1xi32>
      %squeeze3A_140 = vector.extract %slice3A_139[0] : i32 from vector<1xi32>
      %add3A_141 = arith.constant 2 : i32
      %add3A_142 = arith.addi %multiple_of3A_97, %add3A_141 : i32
      %dma_start3A_143 = arith.constant 0 : i32
      %dma_start3A_144 = tpu.memref_slice %arg17[%add3A_142, %dma_start3A_143] : memref<256x64xf32, #tpu.memory_space<vmem>> -> memref<1x64xf32, #tpu.memory_space<vmem>>
      %dma_start3A_145 = arith.constant 0 : i32
      %dma_start3A_146 = tpu.memref_slice %arg7[%squeeze3A_140, %dma_start3A_145] : memref<1000x64xf32, #tpu.memory_space<hbm>> -> memref<1x64xf32, #tpu.memory_space<hbm>>
      %dma_start3A_147 = arith.constant 0 : i32
      %dma_start3A_148 = tpu.memref_slice %arg17[%add3A_142, %dma_start3A_147] : memref<256x64xf32, #tpu.memory_space<vmem>> -> memref<1x64xf32, #tpu.memory_space<vmem>>
      %dma_start3A_149 = arith.constant 0 : i32
      %dma_start3A_150 = tpu.memref_slice %arg7[%squeeze3A_140, %dma_start3A_149] : memref<1000x64xf32, #tpu.memory_space<hbm>> -> memref<1x64xf32, #tpu.memory_space<hbm>>
      tpu.enqueue_dma source(%dma_start3A_150 : memref<1x64xf32, #tpu.memory_space<hbm>>) target(%dma_start3A_148 : memref<1x64xf32, #tpu.memory_space<vmem>>) target_semaphore(%arg20 : memref<!tpu.dma_semaphore, #tpu.memory_space<semaphore_mem>>)
      %add3A_151 = arith.constant 2 : i32
      %add3A_152 = arith.addi %multiple_of3A_97, %add3A_151 : i32
      %dma_start3A_153 = arith.constant 0 : i32
      %dma_start3A_154 = tpu.memref_slice %arg18[%add3A_152, %dma_start3A_153] : memref<256x64xf32, #tpu.memory_space<vmem>> -> memref<1x64xf32, #tpu.memory_space<vmem>>
      %dma_start3A_155 = arith.constant 0 : i32
      %dma_start3A_156 = tpu.memref_slice %arg6[%squeeze3A_140, %dma_start3A_155] : memref<1000x64xf32, #tpu.memory_space<hbm>> -> memref<1x64xf32, #tpu.memory_space<hbm>>
      %dma_start3A_157 = arith.constant 0 : i32
      %dma_start3A_158 = tpu.memref_slice %arg18[%add3A_152, %dma_start3A_157] : memref<256x64xf32, #tpu.memory_space<vmem>> -> memref<1x64xf32, #tpu.memory_space<vmem>>
      %dma_start3A_159 = arith.constant 0 : i32
      %dma_start3A_160 = tpu.memref_slice %arg6[%squeeze3A_140, %dma_start3A_159] : memref<1000x64xf32, #tpu.memory_space<hbm>> -> memref<1x64xf32, #tpu.memory_space<hbm>>
      tpu.enqueue_dma source(%dma_start3A_160 : memref<1x64xf32, #tpu.memory_space<hbm>>) target(%dma_start3A_158 : memref<1x64xf32, #tpu.memory_space<vmem>>) target_semaphore(%arg20 : memref<!tpu.dma_semaphore, #tpu.memory_space<semaphore_mem>>)
      %slice3A_161 = vector.extract_strided_slice %get3A_94 {offsets = [3], sizes = [1], strides = [1]} : vector<16xi32> to vector<1xi32>
      %squeeze3A_162 = vector.extract %slice3A_161[0] : i32 from vector<1xi32>
      %add3A_163 = arith.constant 3 : i32
      %add3A_164 = arith.addi %multiple_of3A_97, %add3A_163 : i32
      %dma_start3A_165 = arith.constant 0 : i32
      %dma_start3A_166 = tpu.memref_slice %arg17[%add3A_164, %dma_start3A_165] : memref<256x64xf32, #tpu.memory_space<vmem>> -> memref<1x64xf32, #tpu.memory_space<vmem>>
      %dma_start3A_167 = arith.constant 0 : i32
      %dma_start3A_168 = tpu.memref_slice %arg7[%squeeze3A_162, %dma_start3A_167] : memref<1000x64xf32, #tpu.memory_space<hbm>> -> memref<1x64xf32, #tpu.memory_space<hbm>>
      %dma_start3A_169 = arith.constant 0 : i32
      %dma_start3A_170 = tpu.memref_slice %arg17[%add3A_164, %dma_start3A_169] : memref<256x64xf32, #tpu.memory_space<vmem>> -> memref<1x64xf32, #tpu.memory_space<vmem>>
      %dma_start3A_171 = arith.constant 0 : i32
      %dma_start3A_172 = tpu.memref_slice %arg7[%squeeze3A_162, %dma_start3A_171] : memref<1000x64xf32, #tpu.memory_space<hbm>> -> memref<1x64xf32, #tpu.memory_space<hbm>>
      tpu.enqueue_dma source(%dma_start3A_172 : memref<1x64xf32, #tpu.memory_space<hbm>>) target(%dma_start3A_170 : memref<1x64xf32, #tpu.memory_space<vmem>>) target_semaphore(%arg20 : memref<!tpu.dma_semaphore, #tpu.memory_space<semaphore_mem>>)
      %add3A_173 = arith.constant 3 : i32
      %add3A_174 = arith.addi %multiple_of3A_97, %add3A_173 : i32
      %dma_start3A_175 = arith.constant 0 : i32
      %dma_start3A_176 = tpu.memref_slice %arg18[%add3A_174, %dma_start3A_175] : memref<256x64xf32, #tpu.memory_space<vmem>> -> memref<1x64xf32, #tpu.memory_space<vmem>>
      %dma_start3A_177 = arith.constant 0 : i32
      %dma_start3A_178 = tpu.memref_slice %arg6[%squeeze3A_162, %dma_start3A_177] : memref<1000x64xf32, #tpu.memory_space<hbm>> -> memref<1x64xf32, #tpu.memory_space<hbm>>
      %dma_start3A_179 = arith.constant 0 : i32
      %dma_start3A_180 = tpu.memref_slice %arg18[%add3A_174, %dma_start3A_179] : memref<256x64xf32, #tpu.memory_space<vmem>> -> memref<1x64xf32, #tpu.memory_space<vmem>>
      %dma_start3A_181 = arith.constant 0 : i32
      %dma_start3A_182 = tpu.memref_slice %arg6[%squeeze3A_162, %dma_start3A_181] : memref<1000x64xf32, #tpu.memory_space<hbm>> -> memref<1x64xf32, #tpu.memory_space<hbm>>
      tpu.enqueue_dma source(%dma_start3A_182 : memref<1x64xf32, #tpu.memory_space<hbm>>) target(%dma_start3A_180 : memref<1x64xf32, #tpu.memory_space<vmem>>) target_semaphore(%arg20 : memref<!tpu.dma_semaphore, #tpu.memory_space<semaphore_mem>>)
      %slice3A_183 = vector.extract_strided_slice %get3A_94 {offsets = [4], sizes = [1], strides = [1]} : vector<16xi32> to vector<1xi32>
      %squeeze3A_184 = vector.extract %slice3A_183[0] : i32 from vector<1xi32>
      %add3A_185 = arith.constant 4 : i32
      %add3A_186 = arith.addi %multiple_of3A_97, %add3A_185 : i32
      %dma_start3A_187 = arith.constant 0 : i32
      %dma_start3A_188 = tpu.memref_slice %arg17[%add3A_186, %dma_start3A_187] : memref<256x64xf32, #tpu.memory_space<vmem>> -> memref<1x64xf32, #tpu.memory_space<vmem>>
      %dma_start3A_189 = arith.constant 0 : i32
      %dma_start3A_190 = tpu.memref_slice %arg7[%squeeze3A_184, %dma_start3A_189] : memref<1000x64xf32, #tpu.memory_space<hbm>> -> memref<1x64xf32, #tpu.memory_space<hbm>>
      %dma_start3A_191 = arith.constant 0 : i32
      %dma_start3A_192 = tpu.memref_slice %arg17[%add3A_186, %dma_start3A_191] : memref<256x64xf32, #tpu.memory_space<vmem>> -> memref<1x64xf32, #tpu.memory_space<vmem>>
      %dma_start3A_193 = arith.constant 0 : i32
      %dma_start3A_194 = tpu.memref_slice %arg7[%squeeze3A_184, %dma_start3A_193] : memref<1000x64xf32, #tpu.memory_space<hbm>> -> memref<1x64xf32, #tpu.memory_space<hbm>>
      tpu.enqueue_dma source(%dma_start3A_194 : memref<1x64xf32, #tpu.memory_space<hbm>>) target(%dma_start3A_192 : memref<1x64xf32, #tpu.memory_space<vmem>>) target_semaphore(%arg20 : memref<!tpu.dma_semaphore, #tpu.memory_space<semaphore_mem>>)
      %add3A_195 = arith.constant 4 : i32
      %add3A_196 = arith.addi %multiple_of3A_97, %add3A_195 : i32
      %dma_start3A_197 = arith.constant 0 : i32
      %dma_start3A_198 = tpu.memref_slice %arg18[%add3A_196, %dma_start3A_197] : memref<256x64xf32, #tpu.memory_space<vmem>> -> memref<1x64xf32, #tpu.memory_space<vmem>>
      %dma_start3A_199 = arith.constant 0 : i32
      %dma_start3A_200 = tpu.memref_slice %arg6[%squeeze3A_184, %dma_start3A_199] : memref<1000x64xf32, #tpu.memory_space<hbm>> -> memref<1x64xf32, #tpu.memory_space<hbm>>
      %dma_start3A_201 = arith.constant 0 : i32
      %dma_start3A_202 = tpu.memref_slice %arg18[%add3A_196, %dma_start3A_201] : memref<256x64xf32, #tpu.memory_space<vmem>> -> memref<1x64xf32, #tpu.memory_space<vmem>>
      %dma_start3A_203 = arith.constant 0 : i32
      %dma_start3A_204 = tpu.memref_slice %arg6[%squeeze3A_184, %dma_start3A_203] : memref<1000x64xf32, #tpu.memory_space<hbm>> -> memref<1x64xf32, #tpu.memory_space<hbm>>
      tpu.enqueue_dma source(%dma_start3A_204 : memref<1x64xf32, #tpu.memory_space<hbm>>) target(%dma_start3A_202 : memref<1x64xf32, #tpu.memory_space<vmem>>) target_semaphore(%arg20 : memref<!tpu.dma_semaphore, #tpu.memory_space<semaphore_mem>>)
      %slice3A_205 = vector.extract_strided_slice %get3A_94 {offsets = [5], sizes = [1], strides = [1]} : vector<16xi32> to vector<1xi32>
      %squeeze3A_206 = vector.extract %slice3A_205[0] : i32 from vector<1xi32>
      %add3A_207 = arith.constant 5 : i32
      %add3A_208 = arith.addi %multiple_of3A_97, %add3A_207 : i32
      %dma_start3A_209 = arith.constant 0 : i32
      %dma_start3A_210 = tpu.memref_slice %arg17[%add3A_208, %dma_start3A_209] : memref<256x64xf32, #tpu.memory_space<vmem>> -> memref<1x64xf32, #tpu.memory_space<vmem>>
      %dma_start3A_211 = arith.constant 0 : i32
      %dma_start3A_212 = tpu.memref_slice %arg7[%squeeze3A_206, %dma_start3A_211] : memref<1000x64xf32, #tpu.memory_space<hbm>> -> memref<1x64xf32, #tpu.memory_space<hbm>>
      %dma_start3A_213 = arith.constant 0 : i32
      %dma_start3A_214 = tpu.memref_slice %arg17[%add3A_208, %dma_start3A_213] : memref<256x64xf32, #tpu.memory_space<vmem>> -> memref<1x64xf32, #tpu.memory_space<vmem>>
      %dma_start3A_215 = arith.constant 0 : i32
      %dma_start3A_216 = tpu.memref_slice %arg7[%squeeze3A_206, %dma_start3A_215] : memref<1000x64xf32, #tpu.memory_space<hbm>> -> memref<1x64xf32, #tpu.memory_space<hbm>>
      tpu.enqueue_dma source(%dma_start3A_216 : memref<1x64xf32, #tpu.memory_space<hbm>>) target(%dma_start3A_214 : memref<1x64xf32, #tpu.memory_space<vmem>>) target_semaphore(%arg20 : memref<!tpu.dma_semaphore, #tpu.memory_space<semaphore_mem>>)
      %add3A_217 = arith.constant 5 : i32
      %add3A_218 = arith.addi %multiple_of3A_97, %add3A_217 : i32
      %dma_start3A_219 = arith.constant 0 : i32
      %dma_start3A_220 = tpu.memref_slice %arg18[%add3A_218, %dma_start3A_219] : memref<256x64xf32, #tpu.memory_space<vmem>> -> memref<1x64xf32, #tpu.memory_space<vmem>>
      %dma_start3A_221 = arith.constant 0 : i32
      %dma_start3A_222 = tpu.memref_slice %arg6[%squeeze3A_206, %dma_start3A_221] : memref<1000x64xf32, #tpu.memory_space<hbm>> -> memref<1x64xf32, #tpu.memory_space<hbm>>
      %dma_start3A_223 = arith.constant 0 : i32
      %dma_start3A_224 = tpu.memref_slice %arg18[%add3A_218, %dma_start3A_223] : memref<256x64xf32, #tpu.memory_space<vmem>> -> memref<1x64xf32, #tpu.memory_space<vmem>>
      %dma_start3A_225 = arith.constant 0 : i32
      %dma_start3A_226 = tpu.memref_slice %arg6[%squeeze3A_206, %dma_start3A_225] : memref<1000x64xf32, #tpu.memory_space<hbm>> -> memref<1x64xf32, #tpu.memory_space<hbm>>
      tpu.enqueue_dma source(%dma_start3A_226 : memref<1x64xf32, #tpu.memory_space<hbm>>) target(%dma_start3A_224 : memref<1x64xf32, #tpu.memory_space<vmem>>) target_semaphore(%arg20 : memref<!tpu.dma_semaphore, #tpu.memory_space<semaphore_mem>>)
      %slice3A_227 = vector.extract_strided_slice %get3A_94 {offsets = [6], sizes = [1], strides = [1]} : vector<16xi32> to vector<1xi32>
      %squeeze3A_228 = vector.extract %slice3A_227[0] : i32 from vector<1xi32>
      %add3A_229 = arith.constant 6 : i32
      %add3A_230 = arith.addi %multiple_of3A_97, %add3A_229 : i32
      %dma_start3A_231 = arith.constant 0 : i32
      %dma_start3A_232 = tpu.memref_slice %arg17[%add3A_230, %dma_start3A_231] : memref<256x64xf32, #tpu.memory_space<vmem>> -> memref<1x64xf32, #tpu.memory_space<vmem>>
      %dma_start3A_233 = arith.constant 0 : i32
      %dma_start3A_234 = tpu.memref_slice %arg7[%squeeze3A_228, %dma_start3A_233] : memref<1000x64xf32, #tpu.memory_space<hbm>> -> memref<1x64xf32, #tpu.memory_space<hbm>>
      %dma_start3A_235 = arith.constant 0 : i32
      %dma_start3A_236 = tpu.memref_slice %arg17[%add3A_230, %dma_start3A_235] : memref<256x64xf32, #tpu.memory_space<vmem>> -> memref<1x64xf32, #tpu.memory_space<vmem>>
      %dma_start3A_237 = arith.constant 0 : i32
      %dma_start3A_238 = tpu.memref_slice %arg7[%squeeze3A_228, %dma_start3A_237] : memref<1000x64xf32, #tpu.memory_space<hbm>> -> memref<1x64xf32, #tpu.memory_space<hbm>>
      tpu.enqueue_dma source(%dma_start3A_238 : memref<1x64xf32, #tpu.memory_space<hbm>>) target(%dma_start3A_236 : memref<1x64xf32, #tpu.memory_space<vmem>>) target_semaphore(%arg20 : memref<!tpu.dma_semaphore, #tpu.memory_space<semaphore_mem>>)
      %add3A_239 = arith.constant 6 : i32
      %add3A_240 = arith.addi %multiple_of3A_97, %add3A_239 : i32
      %dma_start3A_241 = arith.constant 0 : i32
      %dma_start3A_242 = tpu.memref_slice %arg18[%add3A_240, %dma_start3A_241] : memref<256x64xf32, #tpu.memory_space<vmem>> -> memref<1x64xf32, #tpu.memory_space<vmem>>
      %dma_start3A_243 = arith.constant 0 : i32
      %dma_start3A_244 = tpu.memref_slice %arg6[%squeeze3A_228, %dma_start3A_243] : memref<1000x64xf32, #tpu.memory_space<hbm>> -> memref<1x64xf32, #tpu.memory_space<hbm>>
      %dma_start3A_245 = arith.constant 0 : i32
      %dma_start3A_246 = tpu.memref_slice %arg18[%add3A_240, %dma_start3A_245] : memref<256x64xf32, #tpu.memory_space<vmem>> -> memref<1x64xf32, #tpu.memory_space<vmem>>
      %dma_start3A_247 = arith.constant 0 : i32
      %dma_start3A_248 = tpu.memref_slice %arg6[%squeeze3A_228, %dma_start3A_247] : memref<1000x64xf32, #tpu.memory_space<hbm>> -> memref<1x64xf32, #tpu.memory_space<hbm>>
      tpu.enqueue_dma source(%dma_start3A_248 : memref<1x64xf32, #tpu.memory_space<hbm>>) target(%dma_start3A_246 : memref<1x64xf32, #tpu.memory_space<vmem>>) target_semaphore(%arg20 : memref<!tpu.dma_semaphore, #tpu.memory_space<semaphore_mem>>)
      %slice3A_249 = vector.extract_strided_slice %get3A_94 {offsets = [7], sizes = [1], strides = [1]} : vector<16xi32> to vector<1xi32>
      %squeeze3A_250 = vector.extract %slice3A_249[0] : i32 from vector<1xi32>
      %add3A_251 = arith.constant 7 : i32
      %add3A_252 = arith.addi %multiple_of3A_97, %add3A_251 : i32
      %dma_start3A_253 = arith.constant 0 : i32
      %dma_start3A_254 = tpu.memref_slice %arg17[%add3A_252, %dma_start3A_253] : memref<256x64xf32, #tpu.memory_space<vmem>> -> memref<1x64xf32, #tpu.memory_space<vmem>>
      %dma_start3A_255 = arith.constant 0 : i32
      %dma_start3A_256 = tpu.memref_slice %arg7[%squeeze3A_250, %dma_start3A_255] : memref<1000x64xf32, #tpu.memory_space<hbm>> -> memref<1x64xf32, #tpu.memory_space<hbm>>
      %dma_start3A_257 = arith.constant 0 : i32
      %dma_start3A_258 = tpu.memref_slice %arg17[%add3A_252, %dma_start3A_257] : memref<256x64xf32, #tpu.memory_space<vmem>> -> memref<1x64xf32, #tpu.memory_space<vmem>>
      %dma_start3A_259 = arith.constant 0 : i32
      %dma_start3A_260 = tpu.memref_slice %arg7[%squeeze3A_250, %dma_start3A_259] : memref<1000x64xf32, #tpu.memory_space<hbm>> -> memref<1x64xf32, #tpu.memory_space<hbm>>
      tpu.enqueue_dma source(%dma_start3A_260 : memref<1x64xf32, #tpu.memory_space<hbm>>) target(%dma_start3A_258 : memref<1x64xf32, #tpu.memory_space<vmem>>) target_semaphore(%arg20 : memref<!tpu.dma_semaphore, #tpu.memory_space<semaphore_mem>>)
      %add3A_261 = arith.constant 7 : i32
      %add3A_262 = arith.addi %multiple_of3A_97, %add3A_261 : i32
      %dma_start3A_263 = arith.constant 0 : i32
      %dma_start3A_264 = tpu.memref_slice %arg18[%add3A_262, %dma_start3A_263] : memref<256x64xf32, #tpu.memory_space<vmem>> -> memref<1x64xf32, #tpu.memory_space<vmem>>
      %dma_start3A_265 = arith.constant 0 : i32
      %dma_start3A_266 = tpu.memref_slice %arg6[%squeeze3A_250, %dma_start3A_265] : memref<1000x64xf32, #tpu.memory_space<hbm>> -> memref<1x64xf32, #tpu.memory_space<hbm>>
      %dma_start3A_267 = arith.constant 0 : i32
      %dma_start3A_268 = tpu.memref_slice %arg18[%add3A_262, %dma_start3A_267] : memref<256x64xf32, #tpu.memory_space<vmem>> -> memref<1x64xf32, #tpu.memory_space<vmem>>
      %dma_start3A_269 = arith.constant 0 : i32
      %dma_start3A_270 = tpu.memref_slice %arg6[%squeeze3A_250, %dma_start3A_269] : memref<1000x64xf32, #tpu.memory_space<hbm>> -> memref<1x64xf32, #tpu.memory_space<hbm>>
      tpu.enqueue_dma source(%dma_start3A_270 : memref<1x64xf32, #tpu.memory_space<hbm>>) target(%dma_start3A_268 : memref<1x64xf32, #tpu.memory_space<vmem>>) target_semaphore(%arg20 : memref<!tpu.dma_semaphore, #tpu.memory_space<semaphore_mem>>)
      %slice3A_271 = vector.extract_strided_slice %get3A_94 {offsets = [8], sizes = [1], strides = [1]} : vector<16xi32> to vector<1xi32>
      %squeeze3A_272 = vector.extract %slice3A_271[0] : i32 from vector<1xi32>
      %add3A_273 = arith.constant 8 : i32
      %add3A_274 = arith.addi %multiple_of3A_97, %add3A_273 : i32
      %dma_start3A_275 = arith.constant 0 : i32
      %dma_start3A_276 = tpu.memref_slice %arg17[%add3A_274, %dma_start3A_275] : memref<256x64xf32, #tpu.memory_space<vmem>> -> memref<1x64xf32, #tpu.memory_space<vmem>>
      %dma_start3A_277 = arith.constant 0 : i32
      %dma_start3A_278 = tpu.memref_slice %arg7[%squeeze3A_272, %dma_start3A_277] : memref<1000x64xf32, #tpu.memory_space<hbm>> -> memref<1x64xf32, #tpu.memory_space<hbm>>
      %dma_start3A_279 = arith.constant 0 : i32
      %dma_start3A_280 = tpu.memref_slice %arg17[%add3A_274, %dma_start3A_279] : memref<256x64xf32, #tpu.memory_space<vmem>> -> memref<1x64xf32, #tpu.memory_space<vmem>>
      %dma_start3A_281 = arith.constant 0 : i32
      %dma_start3A_282 = tpu.memref_slice %arg7[%squeeze3A_272, %dma_start3A_281] : memref<1000x64xf32, #tpu.memory_space<hbm>> -> memref<1x64xf32, #tpu.memory_space<hbm>>
      tpu.enqueue_dma source(%dma_start3A_282 : memref<1x64xf32, #tpu.memory_space<hbm>>) target(%dma_start3A_280 : memref<1x64xf32, #tpu.memory_space<vmem>>) target_semaphore(%arg20 : memref<!tpu.dma_semaphore, #tpu.memory_space<semaphore_mem>>)
      %add3A_283 = arith.constant 8 : i32
      %add3A_284 = arith.addi %multiple_of3A_97, %add3A_283 : i32
      %dma_start3A_285 = arith.constant 0 : i32
      %dma_start3A_286 = tpu.memref_slice %arg18[%add3A_284, %dma_start3A_285] : memref<256x64xf32, #tpu.memory_space<vmem>> -> memref<1x64xf32, #tpu.memory_space<vmem>>
      %dma_start3A_287 = arith.constant 0 : i32
      %dma_start3A_288 = tpu.memref_slice %arg6[%squeeze3A_272, %dma_start3A_287] : memref<1000x64xf32, #tpu.memory_space<hbm>> -> memref<1x64xf32, #tpu.memory_space<hbm>>
      %dma_start3A_289 = arith.constant 0 : i32
      %dma_start3A_290 = tpu.memref_slice %arg18[%add3A_284, %dma_start3A_289] : memref<256x64xf32, #tpu.memory_space<vmem>> -> memref<1x64xf32, #tpu.memory_space<vmem>>
      %dma_start3A_291 = arith.constant 0 : i32
      %dma_start3A_292 = tpu.memref_slice %arg6[%squeeze3A_272, %dma_start3A_291] : memref<1000x64xf32, #tpu.memory_space<hbm>> -> memref<1x64xf32, #tpu.memory_space<hbm>>
      tpu.enqueue_dma source(%dma_start3A_292 : memref<1x64xf32, #tpu.memory_space<hbm>>) target(%dma_start3A_290 : memref<1x64xf32, #tpu.memory_space<vmem>>) target_semaphore(%arg20 : memref<!tpu.dma_semaphore, #tpu.memory_space<semaphore_mem>>)
      %slice3A_293 = vector.extract_strided_slice %get3A_94 {offsets = [9], sizes = [1], strides = [1]} : vector<16xi32> to vector<1xi32>
      %squeeze3A_294 = vector.extract %slice3A_293[0] : i32 from vector<1xi32>
      %add3A_295 = arith.constant 9 : i32
      %add3A_296 = arith.addi %multiple_of3A_97, %add3A_295 : i32
      %dma_start3A_297 = arith.constant 0 : i32
      %dma_start3A_298 = tpu.memref_slice %arg17[%add3A_296, %dma_start3A_297] : memref<256x64xf32, #tpu.memory_space<vmem>> -> memref<1x64xf32, #tpu.memory_space<vmem>>
      %dma_start3A_299 = arith.constant 0 : i32
      %dma_start3A_300 = tpu.memref_slice %arg7[%squeeze3A_294, %dma_start3A_299] : memref<1000x64xf32, #tpu.memory_space<hbm>> -> memref<1x64xf32, #tpu.memory_space<hbm>>
      %dma_start3A_301 = arith.constant 0 : i32
      %dma_start3A_302 = tpu.memref_slice %arg17[%add3A_296, %dma_start3A_301] : memref<256x64xf32, #tpu.memory_space<vmem>> -> memref<1x64xf32, #tpu.memory_space<vmem>>
      %dma_start3A_303 = arith.constant 0 : i32
      %dma_start3A_304 = tpu.memref_slice %arg7[%squeeze3A_294, %dma_start3A_303] : memref<1000x64xf32, #tpu.memory_space<hbm>> -> memref<1x64xf32, #tpu.memory_space<hbm>>
      tpu.enqueue_dma source(%dma_start3A_304 : memref<1x64xf32, #tpu.memory_space<hbm>>) target(%dma_start3A_302 : memref<1x64xf32, #tpu.memory_space<vmem>>) target_semaphore(%arg20 : memref<!tpu.dma_semaphore, #tpu.memory_space<semaphore_mem>>)
      %add3A_305 = arith.constant 9 : i32
      %add3A_306 = arith.addi %multiple_of3A_97, %add3A_305 : i32
      %dma_start3A_307 = arith.constant 0 : i32
      %dma_start3A_308 = tpu.memref_slice %arg18[%add3A_306, %dma_start3A_307] : memref<256x64xf32, #tpu.memory_space<vmem>> -> memref<1x64xf32, #tpu.memory_space<vmem>>
      %dma_start3A_309 = arith.constant 0 : i32
      %dma_start3A_310 = tpu.memref_slice %arg6[%squeeze3A_294, %dma_start3A_309] : memref<1000x64xf32, #tpu.memory_space<hbm>> -> memref<1x64xf32, #tpu.memory_space<hbm>>
      %dma_start3A_311 = arith.constant 0 : i32
      %dma_start3A_312 = tpu.memref_slice %arg18[%add3A_306, %dma_start3A_311] : memref<256x64xf32, #tpu.memory_space<vmem>> -> memref<1x64xf32, #tpu.memory_space<vmem>>
      %dma_start3A_313 = arith.constant 0 : i32
      %dma_start3A_314 = tpu.memref_slice %arg6[%squeeze3A_294, %dma_start3A_313] : memref<1000x64xf32, #tpu.memory_space<hbm>> -> memref<1x64xf32, #tpu.memory_space<hbm>>
      tpu.enqueue_dma source(%dma_start3A_314 : memref<1x64xf32, #tpu.memory_space<hbm>>) target(%dma_start3A_312 : memref<1x64xf32, #tpu.memory_space<vmem>>) target_semaphore(%arg20 : memref<!tpu.dma_semaphore, #tpu.memory_space<semaphore_mem>>)
      %slice3A_315 = vector.extract_strided_slice %get3A_94 {offsets = [10], sizes = [1], strides = [1]} : vector<16xi32> to vector<1xi32>
      %squeeze3A_316 = vector.extract %slice3A_315[0] : i32 from vector<1xi32>
      %add3A_317 = arith.constant 10 : i32
      %add3A_318 = arith.addi %multiple_of3A_97, %add3A_317 : i32
      %dma_start3A_319 = arith.constant 0 : i32
      %dma_start3A_320 = tpu.memref_slice %arg17[%add3A_318, %dma_start3A_319] : memref<256x64xf32, #tpu.memory_space<vmem>> -> memref<1x64xf32, #tpu.memory_space<vmem>>
      %dma_start3A_321 = arith.constant 0 : i32
      %dma_start3A_322 = tpu.memref_slice %arg7[%squeeze3A_316, %dma_start3A_321] : memref<1000x64xf32, #tpu.memory_space<hbm>> -> memref<1x64xf32, #tpu.memory_space<hbm>>
      %dma_start3A_323 = arith.constant 0 : i32
      %dma_start3A_324 = tpu.memref_slice %arg17[%add3A_318, %dma_start3A_323] : memref<256x64xf32, #tpu.memory_space<vmem>> -> memref<1x64xf32, #tpu.memory_space<vmem>>
      %dma_start3A_325 = arith.constant 0 : i32
      %dma_start3A_326 = tpu.memref_slice %arg7[%squeeze3A_316, %dma_start3A_325] : memref<1000x64xf32, #tpu.memory_space<hbm>> -> memref<1x64xf32, #tpu.memory_space<hbm>>
      tpu.enqueue_dma source(%dma_start3A_326 : memref<1x64xf32, #tpu.memory_space<hbm>>) target(%dma_start3A_324 : memref<1x64xf32, #tpu.memory_space<vmem>>) target_semaphore(%arg20 : memref<!tpu.dma_semaphore, #tpu.memory_space<semaphore_mem>>)
      %add3A_327 = arith.constant 10 : i32
      %add3A_328 = arith.addi %multiple_of3A_97, %add3A_327 : i32
      %dma_start3A_329 = arith.constant 0 : i32
      %dma_start3A_330 = tpu.memref_slice %arg18[%add3A_328, %dma_start3A_329] : memref<256x64xf32, #tpu.memory_space<vmem>> -> memref<1x64xf32, #tpu.memory_space<vmem>>
      %dma_start3A_331 = arith.constant 0 : i32
      %dma_start3A_332 = tpu.memref_slice %arg6[%squeeze3A_316, %dma_start3A_331] : memref<1000x64xf32, #tpu.memory_space<hbm>> -> memref<1x64xf32, #tpu.memory_space<hbm>>
      %dma_start3A_333 = arith.constant 0 : i32
      %dma_start3A_334 = tpu.memref_slice %arg18[%add3A_328, %dma_start3A_333] : memref<256x64xf32, #tpu.memory_space<vmem>> -> memref<1x64xf32, #tpu.memory_space<vmem>>
      %dma_start3A_335 = arith.constant 0 : i32
      %dma_start3A_336 = tpu.memref_slice %arg6[%squeeze3A_316, %dma_start3A_335] : memref<1000x64xf32, #tpu.memory_space<hbm>> -> memref<1x64xf32, #tpu.memory_space<hbm>>
      tpu.enqueue_dma source(%dma_start3A_336 : memref<1x64xf32, #tpu.memory_space<hbm>>) target(%dma_start3A_334 : memref<1x64xf32, #tpu.memory_space<vmem>>) target_semaphore(%arg20 : memref<!tpu.dma_semaphore, #tpu.memory_space<semaphore_mem>>)
      %slice3A_337 = vector.extract_strided_slice %get3A_94 {offsets = [11], sizes = [1], strides = [1]} : vector<16xi32> to vector<1xi32>
      %squeeze3A_338 = vector.extract %slice3A_337[0] : i32 from vector<1xi32>
      %add3A_339 = arith.constant 11 : i32
      %add3A_340 = arith.addi %multiple_of3A_97, %add3A_339 : i32
      %dma_start3A_341 = arith.constant 0 : i32
      %dma_start3A_342 = tpu.memref_slice %arg17[%add3A_340, %dma_start3A_341] : memref<256x64xf32, #tpu.memory_space<vmem>> -> memref<1x64xf32, #tpu.memory_space<vmem>>
      %dma_start3A_343 = arith.constant 0 : i32
      %dma_start3A_344 = tpu.memref_slice %arg7[%squeeze3A_338, %dma_start3A_343] : memref<1000x64xf32, #tpu.memory_space<hbm>> -> memref<1x64xf32, #tpu.memory_space<hbm>>
      %dma_start3A_345 = arith.constant 0 : i32
      %dma_start3A_346 = tpu.memref_slice %arg17[%add3A_340, %dma_start3A_345] : memref<256x64xf32, #tpu.memory_space<vmem>> -> memref<1x64xf32, #tpu.memory_space<vmem>>
      %dma_start3A_347 = arith.constant 0 : i32
      %dma_start3A_348 = tpu.memref_slice %arg7[%squeeze3A_338, %dma_start3A_347] : memref<1000x64xf32, #tpu.memory_space<hbm>> -> memref<1x64xf32, #tpu.memory_space<hbm>>
      tpu.enqueue_dma source(%dma_start3A_348 : memref<1x64xf32, #tpu.memory_space<hbm>>) target(%dma_start3A_346 : memref<1x64xf32, #tpu.memory_space<vmem>>) target_semaphore(%arg20 : memref<!tpu.dma_semaphore, #tpu.memory_space<semaphore_mem>>)
      %add3A_349 = arith.constant 11 : i32
      %add3A_350 = arith.addi %multiple_of3A_97, %add3A_349 : i32
      %dma_start3A_351 = arith.constant 0 : i32
      %dma_start3A_352 = tpu.memref_slice %arg18[%add3A_350, %dma_start3A_351] : memref<256x64xf32, #tpu.memory_space<vmem>> -> memref<1x64xf32, #tpu.memory_space<vmem>>
      %dma_start3A_353 = arith.constant 0 : i32
      %dma_start3A_354 = tpu.memref_slice %arg6[%squeeze3A_338, %dma_start3A_353] : memref<1000x64xf32, #tpu.memory_space<hbm>> -> memref<1x64xf32, #tpu.memory_space<hbm>>
      %dma_start3A_355 = arith.constant 0 : i32
      %dma_start3A_356 = tpu.memref_slice %arg18[%add3A_350, %dma_start3A_355] : memref<256x64xf32, #tpu.memory_space<vmem>> -> memref<1x64xf32, #tpu.memory_space<vmem>>
      %dma_start3A_357 = arith.constant 0 : i32
      %dma_start3A_358 = tpu.memref_slice %arg6[%squeeze3A_338, %dma_start3A_357] : memref<1000x64xf32, #tpu.memory_space<hbm>> -> memref<1x64xf32, #tpu.memory_space<hbm>>
      tpu.enqueue_dma source(%dma_start3A_358 : memref<1x64xf32, #tpu.memory_space<hbm>>) target(%dma_start3A_356 : memref<1x64xf32, #tpu.memory_space<vmem>>) target_semaphore(%arg20 : memref<!tpu.dma_semaphore, #tpu.memory_space<semaphore_mem>>)
      %slice3A_359 = vector.extract_strided_slice %get3A_94 {offsets = [12], sizes = [1], strides = [1]} : vector<16xi32> to vector<1xi32>
      %squeeze3A_360 = vector.extract %slice3A_359[0] : i32 from vector<1xi32>
      %add3A_361 = arith.constant 12 : i32
      %add3A_362 = arith.addi %multiple_of3A_97, %add3A_361 : i32
      %dma_start3A_363 = arith.constant 0 : i32
      %dma_start3A_364 = tpu.memref_slice %arg17[%add3A_362, %dma_start3A_363] : memref<256x64xf32, #tpu.memory_space<vmem>> -> memref<1x64xf32, #tpu.memory_space<vmem>>
      %dma_start3A_365 = arith.constant 0 : i32
      %dma_start3A_366 = tpu.memref_slice %arg7[%squeeze3A_360, %dma_start3A_365] : memref<1000x64xf32, #tpu.memory_space<hbm>> -> memref<1x64xf32, #tpu.memory_space<hbm>>
      %dma_start3A_367 = arith.constant 0 : i32
      %dma_start3A_368 = tpu.memref_slice %arg17[%add3A_362, %dma_start3A_367] : memref<256x64xf32, #tpu.memory_space<vmem>> -> memref<1x64xf32, #tpu.memory_space<vmem>>
      %dma_start3A_369 = arith.constant 0 : i32
      %dma_start3A_370 = tpu.memref_slice %arg7[%squeeze3A_360, %dma_start3A_369] : memref<1000x64xf32, #tpu.memory_space<hbm>> -> memref<1x64xf32, #tpu.memory_space<hbm>>
      tpu.enqueue_dma source(%dma_start3A_370 : memref<1x64xf32, #tpu.memory_space<hbm>>) target(%dma_start3A_368 : memref<1x64xf32, #tpu.memory_space<vmem>>) target_semaphore(%arg20 : memref<!tpu.dma_semaphore, #tpu.memory_space<semaphore_mem>>)
      %add3A_371 = arith.constant 12 : i32
      %add3A_372 = arith.addi %multiple_of3A_97, %add3A_371 : i32
      %dma_start3A_373 = arith.constant 0 : i32
      %dma_start3A_374 = tpu.memref_slice %arg18[%add3A_372, %dma_start3A_373] : memref<256x64xf32, #tpu.memory_space<vmem>> -> memref<1x64xf32, #tpu.memory_space<vmem>>
      %dma_start3A_375 = arith.constant 0 : i32
      %dma_start3A_376 = tpu.memref_slice %arg6[%squeeze3A_360, %dma_start3A_375] : memref<1000x64xf32, #tpu.memory_space<hbm>> -> memref<1x64xf32, #tpu.memory_space<hbm>>
      %dma_start3A_377 = arith.constant 0 : i32
      %dma_start3A_378 = tpu.memref_slice %arg18[%add3A_372, %dma_start3A_377] : memref<256x64xf32, #tpu.memory_space<vmem>> -> memref<1x64xf32, #tpu.memory_space<vmem>>
      %dma_start3A_379 = arith.constant 0 : i32
      %dma_start3A_380 = tpu.memref_slice %arg6[%squeeze3A_360, %dma_start3A_379] : memref<1000x64xf32, #tpu.memory_space<hbm>> -> memref<1x64xf32, #tpu.memory_space<hbm>>
      tpu.enqueue_dma source(%dma_start3A_380 : memref<1x64xf32, #tpu.memory_space<hbm>>) target(%dma_start3A_378 : memref<1x64xf32, #tpu.memory_space<vmem>>) target_semaphore(%arg20 : memref<!tpu.dma_semaphore, #tpu.memory_space<semaphore_mem>>)
      %slice3A_381 = vector.extract_strided_slice %get3A_94 {offsets = [13], sizes = [1], strides = [1]} : vector<16xi32> to vector<1xi32>
      %squeeze3A_382 = vector.extract %slice3A_381[0] : i32 from vector<1xi32>
      %add3A_383 = arith.constant 13 : i32
      %add3A_384 = arith.addi %multiple_of3A_97, %add3A_383 : i32
      %dma_start3A_385 = arith.constant 0 : i32
      %dma_start3A_386 = tpu.memref_slice %arg17[%add3A_384, %dma_start3A_385] : memref<256x64xf32, #tpu.memory_space<vmem>> -> memref<1x64xf32, #tpu.memory_space<vmem>>
      %dma_start3A_387 = arith.constant 0 : i32
      %dma_start3A_388 = tpu.memref_slice %arg7[%squeeze3A_382, %dma_start3A_387] : memref<1000x64xf32, #tpu.memory_space<hbm>> -> memref<1x64xf32, #tpu.memory_space<hbm>>
      %dma_start3A_389 = arith.constant 0 : i32
      %dma_start3A_390 = tpu.memref_slice %arg17[%add3A_384, %dma_start3A_389] : memref<256x64xf32, #tpu.memory_space<vmem>> -> memref<1x64xf32, #tpu.memory_space<vmem>>
      %dma_start3A_391 = arith.constant 0 : i32
      %dma_start3A_392 = tpu.memref_slice %arg7[%squeeze3A_382, %dma_start3A_391] : memref<1000x64xf32, #tpu.memory_space<hbm>> -> memref<1x64xf32, #tpu.memory_space<hbm>>
      tpu.enqueue_dma source(%dma_start3A_392 : memref<1x64xf32, #tpu.memory_space<hbm>>) target(%dma_start3A_390 : memref<1x64xf32, #tpu.memory_space<vmem>>) target_semaphore(%arg20 : memref<!tpu.dma_semaphore, #tpu.memory_space<semaphore_mem>>)
      %add3A_393 = arith.constant 13 : i32
      %add3A_394 = arith.addi %multiple_of3A_97, %add3A_393 : i32
      %dma_start3A_395 = arith.constant 0 : i32
      %dma_start3A_396 = tpu.memref_slice %arg18[%add3A_394, %dma_start3A_395] : memref<256x64xf32, #tpu.memory_space<vmem>> -> memref<1x64xf32, #tpu.memory_space<vmem>>
      %dma_start3A_397 = arith.constant 0 : i32
      %dma_start3A_398 = tpu.memref_slice %arg6[%squeeze3A_382, %dma_start3A_397] : memref<1000x64xf32, #tpu.memory_space<hbm>> -> memref<1x64xf32, #tpu.memory_space<hbm>>
      %dma_start3A_399 = arith.constant 0 : i32
      %dma_start3A_400 = tpu.memref_slice %arg18[%add3A_394, %dma_start3A_399] : memref<256x64xf32, #tpu.memory_space<vmem>> -> memref<1x64xf32, #tpu.memory_space<vmem>>
      %dma_start3A_401 = arith.constant 0 : i32
      %dma_start3A_402 = tpu.memref_slice %arg6[%squeeze3A_382, %dma_start3A_401] : memref<1000x64xf32, #tpu.memory_space<hbm>> -> memref<1x64xf32, #tpu.memory_space<hbm>>
      tpu.enqueue_dma source(%dma_start3A_402 : memref<1x64xf32, #tpu.memory_space<hbm>>) target(%dma_start3A_400 : memref<1x64xf32, #tpu.memory_space<vmem>>) target_semaphore(%arg20 : memref<!tpu.dma_semaphore, #tpu.memory_space<semaphore_mem>>)
      %slice3A_403 = vector.extract_strided_slice %get3A_94 {offsets = [14], sizes = [1], strides = [1]} : vector<16xi32> to vector<1xi32>
      %squeeze3A_404 = vector.extract %slice3A_403[0] : i32 from vector<1xi32>
      %add3A_405 = arith.constant 14 : i32
      %add3A_406 = arith.addi %multiple_of3A_97, %add3A_405 : i32
      %dma_start3A_407 = arith.constant 0 : i32
      %dma_start3A_408 = tpu.memref_slice %arg17[%add3A_406, %dma_start3A_407] : memref<256x64xf32, #tpu.memory_space<vmem>> -> memref<1x64xf32, #tpu.memory_space<vmem>>
      %dma_start3A_409 = arith.constant 0 : i32
      %dma_start3A_410 = tpu.memref_slice %arg7[%squeeze3A_404, %dma_start3A_409] : memref<1000x64xf32, #tpu.memory_space<hbm>> -> memref<1x64xf32, #tpu.memory_space<hbm>>
      %dma_start3A_411 = arith.constant 0 : i32
      %dma_start3A_412 = tpu.memref_slice %arg17[%add3A_406, %dma_start3A_411] : memref<256x64xf32, #tpu.memory_space<vmem>> -> memref<1x64xf32, #tpu.memory_space<vmem>>
      %dma_start3A_413 = arith.constant 0 : i32
      %dma_start3A_414 = tpu.memref_slice %arg7[%squeeze3A_404, %dma_start3A_413] : memref<1000x64xf32, #tpu.memory_space<hbm>> -> memref<1x64xf32, #tpu.memory_space<hbm>>
      tpu.enqueue_dma source(%dma_start3A_414 : memref<1x64xf32, #tpu.memory_space<hbm>>) target(%dma_start3A_412 : memref<1x64xf32, #tpu.memory_space<vmem>>) target_semaphore(%arg20 : memref<!tpu.dma_semaphore, #tpu.memory_space<semaphore_mem>>)
      %add3A_415 = arith.constant 14 : i32
      %add3A_416 = arith.addi %multiple_of3A_97, %add3A_415 : i32
      %dma_start3A_417 = arith.constant 0 : i32
      %dma_start3A_418 = tpu.memref_slice %arg18[%add3A_416, %dma_start3A_417] : memref<256x64xf32, #tpu.memory_space<vmem>> -> memref<1x64xf32, #tpu.memory_space<vmem>>
      %dma_start3A_419 = arith.constant 0 : i32
      %dma_start3A_420 = tpu.memref_slice %arg6[%squeeze3A_404, %dma_start3A_419] : memref<1000x64xf32, #tpu.memory_space<hbm>> -> memref<1x64xf32, #tpu.memory_space<hbm>>
      %dma_start3A_421 = arith.constant 0 : i32
      %dma_start3A_422 = tpu.memref_slice %arg18[%add3A_416, %dma_start3A_421] : memref<256x64xf32, #tpu.memory_space<vmem>> -> memref<1x64xf32, #tpu.memory_space<vmem>>
      %dma_start3A_423 = arith.constant 0 : i32
      %dma_start3A_424 = tpu.memref_slice %arg6[%squeeze3A_404, %dma_start3A_423] : memref<1000x64xf32, #tpu.memory_space<hbm>> -> memref<1x64xf32, #tpu.memory_space<hbm>>
      tpu.enqueue_dma source(%dma_start3A_424 : memref<1x64xf32, #tpu.memory_space<hbm>>) target(%dma_start3A_422 : memref<1x64xf32, #tpu.memory_space<vmem>>) target_semaphore(%arg20 : memref<!tpu.dma_semaphore, #tpu.memory_space<semaphore_mem>>)
      %slice3A_425 = vector.extract_strided_slice %get3A_94 {offsets = [15], sizes = [1], strides = [1]} : vector<16xi32> to vector<1xi32>
      %squeeze3A_426 = vector.extract %slice3A_425[0] : i32 from vector<1xi32>
      %add3A_427 = arith.constant 15 : i32
      %add3A_428 = arith.addi %multiple_of3A_97, %add3A_427 : i32
      %dma_start3A_429 = arith.constant 0 : i32
      %dma_start3A_430 = tpu.memref_slice %arg17[%add3A_428, %dma_start3A_429] : memref<256x64xf32, #tpu.memory_space<vmem>> -> memref<1x64xf32, #tpu.memory_space<vmem>>
      %dma_start3A_431 = arith.constant 0 : i32
      %dma_start3A_432 = tpu.memref_slice %arg7[%squeeze3A_426, %dma_start3A_431] : memref<1000x64xf32, #tpu.memory_space<hbm>> -> memref<1x64xf32, #tpu.memory_space<hbm>>
      %dma_start3A_433 = arith.constant 0 : i32
      %dma_start3A_434 = tpu.memref_slice %arg17[%add3A_428, %dma_start3A_433] : memref<256x64xf32, #tpu.memory_space<vmem>> -> memref<1x64xf32, #tpu.memory_space<vmem>>
      %dma_start3A_435 = arith.constant 0 : i32
      %dma_start3A_436 = tpu.memref_slice %arg7[%squeeze3A_426, %dma_start3A_435] : memref<1000x64xf32, #tpu.memory_space<hbm>> -> memref<1x64xf32, #tpu.memory_space<hbm>>
      tpu.enqueue_dma source(%dma_start3A_436 : memref<1x64xf32, #tpu.memory_space<hbm>>) target(%dma_start3A_434 : memref<1x64xf32, #tpu.memory_space<vmem>>) target_semaphore(%arg20 : memref<!tpu.dma_semaphore, #tpu.memory_space<semaphore_mem>>)
      %add3A_437 = arith.constant 15 : i32
      %add3A_438 = arith.addi %multiple_of3A_97, %add3A_437 : i32
      %dma_start3A_439 = arith.constant 0 : i32
      %dma_start3A_440 = tpu.memref_slice %arg18[%add3A_438, %dma_start3A_439] : memref<256x64xf32, #tpu.memory_space<vmem>> -> memref<1x64xf32, #tpu.memory_space<vmem>>
      %dma_start3A_441 = arith.constant 0 : i32
      %dma_start3A_442 = tpu.memref_slice %arg6[%squeeze3A_426, %dma_start3A_441] : memref<1000x64xf32, #tpu.memory_space<hbm>> -> memref<1x64xf32, #tpu.memory_space<hbm>>
      %dma_start3A_443 = arith.constant 0 : i32
      %dma_start3A_444 = tpu.memref_slice %arg18[%add3A_438, %dma_start3A_443] : memref<256x64xf32, #tpu.memory_space<vmem>> -> memref<1x64xf32, #tpu.memory_space<vmem>>
      %dma_start3A_445 = arith.constant 0 : i32
      %dma_start3A_446 = tpu.memref_slice %arg6[%squeeze3A_426, %dma_start3A_445] : memref<1000x64xf32, #tpu.memory_space<hbm>> -> memref<1x64xf32, #tpu.memory_space<hbm>>
      tpu.enqueue_dma source(%dma_start3A_446 : memref<1x64xf32, #tpu.memory_space<hbm>>) target(%dma_start3A_444 : memref<1x64xf32, #tpu.memory_space<vmem>>) target_semaphore(%arg20 : memref<!tpu.dma_semaphore, #tpu.memory_space<semaphore_mem>>)
    }
    %scan3A_13 = arith.constant 16 : i32
    %get3A = arith.constant 0 : index
    %get3A_14 = tpu.vector_load %arg15[%get3A] {strides = array<i32>} : memref<16xf32, #tpu.memory_space<vmem>>, vector<16xf32>,
    %scan3A_15 = arith.constant 0 : i32
    %scan3A_16 = arith.constant 0 : i32
    %scan3A_17 = arith.constant 32 : i32
    %scan3A_18 = arith.addi %scan3A_16, %scan3A_17 : i32
    %scan3A_19 = arith.constant 1 : i32
    scf.for %scan3A_88 = %scan3A_16 to %scan3A_18 step %scan3A_19  : i32 {
      %mul3A_89 = arith.constant 16 : i32
      %mul3A_90 = arith.muli %scan3A_88, %mul3A_89 : i32
      %multiple_of3A = tpu.assume_multiple %mul3A_90, 16 : i32
      %get3A_91 = arith.index_cast %multiple_of3A : i32 to index
      %get3A_92 = tpu.vector_load %arg13[%get3A_91] {strides = array<i32>} : memref<512xi32, #tpu.memory_space<vmem>>, vector<16xi32>,
      %convert_element_type3A = arith.sitofp %get3A_92 : vector<16xi32> to vector<16xf32>
      %mul3A_93 = arith.mulf %get3A_14, %convert_element_type3A : vector<16xf32>
      %exp3A = math.exp %mul3A_93 : vector<16xf32>
      %swap3A = arith.index_cast %multiple_of3A : i32 to index
      %swap3A_94 = tpu.vector_load %arg14[%swap3A] {strides = array<i32>} : memref<512xf32, #tpu.memory_space<vmem>>, vector<16xf32>,
      tpu.vector_store %arg14[%swap3A], %exp3A {strides = array<i32>} : memref<512xf32, #tpu.memory_space<vmem>>, vector<16xf32>,
    }
    %scan3A_20 = arith.constant 32 : i32
    %dma_wait3A = arith.constant 0 : i32
    %dma_wait3A_21 = arith.constant 0 : i32
    %dma_wait3A_22 = tpu.memref_slice %arg5[%dma_wait3A, %dma_wait3A_21] : memref<1000000x64xf32, #tpu.memory_space<hbm>> -> memref<256x64xf32, #tpu.memory_space<hbm>>
    %dma_wait3A_23 = arith.constant 0 : i32
    %dma_wait3A_24 = arith.constant 0 : i32
    %dma_wait3A_25 = tpu.memref_slice %arg5[%dma_wait3A_23, %dma_wait3A_24] : memref<1000000x64xf32, #tpu.memory_space<hbm>> -> memref<256x64xf32, #tpu.memory_space<hbm>>
    tpu.wait_dma2 semaphore(%arg19 : memref<!tpu.dma_semaphore, #tpu.memory_space<semaphore_mem>>) src(%dma_wait3A_25 : memref<256x64xf32, #tpu.memory_space<hbm>>) dst(%arg16 : memref<256x64xf32, #tpu.memory_space<vmem>>)
    %add3A_26 = arith.constant 0 : i32
    %add3A_27 = arith.addi %mul3A_2, %add3A_26 : i32
    "tpu.region"() ({
      %run_scoped3A = tpu.sem_alloc : memref<!tpu.dma_semaphore, #tpu.memory_space<semaphore_mem>>
      %dma_start3A = arith.constant 0 : i32
      %dma_start3A_88 = tpu.memref_slice %arg9[%add3A_27, %dma_start3A] : memref<16384x64xf32, #tpu.memory_space<hbm>> -> memref<256x64xf32, #tpu.memory_space<hbm>>
      %dma_start3A_89 = arith.constant 0 : i32
      %dma_start3A_90 = tpu.memref_slice %arg9[%add3A_27, %dma_start3A_89] : memref<16384x64xf32, #tpu.memory_space<hbm>> -> memref<256x64xf32, #tpu.memory_space<hbm>>
      tpu.enqueue_dma source(%arg16 : memref<256x64xf32, #tpu.memory_space<vmem>>) target(%dma_start3A_90 : memref<256x64xf32, #tpu.memory_space<hbm>>) target_semaphore(%run_scoped3A : memref<!tpu.dma_semaphore, #tpu.memory_space<semaphore_mem>>)
      %dma_wait3A_91 = arith.constant 0 : i32
      %dma_wait3A_92 = tpu.memref_slice %arg9[%add3A_27, %dma_wait3A_91] : memref<16384x64xf32, #tpu.memory_space<hbm>> -> memref<256x64xf32, #tpu.memory_space<hbm>>
      %dma_wait3A_93 = arith.constant 0 : i32
      %dma_wait3A_94 = tpu.memref_slice %arg9[%add3A_27, %dma_wait3A_93] : memref<16384x64xf32, #tpu.memory_space<hbm>> -> memref<256x64xf32, #tpu.memory_space<hbm>>
      tpu.wait_dma2 semaphore(%run_scoped3A : memref<!tpu.dma_semaphore, #tpu.memory_space<semaphore_mem>>) src(%arg16 : memref<256x64xf32, #tpu.memory_space<vmem>>) dst(%dma_wait3A_94 : memref<256x64xf32, #tpu.memory_space<hbm>>)
      tpu.yield
    }) : () -> ()
    %scan3A_28 = arith.constant 0 : i32
    %scan3A_29 = arith.constant 0 : i32
    %scan3A_30 = arith.constant 16 : i32
    %scan3A_31 = arith.addi %scan3A_29, %scan3A_30 : i32
    %scan3A_32 = arith.constant 1 : i32
    scf.for %scan3A_88 = %scan3A_29 to %scan3A_31 step %scan3A_32  : i32 {
      %mul3A_89 = arith.constant 16 : i32
      %mul3A_90 = arith.muli %scan3A_88, %mul3A_89 : i32
      %add3A_91 = arith.constant 256 : i32
      %add3A_92 = arith.addi %add3A_91, %mul3A_90 : i32
      %multiple_of3A = tpu.assume_multiple %add3A_92, 16 : i32
      %get3A_93 = arith.index_cast %multiple_of3A : i32 to index
      %get3A_94 = tpu.vector_load %arg11[%get3A_93] {strides = array<i32>} : memref<512xi32, #tpu.memory_space<vmem>>, vector<16xi32>,
      %mul3A_95 = arith.constant 16 : i32
      %mul3A_96 = arith.muli %scan3A_88, %mul3A_95 : i32
      %multiple_of3A_97 = tpu.assume_multiple %mul3A_96, 16 : i32
      %slice3A = vector.extract_strided_slice %get3A_94 {offsets = [0], sizes = [1], strides = [1]} : vector<16xi32> to vector<1xi32>
      %squeeze3A = vector.extract %slice3A[0] : i32 from vector<1xi32>
      %add3A_98 = arith.constant 0 : i32
      %add3A_99 = arith.addi %multiple_of3A_97, %add3A_98 : i32
      %dma_start3A = arith.constant 0 : i32
      %dma_start3A_100 = tpu.memref_slice %arg16[%add3A_99, %dma_start3A] : memref<256x64xf32, #tpu.memory_space<vmem>> -> memref<1x64xf32, #tpu.memory_space<vmem>>
      %dma_start3A_101 = arith.constant 0 : i32
      %dma_start3A_102 = tpu.memref_slice %arg5[%squeeze3A, %dma_start3A_101] : memref<1000000x64xf32, #tpu.memory_space<hbm>> -> memref<1x64xf32, #tpu.memory_space<hbm>>
      %dma_start3A_103 = arith.constant 0 : i32
      %dma_start3A_104 = tpu.memref_slice %arg16[%add3A_99, %dma_start3A_103] : memref<256x64xf32, #tpu.memory_space<vmem>> -> memref<1x64xf32, #tpu.memory_space<vmem>>
      %dma_start3A_105 = arith.constant 0 : i32
      %dma_start3A_106 = tpu.memref_slice %arg5[%squeeze3A, %dma_start3A_105] : memref<1000000x64xf32, #tpu.memory_space<hbm>> -> memref<1x64xf32, #tpu.memory_space<hbm>>
      tpu.enqueue_dma source(%dma_start3A_106 : memref<1x64xf32, #tpu.memory_space<hbm>>) target(%dma_start3A_104 : memref<1x64xf32, #tpu.memory_space<vmem>>) target_semaphore(%arg19 : memref<!tpu.dma_semaphore, #tpu.memory_space<semaphore_mem>>)
      %slice3A_107 = vector.extract_strided_slice %get3A_94 {offsets = [1], sizes = [1], strides = [1]} : vector<16xi32> to vector<1xi32>
      %squeeze3A_108 = vector.extract %slice3A_107[0] : i32 from vector<1xi32>
      %add3A_109 = arith.constant 1 : i32
      %add3A_110 = arith.addi %multiple_of3A_97, %add3A_109 : i32
      %dma_start3A_111 = arith.constant 0 : i32
      %dma_start3A_112 = tpu.memref_slice %arg16[%add3A_110, %dma_start3A_111] : memref<256x64xf32, #tpu.memory_space<vmem>> -> memref<1x64xf32, #tpu.memory_space<vmem>>
      %dma_start3A_113 = arith.constant 0 : i32
      %dma_start3A_114 = tpu.memref_slice %arg5[%squeeze3A_108, %dma_start3A_113] : memref<1000000x64xf32, #tpu.memory_space<hbm>> -> memref<1x64xf32, #tpu.memory_space<hbm>>
      %dma_start3A_115 = arith.constant 0 : i32
      %dma_start3A_116 = tpu.memref_slice %arg16[%add3A_110, %dma_start3A_115] : memref<256x64xf32, #tpu.memory_space<vmem>> -> memref<1x64xf32, #tpu.memory_space<vmem>>
      %dma_start3A_117 = arith.constant 0 : i32
      %dma_start3A_118 = tpu.memref_slice %arg5[%squeeze3A_108, %dma_start3A_117] : memref<1000000x64xf32, #tpu.memory_space<hbm>> -> memref<1x64xf32, #tpu.memory_space<hbm>>
      tpu.enqueue_dma source(%dma_start3A_118 : memref<1x64xf32, #tpu.memory_space<hbm>>) target(%dma_start3A_116 : memref<1x64xf32, #tpu.memory_space<vmem>>) target_semaphore(%arg19 : memref<!tpu.dma_semaphore, #tpu.memory_space<semaphore_mem>>)
      %slice3A_119 = vector.extract_strided_slice %get3A_94 {offsets = [2], sizes = [1], strides = [1]} : vector<16xi32> to vector<1xi32>
      %squeeze3A_120 = vector.extract %slice3A_119[0] : i32 from vector<1xi32>
      %add3A_121 = arith.constant 2 : i32
      %add3A_122 = arith.addi %multiple_of3A_97, %add3A_121 : i32
      %dma_start3A_123 = arith.constant 0 : i32
      %dma_start3A_124 = tpu.memref_slice %arg16[%add3A_122, %dma_start3A_123] : memref<256x64xf32, #tpu.memory_space<vmem>> -> memref<1x64xf32, #tpu.memory_space<vmem>>
      %dma_start3A_125 = arith.constant 0 : i32
      %dma_start3A_126 = tpu.memref_slice %arg5[%squeeze3A_120, %dma_start3A_125] : memref<1000000x64xf32, #tpu.memory_space<hbm>> -> memref<1x64xf32, #tpu.memory_space<hbm>>
      %dma_start3A_127 = arith.constant 0 : i32
      %dma_start3A_128 = tpu.memref_slice %arg16[%add3A_122, %dma_start3A_127] : memref<256x64xf32, #tpu.memory_space<vmem>> -> memref<1x64xf32, #tpu.memory_space<vmem>>
      %dma_start3A_129 = arith.constant 0 : i32
      %dma_start3A_130 = tpu.memref_slice %arg5[%squeeze3A_120, %dma_start3A_129] : memref<1000000x64xf32, #tpu.memory_space<hbm>> -> memref<1x64xf32, #tpu.memory_space<hbm>>
      tpu.enqueue_dma source(%dma_start3A_130 : memref<1x64xf32, #tpu.memory_space<hbm>>) target(%dma_start3A_128 : memref<1x64xf32, #tpu.memory_space<vmem>>) target_semaphore(%arg19 : memref<!tpu.dma_semaphore, #tpu.memory_space<semaphore_mem>>)
      %slice3A_131 = vector.extract_strided_slice %get3A_94 {offsets = [3], sizes = [1], strides = [1]} : vector<16xi32> to vector<1xi32>
      %squeeze3A_132 = vector.extract %slice3A_131[0] : i32 from vector<1xi32>
      %add3A_133 = arith.constant 3 : i32
      %add3A_134 = arith.addi %multiple_of3A_97, %add3A_133 : i32
      %dma_start3A_135 = arith.constant 0 : i32
      %dma_start3A_136 = tpu.memref_slice %arg16[%add3A_134, %dma_start3A_135] : memref<256x64xf32, #tpu.memory_space<vmem>> -> memref<1x64xf32, #tpu.memory_space<vmem>>
      %dma_start3A_137 = arith.constant 0 : i32
      %dma_start3A_138 = tpu.memref_slice %arg5[%squeeze3A_132, %dma_start3A_137] : memref<1000000x64xf32, #tpu.memory_space<hbm>> -> memref<1x64xf32, #tpu.memory_space<hbm>>
      %dma_start3A_139 = arith.constant 0 : i32
      %dma_start3A_140 = tpu.memref_slice %arg16[%add3A_134, %dma_start3A_139] : memref<256x64xf32, #tpu.memory_space<vmem>> -> memref<1x64xf32, #tpu.memory_space<vmem>>
      %dma_start3A_141 = arith.constant 0 : i32
      %dma_start3A_142 = tpu.memref_slice %arg5[%squeeze3A_132, %dma_start3A_141] : memref<1000000x64xf32, #tpu.memory_space<hbm>> -> memref<1x64xf32, #tpu.memory_space<hbm>>
      tpu.enqueue_dma source(%dma_start3A_142 : memref<1x64xf32, #tpu.memory_space<hbm>>) target(%dma_start3A_140 : memref<1x64xf32, #tpu.memory_space<vmem>>) target_semaphore(%arg19 : memref<!tpu.dma_semaphore, #tpu.memory_space<semaphore_mem>>)
      %slice3A_143 = vector.extract_strided_slice %get3A_94 {offsets = [4], sizes = [1], strides = [1]} : vector<16xi32> to vector<1xi32>
      %squeeze3A_144 = vector.extract %slice3A_143[0] : i32 from vector<1xi32>
      %add3A_145 = arith.constant 4 : i32
      %add3A_146 = arith.addi %multiple_of3A_97, %add3A_145 : i32
      %dma_start3A_147 = arith.constant 0 : i32
      %dma_start3A_148 = tpu.memref_slice %arg16[%add3A_146, %dma_start3A_147] : memref<256x64xf32, #tpu.memory_space<vmem>> -> memref<1x64xf32, #tpu.memory_space<vmem>>
      %dma_start3A_149 = arith.constant 0 : i32
      %dma_start3A_150 = tpu.memref_slice %arg5[%squeeze3A_144, %dma_start3A_149] : memref<1000000x64xf32, #tpu.memory_space<hbm>> -> memref<1x64xf32, #tpu.memory_space<hbm>>
      %dma_start3A_151 = arith.constant 0 : i32
      %dma_start3A_152 = tpu.memref_slice %arg16[%add3A_146, %dma_start3A_151] : memref<256x64xf32, #tpu.memory_space<vmem>> -> memref<1x64xf32, #tpu.memory_space<vmem>>
      %dma_start3A_153 = arith.constant 0 : i32
      %dma_start3A_154 = tpu.memref_slice %arg5[%squeeze3A_144, %dma_start3A_153] : memref<1000000x64xf32, #tpu.memory_space<hbm>> -> memref<1x64xf32, #tpu.memory_space<hbm>>
      tpu.enqueue_dma source(%dma_start3A_154 : memref<1x64xf32, #tpu.memory_space<hbm>>) target(%dma_start3A_152 : memref<1x64xf32, #tpu.memory_space<vmem>>) target_semaphore(%arg19 : memref<!tpu.dma_semaphore, #tpu.memory_space<semaphore_mem>>)
      %slice3A_155 = vector.extract_strided_slice %get3A_94 {offsets = [5], sizes = [1], strides = [1]} : vector<16xi32> to vector<1xi32>
      %squeeze3A_156 = vector.extract %slice3A_155[0] : i32 from vector<1xi32>
      %add3A_157 = arith.constant 5 : i32
      %add3A_158 = arith.addi %multiple_of3A_97, %add3A_157 : i32
      %dma_start3A_159 = arith.constant 0 : i32
      %dma_start3A_160 = tpu.memref_slice %arg16[%add3A_158, %dma_start3A_159] : memref<256x64xf32, #tpu.memory_space<vmem>> -> memref<1x64xf32, #tpu.memory_space<vmem>>
      %dma_start3A_161 = arith.constant 0 : i32
      %dma_start3A_162 = tpu.memref_slice %arg5[%squeeze3A_156, %dma_start3A_161] : memref<1000000x64xf32, #tpu.memory_space<hbm>> -> memref<1x64xf32, #tpu.memory_space<hbm>>
      %dma_start3A_163 = arith.constant 0 : i32
      %dma_start3A_164 = tpu.memref_slice %arg16[%add3A_158, %dma_start3A_163] : memref<256x64xf32, #tpu.memory_space<vmem>> -> memref<1x64xf32, #tpu.memory_space<vmem>>
      %dma_start3A_165 = arith.constant 0 : i32
      %dma_start3A_166 = tpu.memref_slice %arg5[%squeeze3A_156, %dma_start3A_165] : memref<1000000x64xf32, #tpu.memory_space<hbm>> -> memref<1x64xf32, #tpu.memory_space<hbm>>
      tpu.enqueue_dma source(%dma_start3A_166 : memref<1x64xf32, #tpu.memory_space<hbm>>) target(%dma_start3A_164 : memref<1x64xf32, #tpu.memory_space<vmem>>) target_semaphore(%arg19 : memref<!tpu.dma_semaphore, #tpu.memory_space<semaphore_mem>>)
      %slice3A_167 = vector.extract_strided_slice %get3A_94 {offsets = [6], sizes = [1], strides = [1]} : vector<16xi32> to vector<1xi32>
      %squeeze3A_168 = vector.extract %slice3A_167[0] : i32 from vector<1xi32>
      %add3A_169 = arith.constant 6 : i32
      %add3A_170 = arith.addi %multiple_of3A_97, %add3A_169 : i32
      %dma_start3A_171 = arith.constant 0 : i32
      %dma_start3A_172 = tpu.memref_slice %arg16[%add3A_170, %dma_start3A_171] : memref<256x64xf32, #tpu.memory_space<vmem>> -> memref<1x64xf32, #tpu.memory_space<vmem>>
      %dma_start3A_173 = arith.constant 0 : i32
      %dma_start3A_174 = tpu.memref_slice %arg5[%squeeze3A_168, %dma_start3A_173] : memref<1000000x64xf32, #tpu.memory_space<hbm>> -> memref<1x64xf32, #tpu.memory_space<hbm>>
      %dma_start3A_175 = arith.constant 0 : i32
      %dma_start3A_176 = tpu.memref_slice %arg16[%add3A_170, %dma_start3A_175] : memref<256x64xf32, #tpu.memory_space<vmem>> -> memref<1x64xf32, #tpu.memory_space<vmem>>
      %dma_start3A_177 = arith.constant 0 : i32
      %dma_start3A_178 = tpu.memref_slice %arg5[%squeeze3A_168, %dma_start3A_177] : memref<1000000x64xf32, #tpu.memory_space<hbm>> -> memref<1x64xf32, #tpu.memory_space<hbm>>
      tpu.enqueue_dma source(%dma_start3A_178 : memref<1x64xf32, #tpu.memory_space<hbm>>) target(%dma_start3A_176 : memref<1x64xf32, #tpu.memory_space<vmem>>) target_semaphore(%arg19 : memref<!tpu.dma_semaphore, #tpu.memory_space<semaphore_mem>>)
      %slice3A_179 = vector.extract_strided_slice %get3A_94 {offsets = [7], sizes = [1], strides = [1]} : vector<16xi32> to vector<1xi32>
      %squeeze3A_180 = vector.extract %slice3A_179[0] : i32 from vector<1xi32>
      %add3A_181 = arith.constant 7 : i32
      %add3A_182 = arith.addi %multiple_of3A_97, %add3A_181 : i32
      %dma_start3A_183 = arith.constant 0 : i32
      %dma_start3A_184 = tpu.memref_slice %arg16[%add3A_182, %dma_start3A_183] : memref<256x64xf32, #tpu.memory_space<vmem>> -> memref<1x64xf32, #tpu.memory_space<vmem>>
      %dma_start3A_185 = arith.constant 0 : i32
      %dma_start3A_186 = tpu.memref_slice %arg5[%squeeze3A_180, %dma_start3A_185] : memref<1000000x64xf32, #tpu.memory_space<hbm>> -> memref<1x64xf32, #tpu.memory_space<hbm>>
      %dma_start3A_187 = arith.constant 0 : i32
      %dma_start3A_188 = tpu.memref_slice %arg16[%add3A_182, %dma_start3A_187] : memref<256x64xf32, #tpu.memory_space<vmem>> -> memref<1x64xf32, #tpu.memory_space<vmem>>
      %dma_start3A_189 = arith.constant 0 : i32
      %dma_start3A_190 = tpu.memref_slice %arg5[%squeeze3A_180, %dma_start3A_189] : memref<1000000x64xf32, #tpu.memory_space<hbm>> -> memref<1x64xf32, #tpu.memory_space<hbm>>
      tpu.enqueue_dma source(%dma_start3A_190 : memref<1x64xf32, #tpu.memory_space<hbm>>) target(%dma_start3A_188 : memref<1x64xf32, #tpu.memory_space<vmem>>) target_semaphore(%arg19 : memref<!tpu.dma_semaphore, #tpu.memory_space<semaphore_mem>>)
      %slice3A_191 = vector.extract_strided_slice %get3A_94 {offsets = [8], sizes = [1], strides = [1]} : vector<16xi32> to vector<1xi32>
      %squeeze3A_192 = vector.extract %slice3A_191[0] : i32 from vector<1xi32>
      %add3A_193 = arith.constant 8 : i32
      %add3A_194 = arith.addi %multiple_of3A_97, %add3A_193 : i32
      %dma_start3A_195 = arith.constant 0 : i32
      %dma_start3A_196 = tpu.memref_slice %arg16[%add3A_194, %dma_start3A_195] : memref<256x64xf32, #tpu.memory_space<vmem>> -> memref<1x64xf32, #tpu.memory_space<vmem>>
      %dma_start3A_197 = arith.constant 0 : i32
      %dma_start3A_198 = tpu.memref_slice %arg5[%squeeze3A_192, %dma_start3A_197] : memref<1000000x64xf32, #tpu.memory_space<hbm>> -> memref<1x64xf32, #tpu.memory_space<hbm>>
      %dma_start3A_199 = arith.constant 0 : i32
      %dma_start3A_200 = tpu.memref_slice %arg16[%add3A_194, %dma_start3A_199] : memref<256x64xf32, #tpu.memory_space<vmem>> -> memref<1x64xf32, #tpu.memory_space<vmem>>
      %dma_start3A_201 = arith.constant 0 : i32
      %dma_start3A_202 = tpu.memref_slice %arg5[%squeeze3A_192, %dma_start3A_201] : memref<1000000x64xf32, #tpu.memory_space<hbm>> -> memref<1x64xf32, #tpu.memory_space<hbm>>
      tpu.enqueue_dma source(%dma_start3A_202 : memref<1x64xf32, #tpu.memory_space<hbm>>) target(%dma_start3A_200 : memref<1x64xf32, #tpu.memory_space<vmem>>) target_semaphore(%arg19 : memref<!tpu.dma_semaphore, #tpu.memory_space<semaphore_mem>>)
      %slice3A_203 = vector.extract_strided_slice %get3A_94 {offsets = [9], sizes = [1], strides = [1]} : vector<16xi32> to vector<1xi32>
      %squeeze3A_204 = vector.extract %slice3A_203[0] : i32 from vector<1xi32>
      %add3A_205 = arith.constant 9 : i32
      %add3A_206 = arith.addi %multiple_of3A_97, %add3A_205 : i32
      %dma_start3A_207 = arith.constant 0 : i32
      %dma_start3A_208 = tpu.memref_slice %arg16[%add3A_206, %dma_start3A_207] : memref<256x64xf32, #tpu.memory_space<vmem>> -> memref<1x64xf32, #tpu.memory_space<vmem>>
      %dma_start3A_209 = arith.constant 0 : i32
      %dma_start3A_210 = tpu.memref_slice %arg5[%squeeze3A_204, %dma_start3A_209] : memref<1000000x64xf32, #tpu.memory_space<hbm>> -> memref<1x64xf32, #tpu.memory_space<hbm>>
      %dma_start3A_211 = arith.constant 0 : i32
      %dma_start3A_212 = tpu.memref_slice %arg16[%add3A_206, %dma_start3A_211] : memref<256x64xf32, #tpu.memory_space<vmem>> -> memref<1x64xf32, #tpu.memory_space<vmem>>
      %dma_start3A_213 = arith.constant 0 : i32
      %dma_start3A_214 = tpu.memref_slice %arg5[%squeeze3A_204, %dma_start3A_213] : memref<1000000x64xf32, #tpu.memory_space<hbm>> -> memref<1x64xf32, #tpu.memory_space<hbm>>
      tpu.enqueue_dma source(%dma_start3A_214 : memref<1x64xf32, #tpu.memory_space<hbm>>) target(%dma_start3A_212 : memref<1x64xf32, #tpu.memory_space<vmem>>) target_semaphore(%arg19 : memref<!tpu.dma_semaphore, #tpu.memory_space<semaphore_mem>>)
      %slice3A_215 = vector.extract_strided_slice %get3A_94 {offsets = [10], sizes = [1], strides = [1]} : vector<16xi32> to vector<1xi32>
      %squeeze3A_216 = vector.extract %slice3A_215[0] : i32 from vector<1xi32>
      %add3A_217 = arith.constant 10 : i32
      %add3A_218 = arith.addi %multiple_of3A_97, %add3A_217 : i32
      %dma_start3A_219 = arith.constant 0 : i32
      %dma_start3A_220 = tpu.memref_slice %arg16[%add3A_218, %dma_start3A_219] : memref<256x64xf32, #tpu.memory_space<vmem>> -> memref<1x64xf32, #tpu.memory_space<vmem>>
      %dma_start3A_221 = arith.constant 0 : i32
      %dma_start3A_222 = tpu.memref_slice %arg5[%squeeze3A_216, %dma_start3A_221] : memref<1000000x64xf32, #tpu.memory_space<hbm>> -> memref<1x64xf32, #tpu.memory_space<hbm>>
      %dma_start3A_223 = arith.constant 0 : i32
      %dma_start3A_224 = tpu.memref_slice %arg16[%add3A_218, %dma_start3A_223] : memref<256x64xf32, #tpu.memory_space<vmem>> -> memref<1x64xf32, #tpu.memory_space<vmem>>
      %dma_start3A_225 = arith.constant 0 : i32
      %dma_start3A_226 = tpu.memref_slice %arg5[%squeeze3A_216, %dma_start3A_225] : memref<1000000x64xf32, #tpu.memory_space<hbm>> -> memref<1x64xf32, #tpu.memory_space<hbm>>
      tpu.enqueue_dma source(%dma_start3A_226 : memref<1x64xf32, #tpu.memory_space<hbm>>) target(%dma_start3A_224 : memref<1x64xf32, #tpu.memory_space<vmem>>) target_semaphore(%arg19 : memref<!tpu.dma_semaphore, #tpu.memory_space<semaphore_mem>>)
      %slice3A_227 = vector.extract_strided_slice %get3A_94 {offsets = [11], sizes = [1], strides = [1]} : vector<16xi32> to vector<1xi32>
      %squeeze3A_228 = vector.extract %slice3A_227[0] : i32 from vector<1xi32>
      %add3A_229 = arith.constant 11 : i32
      %add3A_230 = arith.addi %multiple_of3A_97, %add3A_229 : i32
      %dma_start3A_231 = arith.constant 0 : i32
      %dma_start3A_232 = tpu.memref_slice %arg16[%add3A_230, %dma_start3A_231] : memref<256x64xf32, #tpu.memory_space<vmem>> -> memref<1x64xf32, #tpu.memory_space<vmem>>
      %dma_start3A_233 = arith.constant 0 : i32
      %dma_start3A_234 = tpu.memref_slice %arg5[%squeeze3A_228, %dma_start3A_233] : memref<1000000x64xf32, #tpu.memory_space<hbm>> -> memref<1x64xf32, #tpu.memory_space<hbm>>
      %dma_start3A_235 = arith.constant 0 : i32
      %dma_start3A_236 = tpu.memref_slice %arg16[%add3A_230, %dma_start3A_235] : memref<256x64xf32, #tpu.memory_space<vmem>> -> memref<1x64xf32, #tpu.memory_space<vmem>>
      %dma_start3A_237 = arith.constant 0 : i32
      %dma_start3A_238 = tpu.memref_slice %arg5[%squeeze3A_228, %dma_start3A_237] : memref<1000000x64xf32, #tpu.memory_space<hbm>> -> memref<1x64xf32, #tpu.memory_space<hbm>>
      tpu.enqueue_dma source(%dma_start3A_238 : memref<1x64xf32, #tpu.memory_space<hbm>>) target(%dma_start3A_236 : memref<1x64xf32, #tpu.memory_space<vmem>>) target_semaphore(%arg19 : memref<!tpu.dma_semaphore, #tpu.memory_space<semaphore_mem>>)
      %slice3A_239 = vector.extract_strided_slice %get3A_94 {offsets = [12], sizes = [1], strides = [1]} : vector<16xi32> to vector<1xi32>
      %squeeze3A_240 = vector.extract %slice3A_239[0] : i32 from vector<1xi32>
      %add3A_241 = arith.constant 12 : i32
      %add3A_242 = arith.addi %multiple_of3A_97, %add3A_241 : i32
      %dma_start3A_243 = arith.constant 0 : i32
      %dma_start3A_244 = tpu.memref_slice %arg16[%add3A_242, %dma_start3A_243] : memref<256x64xf32, #tpu.memory_space<vmem>> -> memref<1x64xf32, #tpu.memory_space<vmem>>
      %dma_start3A_245 = arith.constant 0 : i32
      %dma_start3A_246 = tpu.memref_slice %arg5[%squeeze3A_240, %dma_start3A_245] : memref<1000000x64xf32, #tpu.memory_space<hbm>> -> memref<1x64xf32, #tpu.memory_space<hbm>>
      %dma_start3A_247 = arith.constant 0 : i32
      %dma_start3A_248 = tpu.memref_slice %arg16[%add3A_242, %dma_start3A_247] : memref<256x64xf32, #tpu.memory_space<vmem>> -> memref<1x64xf32, #tpu.memory_space<vmem>>
      %dma_start3A_249 = arith.constant 0 : i32
      %dma_start3A_250 = tpu.memref_slice %arg5[%squeeze3A_240, %dma_start3A_249] : memref<1000000x64xf32, #tpu.memory_space<hbm>> -> memref<1x64xf32, #tpu.memory_space<hbm>>
      tpu.enqueue_dma source(%dma_start3A_250 : memref<1x64xf32, #tpu.memory_space<hbm>>) target(%dma_start3A_248 : memref<1x64xf32, #tpu.memory_space<vmem>>) target_semaphore(%arg19 : memref<!tpu.dma_semaphore, #tpu.memory_space<semaphore_mem>>)
      %slice3A_251 = vector.extract_strided_slice %get3A_94 {offsets = [13], sizes = [1], strides = [1]} : vector<16xi32> to vector<1xi32>
      %squeeze3A_252 = vector.extract %slice3A_251[0] : i32 from vector<1xi32>
      %add3A_253 = arith.constant 13 : i32
      %add3A_254 = arith.addi %multiple_of3A_97, %add3A_253 : i32
      %dma_start3A_255 = arith.constant 0 : i32
      %dma_start3A_256 = tpu.memref_slice %arg16[%add3A_254, %dma_start3A_255] : memref<256x64xf32, #tpu.memory_space<vmem>> -> memref<1x64xf32, #tpu.memory_space<vmem>>
      %dma_start3A_257 = arith.constant 0 : i32
      %dma_start3A_258 = tpu.memref_slice %arg5[%squeeze3A_252, %dma_start3A_257] : memref<1000000x64xf32, #tpu.memory_space<hbm>> -> memref<1x64xf32, #tpu.memory_space<hbm>>
      %dma_start3A_259 = arith.constant 0 : i32
      %dma_start3A_260 = tpu.memref_slice %arg16[%add3A_254, %dma_start3A_259] : memref<256x64xf32, #tpu.memory_space<vmem>> -> memref<1x64xf32, #tpu.memory_space<vmem>>
      %dma_start3A_261 = arith.constant 0 : i32
      %dma_start3A_262 = tpu.memref_slice %arg5[%squeeze3A_252, %dma_start3A_261] : memref<1000000x64xf32, #tpu.memory_space<hbm>> -> memref<1x64xf32, #tpu.memory_space<hbm>>
      tpu.enqueue_dma source(%dma_start3A_262 : memref<1x64xf32, #tpu.memory_space<hbm>>) target(%dma_start3A_260 : memref<1x64xf32, #tpu.memory_space<vmem>>) target_semaphore(%arg19 : memref<!tpu.dma_semaphore, #tpu.memory_space<semaphore_mem>>)
      %slice3A_263 = vector.extract_strided_slice %get3A_94 {offsets = [14], sizes = [1], strides = [1]} : vector<16xi32> to vector<1xi32>
      %squeeze3A_264 = vector.extract %slice3A_263[0] : i32 from vector<1xi32>
      %add3A_265 = arith.constant 14 : i32
      %add3A_266 = arith.addi %multiple_of3A_97, %add3A_265 : i32
      %dma_start3A_267 = arith.constant 0 : i32
      %dma_start3A_268 = tpu.memref_slice %arg16[%add3A_266, %dma_start3A_267] : memref<256x64xf32, #tpu.memory_space<vmem>> -> memref<1x64xf32, #tpu.memory_space<vmem>>
      %dma_start3A_269 = arith.constant 0 : i32
      %dma_start3A_270 = tpu.memref_slice %arg5[%squeeze3A_264, %dma_start3A_269] : memref<1000000x64xf32, #tpu.memory_space<hbm>> -> memref<1x64xf32, #tpu.memory_space<hbm>>
      %dma_start3A_271 = arith.constant 0 : i32
      %dma_start3A_272 = tpu.memref_slice %arg16[%add3A_266, %dma_start3A_271] : memref<256x64xf32, #tpu.memory_space<vmem>> -> memref<1x64xf32, #tpu.memory_space<vmem>>
      %dma_start3A_273 = arith.constant 0 : i32
      %dma_start3A_274 = tpu.memref_slice %arg5[%squeeze3A_264, %dma_start3A_273] : memref<1000000x64xf32, #tpu.memory_space<hbm>> -> memref<1x64xf32, #tpu.memory_space<hbm>>
      tpu.enqueue_dma source(%dma_start3A_274 : memref<1x64xf32, #tpu.memory_space<hbm>>) target(%dma_start3A_272 : memref<1x64xf32, #tpu.memory_space<vmem>>) target_semaphore(%arg19 : memref<!tpu.dma_semaphore, #tpu.memory_space<semaphore_mem>>)
      %slice3A_275 = vector.extract_strided_slice %get3A_94 {offsets = [15], sizes = [1], strides = [1]} : vector<16xi32> to vector<1xi32>
      %squeeze3A_276 = vector.extract %slice3A_275[0] : i32 from vector<1xi32>
      %add3A_277 = arith.constant 15 : i32
      %add3A_278 = arith.addi %multiple_of3A_97, %add3A_277 : i32
      %dma_start3A_279 = arith.constant 0 : i32
      %dma_start3A_280 = tpu.memref_slice %arg16[%add3A_278, %dma_start3A_279] : memref<256x64xf32, #tpu.memory_space<vmem>> -> memref<1x64xf32, #tpu.memory_space<vmem>>
      %dma_start3A_281 = arith.constant 0 : i32
      %dma_start3A_282 = tpu.memref_slice %arg5[%squeeze3A_276, %dma_start3A_281] : memref<1000000x64xf32, #tpu.memory_space<hbm>> -> memref<1x64xf32, #tpu.memory_space<hbm>>
      %dma_start3A_283 = arith.constant 0 : i32
      %dma_start3A_284 = tpu.memref_slice %arg16[%add3A_278, %dma_start3A_283] : memref<256x64xf32, #tpu.memory_space<vmem>> -> memref<1x64xf32, #tpu.memory_space<vmem>>
      %dma_start3A_285 = arith.constant 0 : i32
      %dma_start3A_286 = tpu.memref_slice %arg5[%squeeze3A_276, %dma_start3A_285] : memref<1000000x64xf32, #tpu.memory_space<hbm>> -> memref<1x64xf32, #tpu.memory_space<hbm>>
      tpu.enqueue_dma source(%dma_start3A_286 : memref<1x64xf32, #tpu.memory_space<hbm>>) target(%dma_start3A_284 : memref<1x64xf32, #tpu.memory_space<vmem>>) target_semaphore(%arg19 : memref<!tpu.dma_semaphore, #tpu.memory_space<semaphore_mem>>)
    }
    %scan3A_33 = arith.constant 16 : i32
    %dma_wait3A_34 = arith.constant 0 : i32
    %dma_wait3A_35 = arith.constant 0 : i32
    %dma_wait3A_36 = tpu.memref_slice %arg5[%dma_wait3A_34, %dma_wait3A_35] : memref<1000000x64xf32, #tpu.memory_space<hbm>> -> memref<256x64xf32, #tpu.memory_space<hbm>>
    %dma_wait3A_37 = arith.constant 0 : i32
    %dma_wait3A_38 = arith.constant 0 : i32
    %dma_wait3A_39 = tpu.memref_slice %arg5[%dma_wait3A_37, %dma_wait3A_38] : memref<1000000x64xf32, #tpu.memory_space<hbm>> -> memref<256x64xf32, #tpu.memory_space<hbm>>
    tpu.wait_dma2 semaphore(%arg20 : memref<!tpu.dma_semaphore, #tpu.memory_space<semaphore_mem>>) src(%dma_wait3A_39 : memref<256x64xf32, #tpu.memory_space<hbm>>) dst(%arg17 : memref<256x64xf32, #tpu.memory_space<vmem>>)
    %dma_wait3A_40 = arith.constant 0 : i32
    %dma_wait3A_41 = arith.constant 0 : i32
    %dma_wait3A_42 = tpu.memref_slice %arg5[%dma_wait3A_40, %dma_wait3A_41] : memref<1000000x64xf32, #tpu.memory_space<hbm>> -> memref<256x64xf32, #tpu.memory_space<hbm>>
    %dma_wait3A_43 = arith.constant 0 : i32
    %dma_wait3A_44 = arith.constant 0 : i32
    %dma_wait3A_45 = tpu.memref_slice %arg5[%dma_wait3A_43, %dma_wait3A_44] : memref<1000000x64xf32, #tpu.memory_space<hbm>> -> memref<256x64xf32, #tpu.memory_space<hbm>>
    tpu.wait_dma2 semaphore(%arg20 : memref<!tpu.dma_semaphore, #tpu.memory_space<semaphore_mem>>) src(%dma_wait3A_45 : memref<256x64xf32, #tpu.memory_space<hbm>>) dst(%arg18 : memref<256x64xf32, #tpu.memory_space<vmem>>)
    %scan3A_46 = arith.constant 0 : i32
    %scan3A_47 = arith.constant 0 : i32
    %scan3A_48 = arith.constant 256 : i32
    %scan3A_49 = arith.addi %scan3A_47, %scan3A_48 : i32
    %scan3A_50 = arith.constant 1 : i32
    scf.for %scan3A_88 = %scan3A_47 to %scan3A_49 step %scan3A_50  : i32 {
      %broadcast_in_dim3A = arith.constant 0 : i32
      %broadcast_in_dim3A_89 = vector.broadcast %broadcast_in_dim3A : i32 to vector<16xi32>
      %add3A_90 = vector.broadcast %scan3A_88 : i32 to vector<16xi32>
      %add3A_91 = arith.addi %broadcast_in_dim3A_89, %add3A_90 : vector<16xi32>
      %gather3A = tpu.vector_load_idx %arg14[%add3A_91] : memref<512xf32, #tpu.memory_space<vmem>>[vector<16xi32>], vector<16xf32>,
      %get3A_92 = arith.index_cast %scan3A_88 : i32 to index
      %get3A_93 = arith.constant 0 : index
      %get3A_94 = tpu.vector_load %arg17[%get3A_92, %get3A_93] {strides = array<i32>} : memref<256x64xf32, #tpu.memory_space<vmem>>, vector<16xf32>,
      %mul3A_95 = arith.mulf %get3A_94, %gather3A : vector<16xf32>
      %get3A_96 = arith.index_cast %scan3A_88 : i32 to index
      %get3A_97 = arith.constant 0 : index
      %get3A_98 = tpu.vector_load %arg18[%get3A_96, %get3A_97] {strides = array<i32>} : memref<256x64xf32, #tpu.memory_space<vmem>>, vector<16xf32>,
      %add3A_99 = arith.addf %mul3A_95, %get3A_98 : vector<16xf32>
      %swap3A = arith.index_cast %scan3A_88 : i32 to index
      %swap3A_100 = arith.constant 0 : index
      %swap3A_101 = tpu.vector_load %arg17[%swap3A, %swap3A_100] {strides = array<i32>} : memref<256x64xf32, #tpu.memory_space<vmem>>, vector<16xf32>,
      tpu.vector_store %arg17[%swap3A, %swap3A_100], %add3A_99 {strides = array<i32>} : memref<256x64xf32, #tpu.memory_space<vmem>>, vector<16xf32>,
      %get3A_102 = arith.index_cast %scan3A_88 : i32 to index
      %get3A_103 = arith.constant 16 : index
      %get3A_104 = tpu.vector_load %arg17[%get3A_102, %get3A_103] {strides = array<i32>} : memref<256x64xf32, #tpu.memory_space<vmem>>, vector<16xf32>,
      %mul3A_105 = arith.mulf %get3A_104, %gather3A : vector<16xf32>
      %get3A_106 = arith.index_cast %scan3A_88 : i32 to index
      %get3A_107 = arith.constant 16 : index
      %get3A_108 = tpu.vector_load %arg18[%get3A_106, %get3A_107] {strides = array<i32>} : memref<256x64xf32, #tpu.memory_space<vmem>>, vector<16xf32>,
      %add3A_109 = arith.addf %mul3A_105, %get3A_108 : vector<16xf32>
      %swap3A_110 = arith.index_cast %scan3A_88 : i32 to index
      %swap3A_111 = arith.constant 16 : index
      %swap3A_112 = tpu.vector_load %arg17[%swap3A_110, %swap3A_111] {strides = array<i32>} : memref<256x64xf32, #tpu.memory_space<vmem>>, vector<16xf32>,
      tpu.vector_store %arg17[%swap3A_110, %swap3A_111], %add3A_109 {strides = array<i32>} : memref<256x64xf32, #tpu.memory_space<vmem>>, vector<16xf32>,
      %get3A_113 = arith.index_cast %scan3A_88 : i32 to index
      %get3A_114 = arith.constant 32 : index
      %get3A_115 = tpu.vector_load %arg17[%get3A_113, %get3A_114] {strides = array<i32>} : memref<256x64xf32, #tpu.memory_space<vmem>>, vector<16xf32>,
      %mul3A_116 = arith.mulf %get3A_115, %gather3A : vector<16xf32>
      %get3A_117 = arith.index_cast %scan3A_88 : i32 to index
      %get3A_118 = arith.constant 32 : index
      %get3A_119 = tpu.vector_load %arg18[%get3A_117, %get3A_118] {strides = array<i32>} : memref<256x64xf32, #tpu.memory_space<vmem>>, vector<16xf32>,
      %add3A_120 = arith.addf %mul3A_116, %get3A_119 : vector<16xf32>
      %swap3A_121 = arith.index_cast %scan3A_88 : i32 to index
      %swap3A_122 = arith.constant 32 : index
      %swap3A_123 = tpu.vector_load %arg17[%swap3A_121, %swap3A_122] {strides = array<i32>} : memref<256x64xf32, #tpu.memory_space<vmem>>, vector<16xf32>,
      tpu.vector_store %arg17[%swap3A_121, %swap3A_122], %add3A_120 {strides = array<i32>} : memref<256x64xf32, #tpu.memory_space<vmem>>, vector<16xf32>,
      %get3A_124 = arith.index_cast %scan3A_88 : i32 to index
      %get3A_125 = arith.constant 48 : index
      %get3A_126 = tpu.vector_load %arg17[%get3A_124, %get3A_125] {strides = array<i32>} : memref<256x64xf32, #tpu.memory_space<vmem>>, vector<16xf32>,
      %mul3A_127 = arith.mulf %get3A_126, %gather3A : vector<16xf32>
      %get3A_128 = arith.index_cast %scan3A_88 : i32 to index
      %get3A_129 = arith.constant 48 : index
      %get3A_130 = tpu.vector_load %arg18[%get3A_128, %get3A_129] {strides = array<i32>} : memref<256x64xf32, #tpu.memory_space<vmem>>, vector<16xf32>,
      %add3A_131 = arith.addf %mul3A_127, %get3A_130 : vector<16xf32>
      %swap3A_132 = arith.index_cast %scan3A_88 : i32 to index
      %swap3A_133 = arith.constant 48 : index
      %swap3A_134 = tpu.vector_load %arg17[%swap3A_132, %swap3A_133] {strides = array<i32>} : memref<256x64xf32, #tpu.memory_space<vmem>>, vector<16xf32>,
      tpu.vector_store %arg17[%swap3A_132, %swap3A_133], %add3A_131 {strides = array<i32>} : memref<256x64xf32, #tpu.memory_space<vmem>>, vector<16xf32>,
    }
    %scan3A_51 = arith.constant 256 : i32
    %add3A_52 = arith.constant 0 : i32
    %add3A_53 = arith.addi %mul3A_2, %add3A_52 : i32
    "tpu.region"() ({
      %run_scoped3A = tpu.sem_alloc : memref<!tpu.dma_semaphore, #tpu.memory_space<semaphore_mem>>
      %dma_start3A = arith.constant 0 : i32
      %dma_start3A_88 = tpu.memref_slice %arg10[%add3A_53, %dma_start3A] : memref<16384x64xf32, #tpu.memory_space<hbm>> -> memref<256x64xf32, #tpu.memory_space<hbm>>
      %dma_start3A_89 = arith.constant 0 : i32
      %dma_start3A_90 = tpu.memref_slice %arg10[%add3A_53, %dma_start3A_89] : memref<16384x64xf32, #tpu.memory_space<hbm>> -> memref<256x64xf32, #tpu.memory_space<hbm>>
      tpu.enqueue_dma source(%arg17 : memref<256x64xf32, #tpu.memory_space<vmem>>) target(%dma_start3A_90 : memref<256x64xf32, #tpu.memory_space<hbm>>) target_semaphore(%run_scoped3A : memref<!tpu.dma_semaphore, #tpu.memory_space<semaphore_mem>>)
      %dma_wait3A_91 = arith.constant 0 : i32
      %dma_wait3A_92 = tpu.memref_slice %arg10[%add3A_53, %dma_wait3A_91] : memref<16384x64xf32, #tpu.memory_space<hbm>> -> memref<256x64xf32, #tpu.memory_space<hbm>>
      %dma_wait3A_93 = arith.constant 0 : i32
      %dma_wait3A_94 = tpu.memref_slice %arg10[%add3A_53, %dma_wait3A_93] : memref<16384x64xf32, #tpu.memory_space<hbm>> -> memref<256x64xf32, #tpu.memory_space<hbm>>
      tpu.wait_dma2 semaphore(%run_scoped3A : memref<!tpu.dma_semaphore, #tpu.memory_space<semaphore_mem>>) src(%arg17 : memref<256x64xf32, #tpu.memory_space<vmem>>) dst(%dma_wait3A_94 : memref<256x64xf32, #tpu.memory_space<hbm>>)
      tpu.yield
    }) : () -> ()
    %scan3A_54 = arith.constant 0 : i32
    %scan3A_55 = arith.constant 0 : i32
    %scan3A_56 = arith.constant 16 : i32
    %scan3A_57 = arith.addi %scan3A_55, %scan3A_56 : i32
    %scan3A_58 = arith.constant 1 : i32
    scf.for %scan3A_88 = %scan3A_55 to %scan3A_57 step %scan3A_58  : i32 {
      %mul3A_89 = arith.constant 16 : i32
      %mul3A_90 = arith.muli %scan3A_88, %mul3A_89 : i32
      %add3A_91 = arith.constant 256 : i32
      %add3A_92 = arith.addi %add3A_91, %mul3A_90 : i32
      %multiple_of3A = tpu.assume_multiple %add3A_92, 16 : i32
      %get3A_93 = arith.index_cast %multiple_of3A : i32 to index
      %get3A_94 = tpu.vector_load %arg12[%get3A_93] {strides = array<i32>} : memref<512xi32, #tpu.memory_space<vmem>>, vector<16xi32>,
      %mul3A_95 = arith.constant 16 : i32
      %mul3A_96 = arith.muli %scan3A_88, %mul3A_95 : i32
      %multiple_of3A_97 = tpu.assume_multiple %mul3A_96, 16 : i32
      %slice3A = vector.extract_strided_slice %get3A_94 {offsets = [0], sizes = [1], strides = [1]} : vector<16xi32> to vector<1xi32>
      %squeeze3A = vector.extract %slice3A[0] : i32 from vector<1xi32>
      %add3A_98 = arith.constant 0 : i32
      %add3A_99 = arith.addi %multiple_of3A_97, %add3A_98 : i32
      %dma_start3A = arith.constant 0 : i32
      %dma_start3A_100 = tpu.memref_slice %arg17[%add3A_99, %dma_start3A] : memref<256x64xf32, #tpu.memory_space<vmem>> -> memref<1x64xf32, #tpu.memory_space<vmem>>
      %dma_start3A_101 = arith.constant 0 : i32
      %dma_start3A_102 = tpu.memref_slice %arg7[%squeeze3A, %dma_start3A_101] : memref<1000x64xf32, #tpu.memory_space<hbm>> -> memref<1x64xf32, #tpu.memory_space<hbm>>
      %dma_start3A_103 = arith.constant 0 : i32
      %dma_start3A_104 = tpu.memref_slice %arg17[%add3A_99, %dma_start3A_103] : memref<256x64xf32, #tpu.memory_space<vmem>> -> memref<1x64xf32, #tpu.memory_space<vmem>>
      %dma_start3A_105 = arith.constant 0 : i32
      %dma_start3A_106 = tpu.memref_slice %arg7[%squeeze3A, %dma_start3A_105] : memref<1000x64xf32, #tpu.memory_space<hbm>> -> memref<1x64xf32, #tpu.memory_space<hbm>>
      tpu.enqueue_dma source(%dma_start3A_106 : memref<1x64xf32, #tpu.memory_space<hbm>>) target(%dma_start3A_104 : memref<1x64xf32, #tpu.memory_space<vmem>>) target_semaphore(%arg20 : memref<!tpu.dma_semaphore, #tpu.memory_space<semaphore_mem>>)
      %add3A_107 = arith.constant 0 : i32
      %add3A_108 = arith.addi %multiple_of3A_97, %add3A_107 : i32
      %dma_start3A_109 = arith.constant 0 : i32
      %dma_start3A_110 = tpu.memref_slice %arg18[%add3A_108, %dma_start3A_109] : memref<256x64xf32, #tpu.memory_space<vmem>> -> memref<1x64xf32, #tpu.memory_space<vmem>>
      %dma_start3A_111 = arith.constant 0 : i32
      %dma_start3A_112 = tpu.memref_slice %arg6[%squeeze3A, %dma_start3A_111] : memref<1000x64xf32, #tpu.memory_space<hbm>> -> memref<1x64xf32, #tpu.memory_space<hbm>>
      %dma_start3A_113 = arith.constant 0 : i32
      %dma_start3A_114 = tpu.memref_slice %arg18[%add3A_108, %dma_start3A_113] : memref<256x64xf32, #tpu.memory_space<vmem>> -> memref<1x64xf32, #tpu.memory_space<vmem>>
      %dma_start3A_115 = arith.constant 0 : i32
      %dma_start3A_116 = tpu.memref_slice %arg6[%squeeze3A, %dma_start3A_115] : memref<1000x64xf32, #tpu.memory_space<hbm>> -> memref<1x64xf32, #tpu.memory_space<hbm>>
      tpu.enqueue_dma source(%dma_start3A_116 : memref<1x64xf32, #tpu.memory_space<hbm>>) target(%dma_start3A_114 : memref<1x64xf32, #tpu.memory_space<vmem>>) target_semaphore(%arg20 : memref<!tpu.dma_semaphore, #tpu.memory_space<semaphore_mem>>)
      %slice3A_117 = vector.extract_strided_slice %get3A_94 {offsets = [1], sizes = [1], strides = [1]} : vector<16xi32> to vector<1xi32>
      %squeeze3A_118 = vector.extract %slice3A_117[0] : i32 from vector<1xi32>
      %add3A_119 = arith.constant 1 : i32
      %add3A_120 = arith.addi %multiple_of3A_97, %add3A_119 : i32
      %dma_start3A_121 = arith.constant 0 : i32
      %dma_start3A_122 = tpu.memref_slice %arg17[%add3A_120, %dma_start3A_121] : memref<256x64xf32, #tpu.memory_space<vmem>> -> memref<1x64xf32, #tpu.memory_space<vmem>>
      %dma_start3A_123 = arith.constant 0 : i32
      %dma_start3A_124 = tpu.memref_slice %arg7[%squeeze3A_118, %dma_start3A_123] : memref<1000x64xf32, #tpu.memory_space<hbm>> -> memref<1x64xf32, #tpu.memory_space<hbm>>
      %dma_start3A_125 = arith.constant 0 : i32
      %dma_start3A_126 = tpu.memref_slice %arg17[%add3A_120, %dma_start3A_125] : memref<256x64xf32, #tpu.memory_space<vmem>> -> memref<1x64xf32, #tpu.memory_space<vmem>>
      %dma_start3A_127 = arith.constant 0 : i32
      %dma_start3A_128 = tpu.memref_slice %arg7[%squeeze3A_118, %dma_start3A_127] : memref<1000x64xf32, #tpu.memory_space<hbm>> -> memref<1x64xf32, #tpu.memory_space<hbm>>
      tpu.enqueue_dma source(%dma_start3A_128 : memref<1x64xf32, #tpu.memory_space<hbm>>) target(%dma_start3A_126 : memref<1x64xf32, #tpu.memory_space<vmem>>) target_semaphore(%arg20 : memref<!tpu.dma_semaphore, #tpu.memory_space<semaphore_mem>>)
      %add3A_129 = arith.constant 1 : i32
      %add3A_130 = arith.addi %multiple_of3A_97, %add3A_129 : i32
      %dma_start3A_131 = arith.constant 0 : i32
      %dma_start3A_132 = tpu.memref_slice %arg18[%add3A_130, %dma_start3A_131] : memref<256x64xf32, #tpu.memory_space<vmem>> -> memref<1x64xf32, #tpu.memory_space<vmem>>
      %dma_start3A_133 = arith.constant 0 : i32
      %dma_start3A_134 = tpu.memref_slice %arg6[%squeeze3A_118, %dma_start3A_133] : memref<1000x64xf32, #tpu.memory_space<hbm>> -> memref<1x64xf32, #tpu.memory_space<hbm>>
      %dma_start3A_135 = arith.constant 0 : i32
      %dma_start3A_136 = tpu.memref_slice %arg18[%add3A_130, %dma_start3A_135] : memref<256x64xf32, #tpu.memory_space<vmem>> -> memref<1x64xf32, #tpu.memory_space<vmem>>
      %dma_start3A_137 = arith.constant 0 : i32
      %dma_start3A_138 = tpu.memref_slice %arg6[%squeeze3A_118, %dma_start3A_137] : memref<1000x64xf32, #tpu.memory_space<hbm>> -> memref<1x64xf32, #tpu.memory_space<hbm>>
      tpu.enqueue_dma source(%dma_start3A_138 : memref<1x64xf32, #tpu.memory_space<hbm>>) target(%dma_start3A_136 : memref<1x64xf32, #tpu.memory_space<vmem>>) target_semaphore(%arg20 : memref<!tpu.dma_semaphore, #tpu.memory_space<semaphore_mem>>)
      %slice3A_139 = vector.extract_strided_slice %get3A_94 {offsets = [2], sizes = [1], strides = [1]} : vector<16xi32> to vector<1xi32>
      %squeeze3A_140 = vector.extract %slice3A_139[0] : i32 from vector<1xi32>
      %add3A_141 = arith.constant 2 : i32
      %add3A_142 = arith.addi %multiple_of3A_97, %add3A_141 : i32
      %dma_start3A_143 = arith.constant 0 : i32
      %dma_start3A_144 = tpu.memref_slice %arg17[%add3A_142, %dma_start3A_143] : memref<256x64xf32, #tpu.memory_space<vmem>> -> memref<1x64xf32, #tpu.memory_space<vmem>>
      %dma_start3A_145 = arith.constant 0 : i32
      %dma_start3A_146 = tpu.memref_slice %arg7[%squeeze3A_140, %dma_start3A_145] : memref<1000x64xf32, #tpu.memory_space<hbm>> -> memref<1x64xf32, #tpu.memory_space<hbm>>
      %dma_start3A_147 = arith.constant 0 : i32
      %dma_start3A_148 = tpu.memref_slice %arg17[%add3A_142, %dma_start3A_147] : memref<256x64xf32, #tpu.memory_space<vmem>> -> memref<1x64xf32, #tpu.memory_space<vmem>>
      %dma_start3A_149 = arith.constant 0 : i32
      %dma_start3A_150 = tpu.memref_slice %arg7[%squeeze3A_140, %dma_start3A_149] : memref<1000x64xf32, #tpu.memory_space<hbm>> -> memref<1x64xf32, #tpu.memory_space<hbm>>
      tpu.enqueue_dma source(%dma_start3A_150 : memref<1x64xf32, #tpu.memory_space<hbm>>) target(%dma_start3A_148 : memref<1x64xf32, #tpu.memory_space<vmem>>) target_semaphore(%arg20 : memref<!tpu.dma_semaphore, #tpu.memory_space<semaphore_mem>>)
      %add3A_151 = arith.constant 2 : i32
      %add3A_152 = arith.addi %multiple_of3A_97, %add3A_151 : i32
      %dma_start3A_153 = arith.constant 0 : i32
      %dma_start3A_154 = tpu.memref_slice %arg18[%add3A_152, %dma_start3A_153] : memref<256x64xf32, #tpu.memory_space<vmem>> -> memref<1x64xf32, #tpu.memory_space<vmem>>
      %dma_start3A_155 = arith.constant 0 : i32
      %dma_start3A_156 = tpu.memref_slice %arg6[%squeeze3A_140, %dma_start3A_155] : memref<1000x64xf32, #tpu.memory_space<hbm>> -> memref<1x64xf32, #tpu.memory_space<hbm>>
      %dma_start3A_157 = arith.constant 0 : i32
      %dma_start3A_158 = tpu.memref_slice %arg18[%add3A_152, %dma_start3A_157] : memref<256x64xf32, #tpu.memory_space<vmem>> -> memref<1x64xf32, #tpu.memory_space<vmem>>
      %dma_start3A_159 = arith.constant 0 : i32
      %dma_start3A_160 = tpu.memref_slice %arg6[%squeeze3A_140, %dma_start3A_159] : memref<1000x64xf32, #tpu.memory_space<hbm>> -> memref<1x64xf32, #tpu.memory_space<hbm>>
      tpu.enqueue_dma source(%dma_start3A_160 : memref<1x64xf32, #tpu.memory_space<hbm>>) target(%dma_start3A_158 : memref<1x64xf32, #tpu.memory_space<vmem>>) target_semaphore(%arg20 : memref<!tpu.dma_semaphore, #tpu.memory_space<semaphore_mem>>)
      %slice3A_161 = vector.extract_strided_slice %get3A_94 {offsets = [3], sizes = [1], strides = [1]} : vector<16xi32> to vector<1xi32>
      %squeeze3A_162 = vector.extract %slice3A_161[0] : i32 from vector<1xi32>
      %add3A_163 = arith.constant 3 : i32
      %add3A_164 = arith.addi %multiple_of3A_97, %add3A_163 : i32
      %dma_start3A_165 = arith.constant 0 : i32
      %dma_start3A_166 = tpu.memref_slice %arg17[%add3A_164, %dma_start3A_165] : memref<256x64xf32, #tpu.memory_space<vmem>> -> memref<1x64xf32, #tpu.memory_space<vmem>>
      %dma_start3A_167 = arith.constant 0 : i32
      %dma_start3A_168 = tpu.memref_slice %arg7[%squeeze3A_162, %dma_start3A_167] : memref<1000x64xf32, #tpu.memory_space<hbm>> -> memref<1x64xf32, #tpu.memory_space<hbm>>
      %dma_start3A_169 = arith.constant 0 : i32
      %dma_start3A_170 = tpu.memref_slice %arg17[%add3A_164, %dma_start3A_169] : memref<256x64xf32, #tpu.memory_space<vmem>> -> memref<1x64xf32, #tpu.memory_space<vmem>>
      %dma_start3A_171 = arith.constant 0 : i32
      %dma_start3A_172 = tpu.memref_slice %arg7[%squeeze3A_162, %dma_start3A_171] : memref<1000x64xf32, #tpu.memory_space<hbm>> -> memref<1x64xf32, #tpu.memory_space<hbm>>
      tpu.enqueue_dma source(%dma_start3A_172 : memref<1x64xf32, #tpu.memory_space<hbm>>) target(%dma_start3A_170 : memref<1x64xf32, #tpu.memory_space<vmem>>) target_semaphore(%arg20 : memref<!tpu.dma_semaphore, #tpu.memory_space<semaphore_mem>>)
      %add3A_173 = arith.constant 3 : i32
      %add3A_174 = arith.addi %multiple_of3A_97, %add3A_173 : i32
      %dma_start3A_175 = arith.constant 0 : i32
      %dma_start3A_176 = tpu.memref_slice %arg18[%add3A_174, %dma_start3A_175] : memref<256x64xf32, #tpu.memory_space<vmem>> -> memref<1x64xf32, #tpu.memory_space<vmem>>
      %dma_start3A_177 = arith.constant 0 : i32
      %dma_start3A_178 = tpu.memref_slice %arg6[%squeeze3A_162, %dma_start3A_177] : memref<1000x64xf32, #tpu.memory_space<hbm>> -> memref<1x64xf32, #tpu.memory_space<hbm>>
      %dma_start3A_179 = arith.constant 0 : i32
      %dma_start3A_180 = tpu.memref_slice %arg18[%add3A_174, %dma_start3A_179] : memref<256x64xf32, #tpu.memory_space<vmem>> -> memref<1x64xf32, #tpu.memory_space<vmem>>
      %dma_start3A_181 = arith.constant 0 : i32
      %dma_start3A_182 = tpu.memref_slice %arg6[%squeeze3A_162, %dma_start3A_181] : memref<1000x64xf32, #tpu.memory_space<hbm>> -> memref<1x64xf32, #tpu.memory_space<hbm>>
      tpu.enqueue_dma source(%dma_start3A_182 : memref<1x64xf32, #tpu.memory_space<hbm>>) target(%dma_start3A_180 : memref<1x64xf32, #tpu.memory_space<vmem>>) target_semaphore(%arg20 : memref<!tpu.dma_semaphore, #tpu.memory_space<semaphore_mem>>)
      %slice3A_183 = vector.extract_strided_slice %get3A_94 {offsets = [4], sizes = [1], strides = [1]} : vector<16xi32> to vector<1xi32>
      %squeeze3A_184 = vector.extract %slice3A_183[0] : i32 from vector<1xi32>
      %add3A_185 = arith.constant 4 : i32
      %add3A_186 = arith.addi %multiple_of3A_97, %add3A_185 : i32
      %dma_start3A_187 = arith.constant 0 : i32
      %dma_start3A_188 = tpu.memref_slice %arg17[%add3A_186, %dma_start3A_187] : memref<256x64xf32, #tpu.memory_space<vmem>> -> memref<1x64xf32, #tpu.memory_space<vmem>>
      %dma_start3A_189 = arith.constant 0 : i32
      %dma_start3A_190 = tpu.memref_slice %arg7[%squeeze3A_184, %dma_start3A_189] : memref<1000x64xf32, #tpu.memory_space<hbm>> -> memref<1x64xf32, #tpu.memory_space<hbm>>
      %dma_start3A_191 = arith.constant 0 : i32
      %dma_start3A_192 = tpu.memref_slice %arg17[%add3A_186, %dma_start3A_191] : memref<256x64xf32, #tpu.memory_space<vmem>> -> memref<1x64xf32, #tpu.memory_space<vmem>>
      %dma_start3A_193 = arith.constant 0 : i32
      %dma_start3A_194 = tpu.memref_slice %arg7[%squeeze3A_184, %dma_start3A_193] : memref<1000x64xf32, #tpu.memory_space<hbm>> -> memref<1x64xf32, #tpu.memory_space<hbm>>
      tpu.enqueue_dma source(%dma_start3A_194 : memref<1x64xf32, #tpu.memory_space<hbm>>) target(%dma_start3A_192 : memref<1x64xf32, #tpu.memory_space<vmem>>) target_semaphore(%arg20 : memref<!tpu.dma_semaphore, #tpu.memory_space<semaphore_mem>>)
      %add3A_195 = arith.constant 4 : i32
      %add3A_196 = arith.addi %multiple_of3A_97, %add3A_195 : i32
      %dma_start3A_197 = arith.constant 0 : i32
      %dma_start3A_198 = tpu.memref_slice %arg18[%add3A_196, %dma_start3A_197] : memref<256x64xf32, #tpu.memory_space<vmem>> -> memref<1x64xf32, #tpu.memory_space<vmem>>
      %dma_start3A_199 = arith.constant 0 : i32
      %dma_start3A_200 = tpu.memref_slice %arg6[%squeeze3A_184, %dma_start3A_199] : memref<1000x64xf32, #tpu.memory_space<hbm>> -> memref<1x64xf32, #tpu.memory_space<hbm>>
      %dma_start3A_201 = arith.constant 0 : i32
      %dma_start3A_202 = tpu.memref_slice %arg18[%add3A_196, %dma_start3A_201] : memref<256x64xf32, #tpu.memory_space<vmem>> -> memref<1x64xf32, #tpu.memory_space<vmem>>
      %dma_start3A_203 = arith.constant 0 : i32
      %dma_start3A_204 = tpu.memref_slice %arg6[%squeeze3A_184, %dma_start3A_203] : memref<1000x64xf32, #tpu.memory_space<hbm>> -> memref<1x64xf32, #tpu.memory_space<hbm>>
      tpu.enqueue_dma source(%dma_start3A_204 : memref<1x64xf32, #tpu.memory_space<hbm>>) target(%dma_start3A_202 : memref<1x64xf32, #tpu.memory_space<vmem>>) target_semaphore(%arg20 : memref<!tpu.dma_semaphore, #tpu.memory_space<semaphore_mem>>)
      %slice3A_205 = vector.extract_strided_slice %get3A_94 {offsets = [5], sizes = [1], strides = [1]} : vector<16xi32> to vector<1xi32>
      %squeeze3A_206 = vector.extract %slice3A_205[0] : i32 from vector<1xi32>
      %add3A_207 = arith.constant 5 : i32
      %add3A_208 = arith.addi %multiple_of3A_97, %add3A_207 : i32
      %dma_start3A_209 = arith.constant 0 : i32
      %dma_start3A_210 = tpu.memref_slice %arg17[%add3A_208, %dma_start3A_209] : memref<256x64xf32, #tpu.memory_space<vmem>> -> memref<1x64xf32, #tpu.memory_space<vmem>>
      %dma_start3A_211 = arith.constant 0 : i32
      %dma_start3A_212 = tpu.memref_slice %arg7[%squeeze3A_206, %dma_start3A_211] : memref<1000x64xf32, #tpu.memory_space<hbm>> -> memref<1x64xf32, #tpu.memory_space<hbm>>
      %dma_start3A_213 = arith.constant 0 : i32
      %dma_start3A_214 = tpu.memref_slice %arg17[%add3A_208, %dma_start3A_213] : memref<256x64xf32, #tpu.memory_space<vmem>> -> memref<1x64xf32, #tpu.memory_space<vmem>>
      %dma_start3A_215 = arith.constant 0 : i32
      %dma_start3A_216 = tpu.memref_slice %arg7[%squeeze3A_206, %dma_start3A_215] : memref<1000x64xf32, #tpu.memory_space<hbm>> -> memref<1x64xf32, #tpu.memory_space<hbm>>
      tpu.enqueue_dma source(%dma_start3A_216 : memref<1x64xf32, #tpu.memory_space<hbm>>) target(%dma_start3A_214 : memref<1x64xf32, #tpu.memory_space<vmem>>) target_semaphore(%arg20 : memref<!tpu.dma_semaphore, #tpu.memory_space<semaphore_mem>>)
      %add3A_217 = arith.constant 5 : i32
      %add3A_218 = arith.addi %multiple_of3A_97, %add3A_217 : i32
      %dma_start3A_219 = arith.constant 0 : i32
      %dma_start3A_220 = tpu.memref_slice %arg18[%add3A_218, %dma_start3A_219] : memref<256x64xf32, #tpu.memory_space<vmem>> -> memref<1x64xf32, #tpu.memory_space<vmem>>
      %dma_start3A_221 = arith.constant 0 : i32
      %dma_start3A_222 = tpu.memref_slice %arg6[%squeeze3A_206, %dma_start3A_221] : memref<1000x64xf32, #tpu.memory_space<hbm>> -> memref<1x64xf32, #tpu.memory_space<hbm>>
      %dma_start3A_223 = arith.constant 0 : i32
      %dma_start3A_224 = tpu.memref_slice %arg18[%add3A_218, %dma_start3A_223] : memref<256x64xf32, #tpu.memory_space<vmem>> -> memref<1x64xf32, #tpu.memory_space<vmem>>
      %dma_start3A_225 = arith.constant 0 : i32
      %dma_start3A_226 = tpu.memref_slice %arg6[%squeeze3A_206, %dma_start3A_225] : memref<1000x64xf32, #tpu.memory_space<hbm>> -> memref<1x64xf32, #tpu.memory_space<hbm>>
      tpu.enqueue_dma source(%dma_start3A_226 : memref<1x64xf32, #tpu.memory_space<hbm>>) target(%dma_start3A_224 : memref<1x64xf32, #tpu.memory_space<vmem>>) target_semaphore(%arg20 : memref<!tpu.dma_semaphore, #tpu.memory_space<semaphore_mem>>)
      %slice3A_227 = vector.extract_strided_slice %get3A_94 {offsets = [6], sizes = [1], strides = [1]} : vector<16xi32> to vector<1xi32>
      %squeeze3A_228 = vector.extract %slice3A_227[0] : i32 from vector<1xi32>
      %add3A_229 = arith.constant 6 : i32
      %add3A_230 = arith.addi %multiple_of3A_97, %add3A_229 : i32
      %dma_start3A_231 = arith.constant 0 : i32
      %dma_start3A_232 = tpu.memref_slice %arg17[%add3A_230, %dma_start3A_231] : memref<256x64xf32, #tpu.memory_space<vmem>> -> memref<1x64xf32, #tpu.memory_space<vmem>>
      %dma_start3A_233 = arith.constant 0 : i32
      %dma_start3A_234 = tpu.memref_slice %arg7[%squeeze3A_228, %dma_start3A_233] : memref<1000x64xf32, #tpu.memory_space<hbm>> -> memref<1x64xf32, #tpu.memory_space<hbm>>
      %dma_start3A_235 = arith.constant 0 : i32
      %dma_start3A_236 = tpu.memref_slice %arg17[%add3A_230, %dma_start3A_235] : memref<256x64xf32, #tpu.memory_space<vmem>> -> memref<1x64xf32, #tpu.memory_space<vmem>>
      %dma_start3A_237 = arith.constant 0 : i32
      %dma_start3A_238 = tpu.memref_slice %arg7[%squeeze3A_228, %dma_start3A_237] : memref<1000x64xf32, #tpu.memory_space<hbm>> -> memref<1x64xf32, #tpu.memory_space<hbm>>
      tpu.enqueue_dma source(%dma_start3A_238 : memref<1x64xf32, #tpu.memory_space<hbm>>) target(%dma_start3A_236 : memref<1x64xf32, #tpu.memory_space<vmem>>) target_semaphore(%arg20 : memref<!tpu.dma_semaphore, #tpu.memory_space<semaphore_mem>>)
      %add3A_239 = arith.constant 6 : i32
      %add3A_240 = arith.addi %multiple_of3A_97, %add3A_239 : i32
      %dma_start3A_241 = arith.constant 0 : i32
      %dma_start3A_242 = tpu.memref_slice %arg18[%add3A_240, %dma_start3A_241] : memref<256x64xf32, #tpu.memory_space<vmem>> -> memref<1x64xf32, #tpu.memory_space<vmem>>
      %dma_start3A_243 = arith.constant 0 : i32
      %dma_start3A_244 = tpu.memref_slice %arg6[%squeeze3A_228, %dma_start3A_243] : memref<1000x64xf32, #tpu.memory_space<hbm>> -> memref<1x64xf32, #tpu.memory_space<hbm>>
      %dma_start3A_245 = arith.constant 0 : i32
      %dma_start3A_246 = tpu.memref_slice %arg18[%add3A_240, %dma_start3A_245] : memref<256x64xf32, #tpu.memory_space<vmem>> -> memref<1x64xf32, #tpu.memory_space<vmem>>
      %dma_start3A_247 = arith.constant 0 : i32
      %dma_start3A_248 = tpu.memref_slice %arg6[%squeeze3A_228, %dma_start3A_247] : memref<1000x64xf32, #tpu.memory_space<hbm>> -> memref<1x64xf32, #tpu.memory_space<hbm>>
      tpu.enqueue_dma source(%dma_start3A_248 : memref<1x64xf32, #tpu.memory_space<hbm>>) target(%dma_start3A_246 : memref<1x64xf32, #tpu.memory_space<vmem>>) target_semaphore(%arg20 : memref<!tpu.dma_semaphore, #tpu.memory_space<semaphore_mem>>)
      %slice3A_249 = vector.extract_strided_slice %get3A_94 {offsets = [7], sizes = [1], strides = [1]} : vector<16xi32> to vector<1xi32>
      %squeeze3A_250 = vector.extract %slice3A_249[0] : i32 from vector<1xi32>
      %add3A_251 = arith.constant 7 : i32
      %add3A_252 = arith.addi %multiple_of3A_97, %add3A_251 : i32
      %dma_start3A_253 = arith.constant 0 : i32
      %dma_start3A_254 = tpu.memref_slice %arg17[%add3A_252, %dma_start3A_253] : memref<256x64xf32, #tpu.memory_space<vmem>> -> memref<1x64xf32, #tpu.memory_space<vmem>>
      %dma_start3A_255 = arith.constant 0 : i32
      %dma_start3A_256 = tpu.memref_slice %arg7[%squeeze3A_250, %dma_start3A_255] : memref<1000x64xf32, #tpu.memory_space<hbm>> -> memref<1x64xf32, #tpu.memory_space<hbm>>
      %dma_start3A_257 = arith.constant 0 : i32
      %dma_start3A_258 = tpu.memref_slice %arg17[%add3A_252, %dma_start3A_257] : memref<256x64xf32, #tpu.memory_space<vmem>> -> memref<1x64xf32, #tpu.memory_space<vmem>>
      %dma_start3A_259 = arith.constant 0 : i32
      %dma_start3A_260 = tpu.memref_slice %arg7[%squeeze3A_250, %dma_start3A_259] : memref<1000x64xf32, #tpu.memory_space<hbm>> -> memref<1x64xf32, #tpu.memory_space<hbm>>
      tpu.enqueue_dma source(%dma_start3A_260 : memref<1x64xf32, #tpu.memory_space<hbm>>) target(%dma_start3A_258 : memref<1x64xf32, #tpu.memory_space<vmem>>) target_semaphore(%arg20 : memref<!tpu.dma_semaphore, #tpu.memory_space<semaphore_mem>>)
      %add3A_261 = arith.constant 7 : i32
      %add3A_262 = arith.addi %multiple_of3A_97, %add3A_261 : i32
      %dma_start3A_263 = arith.constant 0 : i32
      %dma_start3A_264 = tpu.memref_slice %arg18[%add3A_262, %dma_start3A_263] : memref<256x64xf32, #tpu.memory_space<vmem>> -> memref<1x64xf32, #tpu.memory_space<vmem>>
      %dma_start3A_265 = arith.constant 0 : i32
      %dma_start3A_266 = tpu.memref_slice %arg6[%squeeze3A_250, %dma_start3A_265] : memref<1000x64xf32, #tpu.memory_space<hbm>> -> memref<1x64xf32, #tpu.memory_space<hbm>>
      %dma_start3A_267 = arith.constant 0 : i32
      %dma_start3A_268 = tpu.memref_slice %arg18[%add3A_262, %dma_start3A_267] : memref<256x64xf32, #tpu.memory_space<vmem>> -> memref<1x64xf32, #tpu.memory_space<vmem>>
      %dma_start3A_269 = arith.constant 0 : i32
      %dma_start3A_270 = tpu.memref_slice %arg6[%squeeze3A_250, %dma_start3A_269] : memref<1000x64xf32, #tpu.memory_space<hbm>> -> memref<1x64xf32, #tpu.memory_space<hbm>>
      tpu.enqueue_dma source(%dma_start3A_270 : memref<1x64xf32, #tpu.memory_space<hbm>>) target(%dma_start3A_268 : memref<1x64xf32, #tpu.memory_space<vmem>>) target_semaphore(%arg20 : memref<!tpu.dma_semaphore, #tpu.memory_space<semaphore_mem>>)
      %slice3A_271 = vector.extract_strided_slice %get3A_94 {offsets = [8], sizes = [1], strides = [1]} : vector<16xi32> to vector<1xi32>
      %squeeze3A_272 = vector.extract %slice3A_271[0] : i32 from vector<1xi32>
      %add3A_273 = arith.constant 8 : i32
      %add3A_274 = arith.addi %multiple_of3A_97, %add3A_273 : i32
      %dma_start3A_275 = arith.constant 0 : i32
      %dma_start3A_276 = tpu.memref_slice %arg17[%add3A_274, %dma_start3A_275] : memref<256x64xf32, #tpu.memory_space<vmem>> -> memref<1x64xf32, #tpu.memory_space<vmem>>
      %dma_start3A_277 = arith.constant 0 : i32
      %dma_start3A_278 = tpu.memref_slice %arg7[%squeeze3A_272, %dma_start3A_277] : memref<1000x64xf32, #tpu.memory_space<hbm>> -> memref<1x64xf32, #tpu.memory_space<hbm>>
      %dma_start3A_279 = arith.constant 0 : i32
      %dma_start3A_280 = tpu.memref_slice %arg17[%add3A_274, %dma_start3A_279] : memref<256x64xf32, #tpu.memory_space<vmem>> -> memref<1x64xf32, #tpu.memory_space<vmem>>
      %dma_start3A_281 = arith.constant 0 : i32
      %dma_start3A_282 = tpu.memref_slice %arg7[%squeeze3A_272, %dma_start3A_281] : memref<1000x64xf32, #tpu.memory_space<hbm>> -> memref<1x64xf32, #tpu.memory_space<hbm>>
      tpu.enqueue_dma source(%dma_start3A_282 : memref<1x64xf32, #tpu.memory_space<hbm>>) target(%dma_start3A_280 : memref<1x64xf32, #tpu.memory_space<vmem>>) target_semaphore(%arg20 : memref<!tpu.dma_semaphore, #tpu.memory_space<semaphore_mem>>)
      %add3A_283 = arith.constant 8 : i32
      %add3A_284 = arith.addi %multiple_of3A_97, %add3A_283 : i32
      %dma_start3A_285 = arith.constant 0 : i32
      %dma_start3A_286 = tpu.memref_slice %arg18[%add3A_284, %dma_start3A_285] : memref<256x64xf32, #tpu.memory_space<vmem>> -> memref<1x64xf32, #tpu.memory_space<vmem>>
      %dma_start3A_287 = arith.constant 0 : i32
      %dma_start3A_288 = tpu.memref_slice %arg6[%squeeze3A_272, %dma_start3A_287] : memref<1000x64xf32, #tpu.memory_space<hbm>> -> memref<1x64xf32, #tpu.memory_space<hbm>>
      %dma_start3A_289 = arith.constant 0 : i32
      %dma_start3A_290 = tpu.memref_slice %arg18[%add3A_284, %dma_start3A_289] : memref<256x64xf32, #tpu.memory_space<vmem>> -> memref<1x64xf32, #tpu.memory_space<vmem>>
      %dma_start3A_291 = arith.constant 0 : i32
      %dma_start3A_292 = tpu.memref_slice %arg6[%squeeze3A_272, %dma_start3A_291] : memref<1000x64xf32, #tpu.memory_space<hbm>> -> memref<1x64xf32, #tpu.memory_space<hbm>>
      tpu.enqueue_dma source(%dma_start3A_292 : memref<1x64xf32, #tpu.memory_space<hbm>>) target(%dma_start3A_290 : memref<1x64xf32, #tpu.memory_space<vmem>>) target_semaphore(%arg20 : memref<!tpu.dma_semaphore, #tpu.memory_space<semaphore_mem>>)
      %slice3A_293 = vector.extract_strided_slice %get3A_94 {offsets = [9], sizes = [1], strides = [1]} : vector<16xi32> to vector<1xi32>
      %squeeze3A_294 = vector.extract %slice3A_293[0] : i32 from vector<1xi32>
      %add3A_295 = arith.constant 9 : i32
      %add3A_296 = arith.addi %multiple_of3A_97, %add3A_295 : i32
      %dma_start3A_297 = arith.constant 0 : i32
      %dma_start3A_298 = tpu.memref_slice %arg17[%add3A_296, %dma_start3A_297] : memref<256x64xf32, #tpu.memory_space<vmem>> -> memref<1x64xf32, #tpu.memory_space<vmem>>
      %dma_start3A_299 = arith.constant 0 : i32
      %dma_start3A_300 = tpu.memref_slice %arg7[%squeeze3A_294, %dma_start3A_299] : memref<1000x64xf32, #tpu.memory_space<hbm>> -> memref<1x64xf32, #tpu.memory_space<hbm>>
      %dma_start3A_301 = arith.constant 0 : i32
      %dma_start3A_302 = tpu.memref_slice %arg17[%add3A_296, %dma_start3A_301] : memref<256x64xf32, #tpu.memory_space<vmem>> -> memref<1x64xf32, #tpu.memory_space<vmem>>
      %dma_start3A_303 = arith.constant 0 : i32
      %dma_start3A_304 = tpu.memref_slice %arg7[%squeeze3A_294, %dma_start3A_303] : memref<1000x64xf32, #tpu.memory_space<hbm>> -> memref<1x64xf32, #tpu.memory_space<hbm>>
      tpu.enqueue_dma source(%dma_start3A_304 : memref<1x64xf32, #tpu.memory_space<hbm>>) target(%dma_start3A_302 : memref<1x64xf32, #tpu.memory_space<vmem>>) target_semaphore(%arg20 : memref<!tpu.dma_semaphore, #tpu.memory_space<semaphore_mem>>)
      %add3A_305 = arith.constant 9 : i32
      %add3A_306 = arith.addi %multiple_of3A_97, %add3A_305 : i32
      %dma_start3A_307 = arith.constant 0 : i32
      %dma_start3A_308 = tpu.memref_slice %arg18[%add3A_306, %dma_start3A_307] : memref<256x64xf32, #tpu.memory_space<vmem>> -> memref<1x64xf32, #tpu.memory_space<vmem>>
      %dma_start3A_309 = arith.constant 0 : i32
      %dma_start3A_310 = tpu.memref_slice %arg6[%squeeze3A_294, %dma_start3A_309] : memref<1000x64xf32, #tpu.memory_space<hbm>> -> memref<1x64xf32, #tpu.memory_space<hbm>>
      %dma_start3A_311 = arith.constant 0 : i32
      %dma_start3A_312 = tpu.memref_slice %arg18[%add3A_306, %dma_start3A_311] : memref<256x64xf32, #tpu.memory_space<vmem>> -> memref<1x64xf32, #tpu.memory_space<vmem>>
      %dma_start3A_313 = arith.constant 0 : i32
      %dma_start3A_314 = tpu.memref_slice %arg6[%squeeze3A_294, %dma_start3A_313] : memref<1000x64xf32, #tpu.memory_space<hbm>> -> memref<1x64xf32, #tpu.memory_space<hbm>>
      tpu.enqueue_dma source(%dma_start3A_314 : memref<1x64xf32, #tpu.memory_space<hbm>>) target(%dma_start3A_312 : memref<1x64xf32, #tpu.memory_space<vmem>>) target_semaphore(%arg20 : memref<!tpu.dma_semaphore, #tpu.memory_space<semaphore_mem>>)
      %slice3A_315 = vector.extract_strided_slice %get3A_94 {offsets = [10], sizes = [1], strides = [1]} : vector<16xi32> to vector<1xi32>
      %squeeze3A_316 = vector.extract %slice3A_315[0] : i32 from vector<1xi32>
      %add3A_317 = arith.constant 10 : i32
      %add3A_318 = arith.addi %multiple_of3A_97, %add3A_317 : i32
      %dma_start3A_319 = arith.constant 0 : i32
      %dma_start3A_320 = tpu.memref_slice %arg17[%add3A_318, %dma_start3A_319] : memref<256x64xf32, #tpu.memory_space<vmem>> -> memref<1x64xf32, #tpu.memory_space<vmem>>
      %dma_start3A_321 = arith.constant 0 : i32
      %dma_start3A_322 = tpu.memref_slice %arg7[%squeeze3A_316, %dma_start3A_321] : memref<1000x64xf32, #tpu.memory_space<hbm>> -> memref<1x64xf32, #tpu.memory_space<hbm>>
      %dma_start3A_323 = arith.constant 0 : i32
      %dma_start3A_324 = tpu.memref_slice %arg17[%add3A_318, %dma_start3A_323] : memref<256x64xf32, #tpu.memory_space<vmem>> -> memref<1x64xf32, #tpu.memory_space<vmem>>
      %dma_start3A_325 = arith.constant 0 : i32
      %dma_start3A_326 = tpu.memref_slice %arg7[%squeeze3A_316, %dma_start3A_325] : memref<1000x64xf32, #tpu.memory_space<hbm>> -> memref<1x64xf32, #tpu.memory_space<hbm>>
      tpu.enqueue_dma source(%dma_start3A_326 : memref<1x64xf32, #tpu.memory_space<hbm>>) target(%dma_start3A_324 : memref<1x64xf32, #tpu.memory_space<vmem>>) target_semaphore(%arg20 : memref<!tpu.dma_semaphore, #tpu.memory_space<semaphore_mem>>)
      %add3A_327 = arith.constant 10 : i32
      %add3A_328 = arith.addi %multiple_of3A_97, %add3A_327 : i32
      %dma_start3A_329 = arith.constant 0 : i32
      %dma_start3A_330 = tpu.memref_slice %arg18[%add3A_328, %dma_start3A_329] : memref<256x64xf32, #tpu.memory_space<vmem>> -> memref<1x64xf32, #tpu.memory_space<vmem>>
      %dma_start3A_331 = arith.constant 0 : i32
      %dma_start3A_332 = tpu.memref_slice %arg6[%squeeze3A_316, %dma_start3A_331] : memref<1000x64xf32, #tpu.memory_space<hbm>> -> memref<1x64xf32, #tpu.memory_space<hbm>>
      %dma_start3A_333 = arith.constant 0 : i32
      %dma_start3A_334 = tpu.memref_slice %arg18[%add3A_328, %dma_start3A_333] : memref<256x64xf32, #tpu.memory_space<vmem>> -> memref<1x64xf32, #tpu.memory_space<vmem>>
      %dma_start3A_335 = arith.constant 0 : i32
      %dma_start3A_336 = tpu.memref_slice %arg6[%squeeze3A_316, %dma_start3A_335] : memref<1000x64xf32, #tpu.memory_space<hbm>> -> memref<1x64xf32, #tpu.memory_space<hbm>>
      tpu.enqueue_dma source(%dma_start3A_336 : memref<1x64xf32, #tpu.memory_space<hbm>>) target(%dma_start3A_334 : memref<1x64xf32, #tpu.memory_space<vmem>>) target_semaphore(%arg20 : memref<!tpu.dma_semaphore, #tpu.memory_space<semaphore_mem>>)
      %slice3A_337 = vector.extract_strided_slice %get3A_94 {offsets = [11], sizes = [1], strides = [1]} : vector<16xi32> to vector<1xi32>
      %squeeze3A_338 = vector.extract %slice3A_337[0] : i32 from vector<1xi32>
      %add3A_339 = arith.constant 11 : i32
      %add3A_340 = arith.addi %multiple_of3A_97, %add3A_339 : i32
      %dma_start3A_341 = arith.constant 0 : i32
      %dma_start3A_342 = tpu.memref_slice %arg17[%add3A_340, %dma_start3A_341] : memref<256x64xf32, #tpu.memory_space<vmem>> -> memref<1x64xf32, #tpu.memory_space<vmem>>
      %dma_start3A_343 = arith.constant 0 : i32
      %dma_start3A_344 = tpu.memref_slice %arg7[%squeeze3A_338, %dma_start3A_343] : memref<1000x64xf32, #tpu.memory_space<hbm>> -> memref<1x64xf32, #tpu.memory_space<hbm>>
      %dma_start3A_345 = arith.constant 0 : i32
      %dma_start3A_346 = tpu.memref_slice %arg17[%add3A_340, %dma_start3A_345] : memref<256x64xf32, #tpu.memory_space<vmem>> -> memref<1x64xf32, #tpu.memory_space<vmem>>
      %dma_start3A_347 = arith.constant 0 : i32
      %dma_start3A_348 = tpu.memref_slice %arg7[%squeeze3A_338, %dma_start3A_347] : memref<1000x64xf32, #tpu.memory_space<hbm>> -> memref<1x64xf32, #tpu.memory_space<hbm>>
      tpu.enqueue_dma source(%dma_start3A_348 : memref<1x64xf32, #tpu.memory_space<hbm>>) target(%dma_start3A_346 : memref<1x64xf32, #tpu.memory_space<vmem>>) target_semaphore(%arg20 : memref<!tpu.dma_semaphore, #tpu.memory_space<semaphore_mem>>)
      %add3A_349 = arith.constant 11 : i32
      %add3A_350 = arith.addi %multiple_of3A_97, %add3A_349 : i32
      %dma_start3A_351 = arith.constant 0 : i32
      %dma_start3A_352 = tpu.memref_slice %arg18[%add3A_350, %dma_start3A_351] : memref<256x64xf32, #tpu.memory_space<vmem>> -> memref<1x64xf32, #tpu.memory_space<vmem>>
      %dma_start3A_353 = arith.constant 0 : i32
      %dma_start3A_354 = tpu.memref_slice %arg6[%squeeze3A_338, %dma_start3A_353] : memref<1000x64xf32, #tpu.memory_space<hbm>> -> memref<1x64xf32, #tpu.memory_space<hbm>>
      %dma_start3A_355 = arith.constant 0 : i32
      %dma_start3A_356 = tpu.memref_slice %arg18[%add3A_350, %dma_start3A_355] : memref<256x64xf32, #tpu.memory_space<vmem>> -> memref<1x64xf32, #tpu.memory_space<vmem>>
      %dma_start3A_357 = arith.constant 0 : i32
      %dma_start3A_358 = tpu.memref_slice %arg6[%squeeze3A_338, %dma_start3A_357] : memref<1000x64xf32, #tpu.memory_space<hbm>> -> memref<1x64xf32, #tpu.memory_space<hbm>>
      tpu.enqueue_dma source(%dma_start3A_358 : memref<1x64xf32, #tpu.memory_space<hbm>>) target(%dma_start3A_356 : memref<1x64xf32, #tpu.memory_space<vmem>>) target_semaphore(%arg20 : memref<!tpu.dma_semaphore, #tpu.memory_space<semaphore_mem>>)
      %slice3A_359 = vector.extract_strided_slice %get3A_94 {offsets = [12], sizes = [1], strides = [1]} : vector<16xi32> to vector<1xi32>
      %squeeze3A_360 = vector.extract %slice3A_359[0] : i32 from vector<1xi32>
      %add3A_361 = arith.constant 12 : i32
      %add3A_362 = arith.addi %multiple_of3A_97, %add3A_361 : i32
      %dma_start3A_363 = arith.constant 0 : i32
      %dma_start3A_364 = tpu.memref_slice %arg17[%add3A_362, %dma_start3A_363] : memref<256x64xf32, #tpu.memory_space<vmem>> -> memref<1x64xf32, #tpu.memory_space<vmem>>
      %dma_start3A_365 = arith.constant 0 : i32
      %dma_start3A_366 = tpu.memref_slice %arg7[%squeeze3A_360, %dma_start3A_365] : memref<1000x64xf32, #tpu.memory_space<hbm>> -> memref<1x64xf32, #tpu.memory_space<hbm>>
      %dma_start3A_367 = arith.constant 0 : i32
      %dma_start3A_368 = tpu.memref_slice %arg17[%add3A_362, %dma_start3A_367] : memref<256x64xf32, #tpu.memory_space<vmem>> -> memref<1x64xf32, #tpu.memory_space<vmem>>
      %dma_start3A_369 = arith.constant 0 : i32
      %dma_start3A_370 = tpu.memref_slice %arg7[%squeeze3A_360, %dma_start3A_369] : memref<1000x64xf32, #tpu.memory_space<hbm>> -> memref<1x64xf32, #tpu.memory_space<hbm>>
      tpu.enqueue_dma source(%dma_start3A_370 : memref<1x64xf32, #tpu.memory_space<hbm>>) target(%dma_start3A_368 : memref<1x64xf32, #tpu.memory_space<vmem>>) target_semaphore(%arg20 : memref<!tpu.dma_semaphore, #tpu.memory_space<semaphore_mem>>)
      %add3A_371 = arith.constant 12 : i32
      %add3A_372 = arith.addi %multiple_of3A_97, %add3A_371 : i32
      %dma_start3A_373 = arith.constant 0 : i32
      %dma_start3A_374 = tpu.memref_slice %arg18[%add3A_372, %dma_start3A_373] : memref<256x64xf32, #tpu.memory_space<vmem>> -> memref<1x64xf32, #tpu.memory_space<vmem>>
      %dma_start3A_375 = arith.constant 0 : i32
      %dma_start3A_376 = tpu.memref_slice %arg6[%squeeze3A_360, %dma_start3A_375] : memref<1000x64xf32, #tpu.memory_space<hbm>> -> memref<1x64xf32, #tpu.memory_space<hbm>>
      %dma_start3A_377 = arith.constant 0 : i32
      %dma_start3A_378 = tpu.memref_slice %arg18[%add3A_372, %dma_start3A_377] : memref<256x64xf32, #tpu.memory_space<vmem>> -> memref<1x64xf32, #tpu.memory_space<vmem>>
      %dma_start3A_379 = arith.constant 0 : i32
      %dma_start3A_380 = tpu.memref_slice %arg6[%squeeze3A_360, %dma_start3A_379] : memref<1000x64xf32, #tpu.memory_space<hbm>> -> memref<1x64xf32, #tpu.memory_space<hbm>>
      tpu.enqueue_dma source(%dma_start3A_380 : memref<1x64xf32, #tpu.memory_space<hbm>>) target(%dma_start3A_378 : memref<1x64xf32, #tpu.memory_space<vmem>>) target_semaphore(%arg20 : memref<!tpu.dma_semaphore, #tpu.memory_space<semaphore_mem>>)
      %slice3A_381 = vector.extract_strided_slice %get3A_94 {offsets = [13], sizes = [1], strides = [1]} : vector<16xi32> to vector<1xi32>
      %squeeze3A_382 = vector.extract %slice3A_381[0] : i32 from vector<1xi32>
      %add3A_383 = arith.constant 13 : i32
      %add3A_384 = arith.addi %multiple_of3A_97, %add3A_383 : i32
      %dma_start3A_385 = arith.constant 0 : i32
      %dma_start3A_386 = tpu.memref_slice %arg17[%add3A_384, %dma_start3A_385] : memref<256x64xf32, #tpu.memory_space<vmem>> -> memref<1x64xf32, #tpu.memory_space<vmem>>
      %dma_start3A_387 = arith.constant 0 : i32
      %dma_start3A_388 = tpu.memref_slice %arg7[%squeeze3A_382, %dma_start3A_387] : memref<1000x64xf32, #tpu.memory_space<hbm>> -> memref<1x64xf32, #tpu.memory_space<hbm>>
      %dma_start3A_389 = arith.constant 0 : i32
      %dma_start3A_390 = tpu.memref_slice %arg17[%add3A_384, %dma_start3A_389] : memref<256x64xf32, #tpu.memory_space<vmem>> -> memref<1x64xf32, #tpu.memory_space<vmem>>
      %dma_start3A_391 = arith.constant 0 : i32
      %dma_start3A_392 = tpu.memref_slice %arg7[%squeeze3A_382, %dma_start3A_391] : memref<1000x64xf32, #tpu.memory_space<hbm>> -> memref<1x64xf32, #tpu.memory_space<hbm>>
      tpu.enqueue_dma source(%dma_start3A_392 : memref<1x64xf32, #tpu.memory_space<hbm>>) target(%dma_start3A_390 : memref<1x64xf32, #tpu.memory_space<vmem>>) target_semaphore(%arg20 : memref<!tpu.dma_semaphore, #tpu.memory_space<semaphore_mem>>)
      %add3A_393 = arith.constant 13 : i32
      %add3A_394 = arith.addi %multiple_of3A_97, %add3A_393 : i32
      %dma_start3A_395 = arith.constant 0 : i32
      %dma_start3A_396 = tpu.memref_slice %arg18[%add3A_394, %dma_start3A_395] : memref<256x64xf32, #tpu.memory_space<vmem>> -> memref<1x64xf32, #tpu.memory_space<vmem>>
      %dma_start3A_397 = arith.constant 0 : i32
      %dma_start3A_398 = tpu.memref_slice %arg6[%squeeze3A_382, %dma_start3A_397] : memref<1000x64xf32, #tpu.memory_space<hbm>> -> memref<1x64xf32, #tpu.memory_space<hbm>>
      %dma_start3A_399 = arith.constant 0 : i32
      %dma_start3A_400 = tpu.memref_slice %arg18[%add3A_394, %dma_start3A_399] : memref<256x64xf32, #tpu.memory_space<vmem>> -> memref<1x64xf32, #tpu.memory_space<vmem>>
      %dma_start3A_401 = arith.constant 0 : i32
      %dma_start3A_402 = tpu.memref_slice %arg6[%squeeze3A_382, %dma_start3A_401] : memref<1000x64xf32, #tpu.memory_space<hbm>> -> memref<1x64xf32, #tpu.memory_space<hbm>>
      tpu.enqueue_dma source(%dma_start3A_402 : memref<1x64xf32, #tpu.memory_space<hbm>>) target(%dma_start3A_400 : memref<1x64xf32, #tpu.memory_space<vmem>>) target_semaphore(%arg20 : memref<!tpu.dma_semaphore, #tpu.memory_space<semaphore_mem>>)
      %slice3A_403 = vector.extract_strided_slice %get3A_94 {offsets = [14], sizes = [1], strides = [1]} : vector<16xi32> to vector<1xi32>
      %squeeze3A_404 = vector.extract %slice3A_403[0] : i32 from vector<1xi32>
      %add3A_405 = arith.constant 14 : i32
      %add3A_406 = arith.addi %multiple_of3A_97, %add3A_405 : i32
      %dma_start3A_407 = arith.constant 0 : i32
      %dma_start3A_408 = tpu.memref_slice %arg17[%add3A_406, %dma_start3A_407] : memref<256x64xf32, #tpu.memory_space<vmem>> -> memref<1x64xf32, #tpu.memory_space<vmem>>
      %dma_start3A_409 = arith.constant 0 : i32
      %dma_start3A_410 = tpu.memref_slice %arg7[%squeeze3A_404, %dma_start3A_409] : memref<1000x64xf32, #tpu.memory_space<hbm>> -> memref<1x64xf32, #tpu.memory_space<hbm>>
      %dma_start3A_411 = arith.constant 0 : i32
      %dma_start3A_412 = tpu.memref_slice %arg17[%add3A_406, %dma_start3A_411] : memref<256x64xf32, #tpu.memory_space<vmem>> -> memref<1x64xf32, #tpu.memory_space<vmem>>
      %dma_start3A_413 = arith.constant 0 : i32
      %dma_start3A_414 = tpu.memref_slice %arg7[%squeeze3A_404, %dma_start3A_413] : memref<1000x64xf32, #tpu.memory_space<hbm>> -> memref<1x64xf32, #tpu.memory_space<hbm>>
      tpu.enqueue_dma source(%dma_start3A_414 : memref<1x64xf32, #tpu.memory_space<hbm>>) target(%dma_start3A_412 : memref<1x64xf32, #tpu.memory_space<vmem>>) target_semaphore(%arg20 : memref<!tpu.dma_semaphore, #tpu.memory_space<semaphore_mem>>)
      %add3A_415 = arith.constant 14 : i32
      %add3A_416 = arith.addi %multiple_of3A_97, %add3A_415 : i32
      %dma_start3A_417 = arith.constant 0 : i32
      %dma_start3A_418 = tpu.memref_slice %arg18[%add3A_416, %dma_start3A_417] : memref<256x64xf32, #tpu.memory_space<vmem>> -> memref<1x64xf32, #tpu.memory_space<vmem>>
      %dma_start3A_419 = arith.constant 0 : i32
      %dma_start3A_420 = tpu.memref_slice %arg6[%squeeze3A_404, %dma_start3A_419] : memref<1000x64xf32, #tpu.memory_space<hbm>> -> memref<1x64xf32, #tpu.memory_space<hbm>>
      %dma_start3A_421 = arith.constant 0 : i32
      %dma_start3A_422 = tpu.memref_slice %arg18[%add3A_416, %dma_start3A_421] : memref<256x64xf32, #tpu.memory_space<vmem>> -> memref<1x64xf32, #tpu.memory_space<vmem>>
      %dma_start3A_423 = arith.constant 0 : i32
      %dma_start3A_424 = tpu.memref_slice %arg6[%squeeze3A_404, %dma_start3A_423] : memref<1000x64xf32, #tpu.memory_space<hbm>> -> memref<1x64xf32, #tpu.memory_space<hbm>>
      tpu.enqueue_dma source(%dma_start3A_424 : memref<1x64xf32, #tpu.memory_space<hbm>>) target(%dma_start3A_422 : memref<1x64xf32, #tpu.memory_space<vmem>>) target_semaphore(%arg20 : memref<!tpu.dma_semaphore, #tpu.memory_space<semaphore_mem>>)
      %slice3A_425 = vector.extract_strided_slice %get3A_94 {offsets = [15], sizes = [1], strides = [1]} : vector<16xi32> to vector<1xi32>
      %squeeze3A_426 = vector.extract %slice3A_425[0] : i32 from vector<1xi32>
      %add3A_427 = arith.constant 15 : i32
      %add3A_428 = arith.addi %multiple_of3A_97, %add3A_427 : i32
      %dma_start3A_429 = arith.constant 0 : i32
      %dma_start3A_430 = tpu.memref_slice %arg17[%add3A_428, %dma_start3A_429] : memref<256x64xf32, #tpu.memory_space<vmem>> -> memref<1x64xf32, #tpu.memory_space<vmem>>
      %dma_start3A_431 = arith.constant 0 : i32
      %dma_start3A_432 = tpu.memref_slice %arg7[%squeeze3A_426, %dma_start3A_431] : memref<1000x64xf32, #tpu.memory_space<hbm>> -> memref<1x64xf32, #tpu.memory_space<hbm>>
      %dma_start3A_433 = arith.constant 0 : i32
      %dma_start3A_434 = tpu.memref_slice %arg17[%add3A_428, %dma_start3A_433] : memref<256x64xf32, #tpu.memory_space<vmem>> -> memref<1x64xf32, #tpu.memory_space<vmem>>
      %dma_start3A_435 = arith.constant 0 : i32
      %dma_start3A_436 = tpu.memref_slice %arg7[%squeeze3A_426, %dma_start3A_435] : memref<1000x64xf32, #tpu.memory_space<hbm>> -> memref<1x64xf32, #tpu.memory_space<hbm>>
      tpu.enqueue_dma source(%dma_start3A_436 : memref<1x64xf32, #tpu.memory_space<hbm>>) target(%dma_start3A_434 : memref<1x64xf32, #tpu.memory_space<vmem>>) target_semaphore(%arg20 : memref<!tpu.dma_semaphore, #tpu.memory_space<semaphore_mem>>)
      %add3A_437 = arith.constant 15 : i32
      %add3A_438 = arith.addi %multiple_of3A_97, %add3A_437 : i32
      %dma_start3A_439 = arith.constant 0 : i32
      %dma_start3A_440 = tpu.memref_slice %arg18[%add3A_438, %dma_start3A_439] : memref<256x64xf32, #tpu.memory_space<vmem>> -> memref<1x64xf32, #tpu.memory_space<vmem>>
      %dma_start3A_441 = arith.constant 0 : i32
      %dma_start3A_442 = tpu.memref_slice %arg6[%squeeze3A_426, %dma_start3A_441] : memref<1000x64xf32, #tpu.memory_space<hbm>> -> memref<1x64xf32, #tpu.memory_space<hbm>>
      %dma_start3A_443 = arith.constant 0 : i32
      %dma_start3A_444 = tpu.memref_slice %arg18[%add3A_438, %dma_start3A_443] : memref<256x64xf32, #tpu.memory_space<vmem>> -> memref<1x64xf32, #tpu.memory_space<vmem>>
      %dma_start3A_445 = arith.constant 0 : i32
      %dma_start3A_446 = tpu.memref_slice %arg6[%squeeze3A_426, %dma_start3A_445] : memref<1000x64xf32, #tpu.memory_space<hbm>> -> memref<1x64xf32, #tpu.memory_space<hbm>>
      tpu.enqueue_dma source(%dma_start3A_446 : memref<1x64xf32, #tpu.memory_space<hbm>>) target(%dma_start3A_444 : memref<1x64xf32, #tpu.memory_space<vmem>>) target_semaphore(%arg20 : memref<!tpu.dma_semaphore, #tpu.memory_space<semaphore_mem>>)
    }
    %scan3A_59 = arith.constant 16 : i32
    %dma_wait3A_60 = arith.constant 0 : i32
    %dma_wait3A_61 = arith.constant 0 : i32
    %dma_wait3A_62 = tpu.memref_slice %arg5[%dma_wait3A_60, %dma_wait3A_61] : memref<1000000x64xf32, #tpu.memory_space<hbm>> -> memref<256x64xf32, #tpu.memory_space<hbm>>
    %dma_wait3A_63 = arith.constant 0 : i32
    %dma_wait3A_64 = arith.constant 0 : i32
    %dma_wait3A_65 = tpu.memref_slice %arg5[%dma_wait3A_63, %dma_wait3A_64] : memref<1000000x64xf32, #tpu.memory_space<hbm>> -> memref<256x64xf32, #tpu.memory_space<hbm>>
    tpu.wait_dma2 semaphore(%arg19 : memref<!tpu.dma_semaphore, #tpu.memory_space<semaphore_mem>>) src(%dma_wait3A_65 : memref<256x64xf32, #tpu.memory_space<hbm>>) dst(%arg16 : memref<256x64xf32, #tpu.memory_space<vmem>>)
    %add3A_66 = arith.constant 256 : i32
    %add3A_67 = arith.addi %mul3A_2, %add3A_66 : i32
    "tpu.region"() ({
      %run_scoped3A = tpu.sem_alloc : memref<!tpu.dma_semaphore, #tpu.memory_space<semaphore_mem>>
      %dma_start3A = arith.constant 0 : i32
      %dma_start3A_88 = tpu.memref_slice %arg9[%add3A_67, %dma_start3A] : memref<16384x64xf32, #tpu.memory_space<hbm>> -> memref<256x64xf32, #tpu.memory_space<hbm>>
      %dma_start3A_89 = arith.constant 0 : i32
      %dma_start3A_90 = tpu.memref_slice %arg9[%add3A_67, %dma_start3A_89] : memref<16384x64xf32, #tpu.memory_space<hbm>> -> memref<256x64xf32, #tpu.memory_space<hbm>>
      tpu.enqueue_dma source(%arg16 : memref<256x64xf32, #tpu.memory_space<vmem>>) target(%dma_start3A_90 : memref<256x64xf32, #tpu.memory_space<hbm>>) target_semaphore(%run_scoped3A : memref<!tpu.dma_semaphore, #tpu.memory_space<semaphore_mem>>)
      %dma_wait3A_91 = arith.constant 0 : i32
      %dma_wait3A_92 = tpu.memref_slice %arg9[%add3A_67, %dma_wait3A_91] : memref<16384x64xf32, #tpu.memory_space<hbm>> -> memref<256x64xf32, #tpu.memory_space<hbm>>
      %dma_wait3A_93 = arith.constant 0 : i32
      %dma_wait3A_94 = tpu.memref_slice %arg9[%add3A_67, %dma_wait3A_93] : memref<16384x64xf32, #tpu.memory_space<hbm>> -> memref<256x64xf32, #tpu.memory_space<hbm>>
      tpu.wait_dma2 semaphore(%run_scoped3A : memref<!tpu.dma_semaphore, #tpu.memory_space<semaphore_mem>>) src(%arg16 : memref<256x64xf32, #tpu.memory_space<vmem>>) dst(%dma_wait3A_94 : memref<256x64xf32, #tpu.memory_space<hbm>>)
      tpu.yield
    }) : () -> ()
    %dma_wait3A_68 = arith.constant 0 : i32
    %dma_wait3A_69 = arith.constant 0 : i32
    %dma_wait3A_70 = tpu.memref_slice %arg5[%dma_wait3A_68, %dma_wait3A_69] : memref<1000000x64xf32, #tpu.memory_space<hbm>> -> memref<256x64xf32, #tpu.memory_space<hbm>>
    %dma_wait3A_71 = arith.constant 0 : i32
    %dma_wait3A_72 = arith.constant 0 : i32
    %dma_wait3A_73 = tpu.memref_slice %arg5[%dma_wait3A_71, %dma_wait3A_72] : memref<1000000x64xf32, #tpu.memory_space<hbm>> -> memref<256x64xf32, #tpu.memory_space<hbm>>
    tpu.wait_dma2 semaphore(%arg20 : memref<!tpu.dma_semaphore, #tpu.memory_space<semaphore_mem>>) src(%dma_wait3A_73 : memref<256x64xf32, #tpu.memory_space<hbm>>) dst(%arg17 : memref<256x64xf32, #tpu.memory_space<vmem>>)
    %dma_wait3A_74 = arith.constant 0 : i32
    %dma_wait3A_75 = arith.constant 0 : i32
    %dma_wait3A_76 = tpu.memref_slice %arg5[%dma_wait3A_74, %dma_wait3A_75] : memref<1000000x64xf32, #tpu.memory_space<hbm>> -> memref<256x64xf32, #tpu.memory_space<hbm>>
    %dma_wait3A_77 = arith.constant 0 : i32
    %dma_wait3A_78 = arith.constant 0 : i32
    %dma_wait3A_79 = tpu.memref_slice %arg5[%dma_wait3A_77, %dma_wait3A_78] : memref<1000000x64xf32, #tpu.memory_space<hbm>> -> memref<256x64xf32, #tpu.memory_space<hbm>>
    tpu.wait_dma2 semaphore(%arg20 : memref<!tpu.dma_semaphore, #tpu.memory_space<semaphore_mem>>) src(%dma_wait3A_79 : memref<256x64xf32, #tpu.memory_space<hbm>>) dst(%arg18 : memref<256x64xf32, #tpu.memory_space<vmem>>)
    %scan3A_80 = arith.constant 0 : i32
    %scan3A_81 = arith.constant 0 : i32
    %scan3A_82 = arith.constant 256 : i32
    %scan3A_83 = arith.addi %scan3A_81, %scan3A_82 : i32
    %scan3A_84 = arith.constant 1 : i32
    scf.for %scan3A_88 = %scan3A_81 to %scan3A_83 step %scan3A_84  : i32 {
      %broadcast_in_dim3A = arith.constant 256 : i32
      %broadcast_in_dim3A_89 = vector.broadcast %broadcast_in_dim3A : i32 to vector<16xi32>
      %add3A_90 = vector.broadcast %scan3A_88 : i32 to vector<16xi32>
      %add3A_91 = arith.addi %broadcast_in_dim3A_89, %add3A_90 : vector<16xi32>
      %gather3A = tpu.vector_load_idx %arg14[%add3A_91] : memref<512xf32, #tpu.memory_space<vmem>>[vector<16xi32>], vector<16xf32>,
      %get3A_92 = arith.index_cast %scan3A_88 : i32 to index
      %get3A_93 = arith.constant 0 : index
      %get3A_94 = tpu.vector_load %arg17[%get3A_92, %get3A_93] {strides = array<i32>} : memref<256x64xf32, #tpu.memory_space<vmem>>, vector<16xf32>,
      %mul3A_95 = arith.mulf %get3A_94, %gather3A : vector<16xf32>
      %get3A_96 = arith.index_cast %scan3A_88 : i32 to index
      %get3A_97 = arith.constant 0 : index
      %get3A_98 = tpu.vector_load %arg18[%get3A_96, %get3A_97] {strides = array<i32>} : memref<256x64xf32, #tpu.memory_space<vmem>>, vector<16xf32>,
      %add3A_99 = arith.addf %mul3A_95, %get3A_98 : vector<16xf32>
      %swap3A = arith.index_cast %scan3A_88 : i32 to index
      %swap3A_100 = arith.constant 0 : index
      %swap3A_101 = tpu.vector_load %arg17[%swap3A, %swap3A_100] {strides = array<i32>} : memref<256x64xf32, #tpu.memory_space<vmem>>, vector<16xf32>,
      tpu.vector_store %arg17[%swap3A, %swap3A_100], %add3A_99 {strides = array<i32>} : memref<256x64xf32, #tpu.memory_space<vmem>>, vector<16xf32>,
      %get3A_102 = arith.index_cast %scan3A_88 : i32 to index
      %get3A_103 = arith.constant 16 : index
      %get3A_104 = tpu.vector_load %arg17[%get3A_102, %get3A_103] {strides = array<i32>} : memref<256x64xf32, #tpu.memory_space<vmem>>, vector<16xf32>,
      %mul3A_105 = arith.mulf %get3A_104, %gather3A : vector<16xf32>
      %get3A_106 = arith.index_cast %scan3A_88 : i32 to index
      %get3A_107 = arith.constant 16 : index
      %get3A_108 = tpu.vector_load %arg18[%get3A_106, %get3A_107] {strides = array<i32>} : memref<256x64xf32, #tpu.memory_space<vmem>>, vector<16xf32>,
      %add3A_109 = arith.addf %mul3A_105, %get3A_108 : vector<16xf32>
      %swap3A_110 = arith.index_cast %scan3A_88 : i32 to index
      %swap3A_111 = arith.constant 16 : index
      %swap3A_112 = tpu.vector_load %arg17[%swap3A_110, %swap3A_111] {strides = array<i32>} : memref<256x64xf32, #tpu.memory_space<vmem>>, vector<16xf32>,
      tpu.vector_store %arg17[%swap3A_110, %swap3A_111], %add3A_109 {strides = array<i32>} : memref<256x64xf32, #tpu.memory_space<vmem>>, vector<16xf32>,
      %get3A_113 = arith.index_cast %scan3A_88 : i32 to index
      %get3A_114 = arith.constant 32 : index
      %get3A_115 = tpu.vector_load %arg17[%get3A_113, %get3A_114] {strides = array<i32>} : memref<256x64xf32, #tpu.memory_space<vmem>>, vector<16xf32>,
      %mul3A_116 = arith.mulf %get3A_115, %gather3A : vector<16xf32>
      %get3A_117 = arith.index_cast %scan3A_88 : i32 to index
      %get3A_118 = arith.constant 32 : index
      %get3A_119 = tpu.vector_load %arg18[%get3A_117, %get3A_118] {strides = array<i32>} : memref<256x64xf32, #tpu.memory_space<vmem>>, vector<16xf32>,
      %add3A_120 = arith.addf %mul3A_116, %get3A_119 : vector<16xf32>
      %swap3A_121 = arith.index_cast %scan3A_88 : i32 to index
      %swap3A_122 = arith.constant 32 : index
      %swap3A_123 = tpu.vector_load %arg17[%swap3A_121, %swap3A_122] {strides = array<i32>} : memref<256x64xf32, #tpu.memory_space<vmem>>, vector<16xf32>,
      tpu.vector_store %arg17[%swap3A_121, %swap3A_122], %add3A_120 {strides = array<i32>} : memref<256x64xf32, #tpu.memory_space<vmem>>, vector<16xf32>,
      %get3A_124 = arith.index_cast %scan3A_88 : i32 to index
      %get3A_125 = arith.constant 48 : index
      %get3A_126 = tpu.vector_load %arg17[%get3A_124, %get3A_125] {strides = array<i32>} : memref<256x64xf32, #tpu.memory_space<vmem>>, vector<16xf32>,
      %mul3A_127 = arith.mulf %get3A_126, %gather3A : vector<16xf32>
      %get3A_128 = arith.index_cast %scan3A_88 : i32 to index
      %get3A_129 = arith.constant 48 : index
      %get3A_130 = tpu.vector_load %arg18[%get3A_128, %get3A_129] {strides = array<i32>} : memref<256x64xf32, #tpu.memory_space<vmem>>, vector<16xf32>,
      %add3A_131 = arith.addf %mul3A_127, %get3A_130 : vector<16xf32>
      %swap3A_132 = arith.index_cast %scan3A_88 : i32 to index
      %swap3A_133 = arith.constant 48 : index
      %swap3A_134 = tpu.vector_load %arg17[%swap3A_132, %swap3A_133] {strides = array<i32>} : memref<256x64xf32, #tpu.memory_space<vmem>>, vector<16xf32>,
      tpu.vector_store %arg17[%swap3A_132, %swap3A_133], %add3A_131 {strides = array<i32>} : memref<256x64xf32, #tpu.memory_space<vmem>>, vector<16xf32>,
    }
    %scan3A_85 = arith.constant 256 : i32
    %add3A_86 = arith.constant 256 : i32
    %add3A_87 = arith.addi %mul3A_2, %add3A_86 : i32
    "tpu.region"() ({
      %run_scoped3A = tpu.sem_alloc : memref<!tpu.dma_semaphore, #tpu.memory_space<semaphore_mem>>
      %dma_start3A = arith.constant 0 : i32
      %dma_start3A_88 = tpu.memref_slice %arg10[%add3A_87, %dma_start3A] : memref<16384x64xf32, #tpu.memory_space<hbm>> -> memref<256x64xf32, #tpu.memory_space<hbm>>
      %dma_start3A_89 = arith.constant 0 : i32
      %dma_start3A_90 = tpu.memref_slice %arg10[%add3A_87, %dma_start3A_89] : memref<16384x64xf32, #tpu.memory_space<hbm>> -> memref<256x64xf32, #tpu.memory_space<hbm>>
      tpu.enqueue_dma source(%arg17 : memref<256x64xf32, #tpu.memory_space<vmem>>) target(%dma_start3A_90 : memref<256x64xf32, #tpu.memory_space<hbm>>) target_semaphore(%run_scoped3A : memref<!tpu.dma_semaphore, #tpu.memory_space<semaphore_mem>>)
      %dma_wait3A_91 = arith.constant 0 : i32
      %dma_wait3A_92 = tpu.memref_slice %arg10[%add3A_87, %dma_wait3A_91] : memref<16384x64xf32, #tpu.memory_space<hbm>> -> memref<256x64xf32, #tpu.memory_space<hbm>>
      %dma_wait3A_93 = arith.constant 0 : i32
      %dma_wait3A_94 = tpu.memref_slice %arg10[%add3A_87, %dma_wait3A_93] : memref<16384x64xf32, #tpu.memory_space<hbm>> -> memref<256x64xf32, #tpu.memory_space<hbm>>
      tpu.wait_dma2 semaphore(%run_scoped3A : memref<!tpu.dma_semaphore, #tpu.memory_space<semaphore_mem>>) src(%arg17 : memref<256x64xf32, #tpu.memory_space<vmem>>) dst(%dma_wait3A_94 : memref<256x64xf32, #tpu.memory_space<hbm>>)
      tpu.yield
    }) : () -> ()
    return
  }
}

</mosaic_0001>

<sc_bundles>
// kernel: kg_embeddings_sc.3.cloned.1.call-start
scs
__scs_entry_jumppad:
0x0: {  	(pc) =	sbr.rel $0x88, $3  }
0x1: {  	(tag) =	ssettag $0x0;
	lr =	simm.s32 $0x1  }
0x2: {  	[smem:$0x3F9A] =	sst lr;
	_ =	strace $0xD0000000  }
0x3: {  	_ = 	snop  }
0x4: {  	_ = 	snop  }
0x5: {  	_ = 	snop  }
0x6: {  	_ = 	snop  }
0x7: {  	_ = 	snop  }
__scs_overlays_trampoline_lowered:
0x8: {  	[smem:$0x3FA9] =	sst s0  }
0x9: {  	[smem:$0x3FAA] =	sst s1  }
0xa: {  	[smem:$0x3FAB] =	sst s2  }
0xb: {  	[smem:$0x3FAC] =	sst s3  }
0xc: {  	[smem:$0x3FAD] =	sst s4  }
0xd: {  	[smem:$0x3FAE] =	sst s5  }
0xe: {  	[smem:$0x3FAF] =	sst s6  }
0xf: {  	[smem:$0x3FB0] =	sst s7  }
0x10: {  	[smem:$0x3FB1] =	sst s8  }
0x11: {  	[smem:$0x3FB2] =	sst s9;
	s0 =	simm.s32 @!p0 $0x0  }
0x12: {  	s1 =	sld [smem:$0x3F98];
	s0 =	simm.s32 @p0 $0x1  }
0x13: {  	[smem:$0x3FB3] =	sst s0;
	s0 =	simm.s32 @!p1 $0x0  }
0x14: {  	s2 =	sld [smem:$0x3F97];
	s0 =	simm.s32 @p1 $0x1  }
0x15: {  	[smem:$0x3FB4] =	sst s0;
	s0 =	simm.s32 @!p2 $0x0  }
0x16: {  	s3 =	sld [smem:$0x3FDB];
	s0 =	simm.s32 @p2 $0x1  }
0x17: {  	s4 =	simm.s32 $0x1BF5;
	[smem:$0x3FB6] =	sst s0  }
0x18: {  	s0 =	sld [smem:$0x3F99];
	_ =	swait.ge [sflag:s4], $0x0  }
0x19: {  	s7 =	sld [smem:$0x3F9A]  }
0x1a: {  	s8 =	sadd.s32 $0xFFFFE003, lr  }
0x1b: {  	s9 =	sadd.s32 $0xFFFFFEF7, lr;
	s5 =	simm.s32 $0xFFFFFFFF;
	p2 =	slt.u32 s8, $0xFFFFF086  }
0x1c: {  	p1 =	slt.u32 s9, $0xF7A;
	s5 =	simm.s32 @!p2 $0x0  }
0x1d: {  	s5 =	simm.s32 @p1 $0x1;
	p0 =	seq.s32 s7, s2  }
0x1e: {  	s7 =	smul.u32 @!p0 $0xF7A, s2;
	p2 =	seq.s32 @!p0 s5, $0x0  }
0x1f: {  	s9 =	smul.u32 $0xF7A, s1;
	s8 =	simm.s32 @!p0 $0x1BF5;
	p2 =	por !p2, p0  }
0x20: {  	[sflag:s8] =	ssyncset.s32 @!p0 $0xFFFFF086;
	s6 =	sadd.s32 @!p0 s3, s7;
	s7 =	simm.s32 @!p0 $0x108  }
0x21: {  	s3 =	sadd.s32 s3, s9;
	s6 =	sadd.s32 @!p0 $0x88, s6;
	s7 =	simm.s32 @p2 $0x1082  }
0x22: {  	[simem:s7], [sflag:s8] =	dma.local @!p0 [hbm:s6], $0xF7A  }
0x23: {  	s9 =	sor.u32 $0xD0000000, s2;
	s6 =	simm.s32 $0x108;
	_ =	swait.ge @!p0 [sflag:s8], $0x0  }
0x24: {  	s3 =	sadd.s32 $0x88, s3;
	s6 =	simm.s32 @!p1 $0x1082;
	[sflag:s4] =	ssyncset.s32 $0xFFFFF086  }
0x25: {  	[simem:s6], [sflag:s4] =	dma.local [hbm:s3], $0xF7A  }
0x26: {  	[smem:$0x3F9A] =	sst s1;
	(tag) =	ssettag s2;
	_ =	strace s9  }
0x27: {  	s1 =	sld [smem:$0x3FAA]  }
0x28: {  	s2 =	sld [smem:$0x3FAB]  }
0x29: {  	s4 =	sld [smem:$0x3FAD]  }
0x2a: {  	p0 =	seq.s32 s5, $0x0;
	s5 =	sld [smem:$0x3FAE]  }
0x2b: {  	s6 =	sld [smem:$0x3FAF]  }
0x2c: {  	s7 =	sld [smem:$0x3FB0]  }
0x2d: {  	s3 =	simm.s32 $0x108;
	s8 =	sld [smem:$0x3FB1]  }
0x2e: {  	s3 =	simm.s32 @!p0 $0x1082;
	s9 =	sld [smem:$0x3FB2]  }
0x2f: {  	lr =	sadd.s32 s0, s3;
	s0 =	sld [smem:$0x3FA9]  }
0x30: {  	s3 =	sld [smem:$0x3FAC]  }
0x31: {  	[smem:$0x3FB5] =	sst s10  }
0x32: {  	s10 =	sld [smem:$0x3FB3];
	_ =	sdelay $0x3  }
0x33: {  	p0 =	seq.s32 s10, $0x1;
	s10 =	sld [smem:$0x3FB5];
	_ =	sdelay $0x3  }
0x34: {  	[smem:$0x3FB5] =	sst s10  }
0x35: {  	s10 =	sld [smem:$0x3FB4];
	_ =	sdelay $0x3  }
0x36: {  	p1 =	seq.s32 s10, $0x1;
	s10 =	sld [smem:$0x3FB5];
	_ =	sdelay $0x3  }
0x37: {  	[smem:$0x3FB5] =	sst s10  }
0x38: {  	s10 =	sld [smem:$0x3FB6]  }
0x39: {  	_ = 	snop;
	(pc) =	sbr.ind lr, $3  }
0x3a: {  	_ = 	snop  }
0x3b: {  	_ = 	snop  }
0x3c: {  	p2 =	seq.s32 s10, $0x1;
	s10 =	sld [smem:$0x3FB5]  }
0x3d: {  	_ =	shalt  }
0x3e: {  	_ =	shalt  }
0x3f: {  	_ =	shalt  }
0x40: {  	_ =	shalt  }
0x41: {  	_ =	shalt  }
0x42: {  	_ =	shalt  }
0x43: {  	_ =	shalt  }
0x44: {  	_ =	shalt  }
0x45: {  	_ =	shalt  }
0x46: {  	_ =	shalt  }
0x47: {  	_ =	shalt  }
0x48: {  	_ =	shalt  }
0x49: {  	_ =	shalt  }
0x4a: {  	_ =	shalt  }
0x4b: {  	_ =	shalt  }
0x4c: {  	_ =	shalt  }
0x4d: {  	_ =	shalt  }
0x4e: {  	_ =	shalt  }
0x4f: {  	_ =	shalt  }
0x50: {  	_ =	shalt  }
0x51: {  	_ =	shalt  }
0x52: {  	_ =	shalt  }
0x53: {  	_ =	shalt  }
0x54: {  	_ =	shalt  }
0x55: {  	_ =	shalt  }
0x56: {  	_ =	shalt  }
0x57: {  	_ =	shalt  }
0x58: {  	_ =	shalt  }
0x59: {  	_ =	shalt  }
0x5a: {  	_ =	shalt  }
0x5b: {  	_ =	shalt  }
0x5c: {  	_ =	shalt  }
0x5d: {  	_ =	shalt  }
0x5e: {  	_ =	shalt  }
0x5f: {  	_ =	shalt  }
0x60: {  	_ =	shalt  }
0x61: {  	_ =	shalt  }
0x62: {  	_ =	shalt  }
0x63: {  	_ =	shalt  }
0x64: {  	_ =	shalt  }
0x65: {  	_ =	shalt  }
0x66: {  	_ =	shalt  }
0x67: {  	_ =	shalt  }
0x68: {  	_ =	shalt  }
0x69: {  	_ =	shalt  }
0x6a: {  	_ =	shalt  }
0x6b: {  	_ =	shalt  }
0x6c: {  	_ =	shalt  }
0x6d: {  	_ =	shalt  }
0x6e: {  	_ =	shalt  }
0x6f: {  	_ =	shalt  }
0x70: {  	_ =	shalt  }
0x71: {  	_ =	shalt  }
0x72: {  	_ =	shalt  }
0x73: {  	_ =	shalt  }
0x74: {  	_ =	shalt  }
0x75: {  	_ =	shalt  }
0x76: {  	_ =	shalt  }
0x77: {  	_ =	shalt  }
0x78: {  	_ =	shalt  }
0x79: {  	_ =	shalt  }
0x7a: {  	_ =	shalt  }
0x7b: {  	_ =	shalt  }
0x7c: {  	_ =	shalt  }
0x7d: {  	_ =	shalt  }
0x7e: {  	_ =	shalt  }
0x7f: {  	_ =	shalt  }
0x80: {  	_ =	shalt  }
0x81: {  	_ =	shalt  }
0x82: {  	_ =	shalt  }
0x83: {  	_ =	shalt  }
0x84: {  	_ =	shalt  }
0x85: {  	_ =	shalt  }
0x86: {  	_ =	shalt  }
0x87: {  	_ =	shalt  }
.Lfunc_end0:
.L_simem_size_0:
called_computation_lowered:
.L_overlay_start_0:
0x88: {  	s2 =	sld [smem:$0x3FD9]  }
0x89: {  	s3 =	sld [smem:$0x3FFE];
	_ =	sdelay $0x1  }
0x8a: {  	s1 =	srdreg.scid  }
0x8b: {  	s0 =	sand.u32 $0x1, s1  }
0x8c: {  	s14 =	sshll.u32 s0, $0xA;
	s2 =	sadd.s32 s3, s2  }
0x8d: {  	s2 =	sadd.s32 s2, s14  }
0x8e: {  	[smem:$0x3FC1] =	sst s2  }
0x8f: {  	_ = 	snop  }
0x90: {  	s2 =	sld [smem:$0x3FC9]  }
0x91: {  	s15 =	sld [smem:$0x3FD0]  }
0x92: {  	s4 =	sld [smem:$0x3FC8]  }
0x93: {  	s5 =	sld [smem:$0x3FC7]  }
0x94: {  	s7 =	simm.s32 $0xA;
	s8 =	simm.s32 $0x10;
	s6 =	sld [smem:$0x3FC3]  }
0x95: {  	[smem:s8], [sflag:s7] =	dma.local [hbm:s15], $0x1  }
0x96: {  	_ =	swait.eq [sflag:s7], $0x1  }
0x97: {  	[sflag:s7] =	ssyncset.done $0x0  }
0x98: {  	s16 =	sld [smem:$0x10];
	[sflag:s7] =	ssyncadd.s32 $0xFFFFFFFF  }
0x99: {  	s17 =	sld [smem:$0x11];
	(tm) =	ssettm $0x1  }
0x9a: {  	s18 =	sld [smem:$0x3FFB];
	_ =	sdelay $0x3  }
0x9b: {  	_ =	strace s18  }
0x9c: {  	s8 =	sld [smem:$0x3FFC];
	_ =	sdelay $0x3  }
0x9d: {  	_ =	strace s8  }
0x9e: {  	s8 =	sld [smem:$0x3FFD];
	_ =	sdelay $0x3  }
0x9f: {  	_ =	strace s8  }
0xa0: {  	_ =	strace $0x8FFFFFFF  }
0xa1: {  	s19 =	sld [smem:$0x3FDB];
	_ =	sdelay $0x1  }
0xa2: {  	s9 =	simm.s32 $_scs_section_size  }
0xa3: {  	s10 =	simm.s32 $_size__tile_overlayer_lowered;
	s11 =	simm.s32 $_tile_overlayer_lowered  }
0xa4: {  	s22 =	simm.s32 $0x1BFF;
	s21 =	sshll.u32 s11, $0x1;
	s8 =	sadd.s32 s9, s19  }
0xa5: {  	s12 =	simm.s32 $0x0;
	s20 =	sshll.u32 s10, $0x1;
	s10 =	sadd.s32 s21, s8  }
0xa6: {  	[timem:s12], [sflag:s22] =	dma.local [hbm:s10], s20  }
0xa7: {  	_ =	swait.ge [sflag:s22], s20  }
0xa8: {  	s9 =	ssub.s32 $0x0, s20;
	[sflag:s22] =	ssyncset.done $0x0  }
0xa9: {  	[sflag:s22] =	ssyncadd.s32 s9;
	_ =	sdelay $0x1  }
0xaa: {  	s23 =	simm.s32 $0x1B8B  }
0xab: {  	_ =	swait.ge [sflag:s23], $0x1  }
0xac: {  	[sflag:s23] =	ssyncset.done $0x0  }
0xad: {  	s25 =	simm.s32 $0x1B8E;
	s24 =	sld [smem:$0x3FFE];
	[sflag:s23] =	ssyncadd.s32 $0xFFFFFFFF  }
0xae: {  	s26 =	simm.s32 $execute0_lowered;
	[smem:$0x3FD2] =	sst s25  }
0xaf: {  	s10 =	sshll.u32 s26, $0x1;
	_ =	strace $0x80000046;
	[dreg:$0x1] =	wrdreg $0xFFFFFFFF  }
0xb0: {  	s28 =	simm.s32 $_size_execute0_lowered;
	s8 =	sadd.s32 s8, s10;
	[dreg:$0x0] =	wrdreg $0x0  }
0xb1: {  	s10 =	sshll.u32 s28, $0x1;
	[dreg:$0x2] =	wrdreg s8  }
0xb2: {  	[dreg:$0x3] =	wrdreg s10  }
0xb3: {  	[dreg:$0x4] =	wrdreg $0xC0  }
0xb4: {  	_ =	task [dreg:s12], $0x5FFFF  }
0xb5: {  	[dreg:$0x1] =	wrdreg $0xFFFFFFFF  }
0xb6: {  	[dreg:$0x0] =	wrdreg $0x60  }
0xb7: {  	[dreg:$0x2] =	wrdreg s2  }
0xb8: {  	[dreg:$0x3] =	wrdreg s4  }
0xb9: {  	[dreg:$0x4] =	wrdreg s5  }
0xba: {  	[dreg:$0x5] =	wrdreg s24  }
0xbb: {  	[dreg:$0x6] =	wrdreg s17  }
0xbc: {  	[dreg:$0x7] =	wrdreg s16  }
0xbd: {  	[dreg:$0x8] =	wrdreg s6  }
0xbe: {  	[dreg:$0x9] =	wrdreg $0x9  }
0xbf: {  	_ =	task.clear_ibuf [dreg:s12], $0xAFFFF;
	_ =	strace $0x90000046  }
0xc0: {  	s29 =	simm.s32 $0x9;
	_ =	strace $0x80000048  }
0xc1: {  	_ =	swait.ge [sflag:s29], $0x1  }
0xc2: {  	[sflag:s29] =	ssyncadd.s32 $0xFFFFFFFF  }
0xc3: {  	_ =	strace $0x90000048  }
0xc4: {  	_ =	sfence  }
0xc5: {  	s30 =	sld [smem:$0x0];
	_ =	sdelay $0x2  }
0xc6: {  	s31 =	sshll.u32 s1, $0xD;
	s1 =	sshrl.u32 s1, $0x2  }
0xc7: {  	s3 =	sand.u32 $0x4000, s31;
	s1 =	sadd.s32 s1, s30  }
0xc8: {  	s0 =	sor.u32 s3, s0;
	s1 =	sshll.u32 s1, $0x11  }
0xc9: {  	s0 =	sor.u32 s1, s0  }
0xca: {  	s0 =	sadd.s32 $0x8F2B, s0  }
0xcb: {  	[sflag:s0] =	ssyncadd.remote.s32 $0x1  }
0xcc: {  	_ =	sfence.sel $0xFFFF  }
0xcd: {  	[dreg:$0x0] =	wrdreg $0xFFFFFFFF;
	(pc) =	sbr.abs _section_cstart, $3  }
0xce: {  	[dreg:$0x1] =	wrdreg $0xFFFFFFFF  }
0xcf: {  	_ =	task.clear_ibuf [dreg:s12], $0x2FFFF;
	_ =	strace $0x9FFFFFFF  }
0xd0: {  	(tm) =	ssettm $0x7FFFFFFF  }
0xd1: {  	_ =	shalt  }
tec
execute0_lowered:
.L_overlay_start_1:
0x0: {  	(tag) =	ssettag $0x1  }
0x1: {  	s0 =	rddreg [dreg:$0x0]  }
0x2: {  	s3 =	rddreg [dreg:$0x1]  }
0x3: {  	s4 =	rddreg [dreg:$0x2]  }
0x4: {  	s7 =	rddreg [dreg:$0x3]  }
0x5: {  	s1 =	rddreg [dreg:$0x4]  }
0x6: {  	s2 =	rddreg [dreg:$0x5];
	s5 =	simm.s32 $0x0;
	s6 =	srdreg.scid  }
0x7: {  	s9 =	stileid.u32;
	s15 =	simm.s32 $0x3;
	s8 =	sand.u32 $0x1, s6  }
0x8: {  	s19 =	simm.s32 $0x1;
	s9 =	sshll.u32 s9, $0xA;
	s10 =	sshll.u32 s8, $0x9  }
0x9: {  	s21 =	simm.s32 $0x2;
	s22 =	simm.s32 $0x600;
	s9 =	sor.u32 s10, s9  }
0xa: {  	[smem:$0x7FF] =	sst s5;
	s6 =	sadd.s32 $0xA00, s7;
	s10 =	sshrl.u32 s9, $0x3  }
0xb: {  	s12 =	sadd.s32 $0xF42E00, s7;
	s13 =	sadd.s32 $0xF82E00, s7;
	s0 =	sadd.s32 s0, s10  }
0xc: {  	_ =	strace $0x80000047;
	s3 =	sadd.s32 s3, s10;
	[dreg:$0x8] =	wrdreg s0  }
0xd: {  	s25 =	sshll.u32 s9, $0x4;
	s26 =	sadd.s32 s4, s10;
	[dreg:$0x9] =	wrdreg s3  }
0xe: {  	s8 =	ssub.s32 $0x2, s8;
	s29 =	sadd.s32 s12, s25;
	[dreg:$0xa] =	wrdreg s26  }
0xf: {  	s28 =	sor.u32 $0x1000, s25;
	[dreg:$0xb] =	wrdreg s29;
	s0 =	sadd.s32 s13, s25  }
0x10: {  	s24 =	sshrl.u32 s8, $0x1;
	s30 =	sadd.s32 s12, s28;
	[dreg:$0xc] =	wrdreg s0  }
0x11: {  	s14 =	ssub.s32 s8, s24;
	s31 =	sadd.s32 s13, s28;
	[dreg:$0xd] =	wrdreg s30  }
0x12: {  	s24 =	simm.s32 $0x0;
	s14 =	smax.u32 s14, $0x1;
	[dreg:$0xe] =	wrdreg s31  }
.LBB2_1:
0x13: {  	s0 =	rddreg [dreg:$0x8]  }
0x14: {  	[tilespmem:s5], [sflag:$0x3] =	stream.linear.gather [hbm4b:s0+s5], $0x200, $0x38;
	[tilespmem:$0x18880] =	vst v63  }
0x15: {  	_ =	swait.ge [sflag:s15], $0x200  }
0x16: {  	[sflag:s15] =	ssyncset.done $0x0  }
0x17: {  	s3 =	simm.s32 $0x200;
	s23 =	rddreg [dreg:$0x9];
	[sflag:s15] =	ssyncadd.s32 $0xFFFFFE00  }
0x18: {  	[tilespmem:s3], [sflag:$0x3] =	stream.linear.gather [hbm4b:s23+s5], $0x200, $0x38;
	[tilespmem:$0x18880] =	vst v63  }
0x19: {  	_ =	swait.ge [sflag:s15], $0x200  }
0x1a: {  	[sflag:s15] =	ssyncset.done $0x0  }
0x1b: {  	s26 =	simm.s32 $0x400;
	s25 =	rddreg [dreg:$0xa];
	[sflag:s15] =	ssyncadd.s32 $0xFFFFFE00  }
0x1c: {  	[tilespmem:s26], [sflag:$0x3] =	stream.linear.gather [hbm4b:s25+s5], $0x200, $0x38;
	[tilespmem:$0x18880] =	vst v63  }
0x1d: {  	_ =	swait.ge [sflag:s15], $0x200  }
0x1e: {  	[sflag:s15] =	ssyncset.done $0x0  }
0x1f: {  	[sflag:s15] =	ssyncadd.s32 $0xFFFFFE00  }
0x20: {  	s31 =	simm.s32 $0x800;
	s30 =	rddreg [dreg:$0x6]  }
0x21: {  	[tilespmem:s31], [sflag:$0x3] =	stream.linear.gather [hbm4b:s30+s5], $0x80, $0x38;
	[tilespmem:$0x18880] =	vst v63  }
0x22: {  	_ =	swait.ge [sflag:s15], $0x80  }
0x23: {  	[sflag:s15] =	ssyncset.done $0x0  }
0x24: {  	[sflag:s15] =	ssyncadd.s32 $0xFFFFFF80  }
0x25: {  	v0 =	vld [tilespmem:s5+$0x0];
	_ =	sdelay $0x4  }
0x26: {  	v0 =	vshll.u32 v0, $0x4  }
0x27: {  	(v2sf) =	vpush v0, $0x0  }
0x28: {  	(v2sf) =	vpush v0, $0x1  }
0x29: {  	(v2sf) =	vpush v0, $0x2;
	_ =	sdelay $0x1  }
0x2a: {  	(v2sf) =	vpush v0, $0x4;
	_ =	sdelay $0x1  }
0x2b: {  	(v2sf) =	vpush v0, $0x3  }
0x2c: {  	(v2sf) =	vpush v0, $0x5  }
0x2d: {  	s28 =	simm.s32 $0x2000;
	s29 =	simm.s32 $0x0;
	s26 =	simm.s32 $0x0;
	(v2sf) =	vpush v0, $0x6  }
.LBB2_2:
0x2e: {  	p0 =	sne.s32 s28, $0x1E000  }
0x2f: {  	s23 =	sadd.s32 $0x900, s26;
	s4 =	sadd.s32 $0xE00, s26;
	s30 =	smov.u32 s28  }
0x30: {  	s28 =	sadd.s32 $0x2000, s28;
	s17 =	sadd.s32 $0xC00, s26;
	s31 =	sadd.s32 $0xE80, s26;
	(v2sf) =	vpush v0, $0x7  }
0x31: {  	s20 =	sadd.s32 $0xB00, s26;
	s3 =	sadd.s32 $0xC80, s26;
	s0 =	sadd.s32 $0xF00, s26  }
0x32: {  	s7 =	sadd.s32 $0x880, s26;
	s8 =	sadd.s32 $0xA80, s26;
	(v2sf) =	vpush v0, $0x8  }
0x33: {  	s25 =	simm.s32 $0x0;
	s9 =	sadd.s32 $0xB80, s26;
	s29 =	sadd.s32 $0x10, s29  }
0x34: {  	s10 =	sadd.s32 $0x980, s26;
	s16 =	sadd.s32 $0xD80, s26;
	s18 =	spop (v2sf);
	(v2sf) =	vpush v0, $0x9  }
0x35: {  	s11 =	sand.u32 $0x1FFFFFF0, s18;
	s18 =	sadd.s32 $0xD00, s26;
	s12 =	spop (v2sf)  }
0x36: {  	s11 =	sadd.s32 s6, s11;
	s12 =	sand.u32 $0x1FFFFFF0, s12;
	s13 =	spop (v2sf);
	(v2sf) =	vpush v0, $0xA  }
0x37: {  	[tilespmem:s7], [sflag:$0x1] =	stream.linear.gather [hbm4b:s11+s25], $0x80, $0x38;
	[tilespmem:$0x18880] =	vst v63  }
0x38: {  	s7 =	sadd.s32 s6, s12;
	s11 =	sadd.s32 $0xA00, s26;
	s12 =	spop (v2sf);
	(v2sf) =	vpush v0, $0xB  }
0x39: {  	[tilespmem:s23], [sflag:$0x1] =	stream.linear.gather [hbm4b:s7+s25], $0x80, $0x38;
	[tilespmem:$0x18880] =	vst v63  }
0x3a: {  	s7 =	sand.u32 $0x1FFFFFF0, s13;
	s12 =	sand.u32 $0x1FFFFFF0, s12;
	s13 =	spop (v2sf);
	(v2sf) =	vpush v0, $0xC  }
0x3b: {  	s7 =	sadd.s32 s6, s7;
	s13 =	sand.u32 $0x1FFFFFF0, s13;
	s23 =	spop (v2sf)  }
0x3c: {  	[tilespmem:s10], [sflag:$0x1] =	stream.linear.gather [hbm4b:s7+s25], $0x80, $0x38;
	(v2sf) =	vpush v0, $0xD;
	[tilespmem:$0x18880] =	vst v63  }
0x3d: {  	s7 =	sadd.s32 s6, s13;
	s10 =	sand.u32 $0x1FFFFFF0, s23;
	s13 =	spop (v2sf)  }
0x3e: {  	[tilespmem:s11], [sflag:$0x1] =	stream.linear.gather [hbm4b:s7+s25], $0x80, $0x38;
	(v2sf) =	vpush v0, $0xE;
	[tilespmem:$0x18880] =	vst v63  }
0x3f: {  	s7 =	sadd.s32 s6, s12;
	s11 =	sand.u32 $0x1FFFFFF0, s13;
	s12 =	spop (v2sf)  }
0x40: {  	[tilespmem:s8], [sflag:$0x1] =	stream.linear.gather [hbm4b:s7+s25], $0x80, $0x38;
	(v2sf) =	vpush v0, $0xF;
	[tilespmem:$0x18880] =	vst v63  }
0x41: {  	s7 =	sadd.s32 s6, s10;
	s8 =	sand.u32 $0x1FFFFFF0, s12;
	s10 =	spop (v2sf)  }
0x42: {  	[tilespmem:s20], [sflag:$0x1] =	stream.linear.gather [hbm4b:s7+s25], $0x80, $0x38;
	[tilespmem:$0x18880] =	vst v63  }
0x43: {  	s7 =	sadd.s32 s6, s11;
	s10 =	sand.u32 $0x1FFFFFF0, s10;
	s11 =	spop (v2sf)  }
0x44: {  	[tilespmem:s9], [sflag:$0x1] =	stream.linear.gather [hbm4b:s7+s25], $0x80, $0x38;
	[tilespmem:$0x18880] =	vst v63  }
0x45: {  	s7 =	sadd.s32 s6, s8;
	s8 =	sand.u32 $0x1FFFFFF0, s11;
	s9 =	spop (v2sf)  }
0x46: {  	[tilespmem:s17], [sflag:$0x1] =	stream.linear.gather [hbm4b:s7+s25], $0x80, $0x38;
	[tilespmem:$0x18880] =	vst v63  }
0x47: {  	s7 =	sadd.s32 s6, s10;
	s9 =	sand.u32 $0x1FFFFFF0, s9;
	s10 =	spop (v2sf)  }
0x48: {  	[tilespmem:s3], [sflag:$0x1] =	stream.linear.gather [hbm4b:s7+s25], $0x80, $0x38;
	[tilespmem:$0x18880] =	vst v63  }
0x49: {  	s3 =	sadd.s32 s6, s8;
	s7 =	sand.u32 $0x1FFFFFF0, s10;
	s8 =	spop (v2sf)  }
0x4a: {  	[tilespmem:s18], [sflag:$0x1] =	stream.linear.gather [hbm4b:s3+s25], $0x80, $0x38;
	[tilespmem:$0x18880] =	vst v63  }
0x4b: {  	s3 =	sadd.s32 s6, s9;
	s8 =	sand.u32 $0x1FFFFFF0, s8;
	s9 =	spop (v2sf)  }
0x4c: {  	[tilespmem:s16], [sflag:$0x1] =	stream.linear.gather [hbm4b:s3+s25], $0x80, $0x38;
	[tilespmem:$0x18880] =	vst v63  }
0x4d: {  	s3 =	sadd.s32 s6, s7;
	s7 =	sand.u32 $0x1FFFFFF0, s9;
	s9 =	spop (v2sf)  }
0x4e: {  	[tilespmem:s4], [sflag:$0x1] =	stream.linear.gather [hbm4b:s3+s25], $0x80, $0x38;
	[tilespmem:$0x18880] =	vst v63  }
0x4f: {  	s3 =	sadd.s32 s6, s8;
	s4 =	sand.u32 $0x1FFFFFF0, s9;
	s8 =	spop (v2sf)  }
0x50: {  	[tilespmem:s31], [sflag:$0x1] =	stream.linear.gather [hbm4b:s3+s25], $0x80, $0x38;
	[tilespmem:$0x18880] =	vst v63  }
0x51: {  	s3 =	sadd.s32 s6, s7;
	s7 =	sand.u32 $0x1FFFFFF0, s8  }
0x52: {  	[tilespmem:s0], [sflag:$0x1] =	stream.linear.gather [hbm4b:s3+s25], $0x80, $0x38;
	[tilespmem:$0x18880] =	vst v63  }
0x53: {  	s0 =	sadd.s32 $0xF80, s26;
	s3 =	sadd.s32 s6, s4  }
0x54: {  	[tilespmem:s0], [sflag:$0x1] =	stream.linear.gather [hbm4b:s3+s25], $0x80, $0x38;
	[tilespmem:$0x18880] =	vst v63  }
0x55: {  	s0 =	sadd.s32 $0x1000, s26;
	s3 =	sadd.s32 s6, s7  }
0x56: {  	[tilespmem:s0], [sflag:$0x1] =	stream.linear.gather [hbm4b:s3+s25], $0x80, $0x38;
	[tilespmem:$0x18880] =	vst v63  }
0x57: {  	v0 =	vld [tilespmem:s29+$0x0];
	_ =	sdelay $0x4  }
0x58: {  	v0 =	vshll.u32 v0, $0x4  }
0x59: {  	(v2sf) =	vpush v0, $0x0  }
0x5a: {  	(v2sf) =	vpush v0, $0x1  }
0x5b: {  	(v2sf) =	vpush v0, $0x2;
	_ =	sdelay $0x1  }
0x5c: {  	(v2sf) =	vpush v0, $0x4  }
.Ltmp0:
0x5d: {  	(pc) =	sbr.rel @p0 .LBB2_2-.Ltmp0, $3  }
0x5e: {  	(v2sf) =	vpush v0, $0x3  }
0x5f: {  	(v2sf) =	vpush v0, $0x5;
	_ =	sdelay $0x1  }
0x60: {  	s26 =	sshra.s32 s30, $0x2;
	(v2sf) =	vpush v0, $0x6  }
0x61: {  	_ =	sdelay $0x1  }
0x62: {  	s7 =	sadd.s32 $0x900, s26;
	s4 =	sadd.s32 $0xE00, s26  }
0x63: {  	s8 =	sadd.s32 $0xC00, s26;
	s0 =	sadd.s32 $0xE80, s26;
	(v2sf) =	vpush v0, $0x7;
	s9 =	sadd.s32 $0xB00, s26  }
0x64: {  	s10 =	sadd.s32 $0xC80, s26;
	s3 =	sadd.s32 $0xF00, s26;
	s11 =	sadd.s32 $0x880, s26  }
0x65: {  	s12 =	sadd.s32 $0xA80, s26;
	s13 =	sadd.s32 $0xB80, s26;
	(v2sf) =	vpush v0, $0x8;
	s16 =	spop (v2sf)  }
0x66: {  	s17 =	sadd.s32 $0x980, s26;
	s16 =	sand.u32 $0x1FFFFFF0, s16;
	s18 =	spop (v2sf)  }
0x67: {  	(v2sf) =	vpush v0, $0x9;
	s16 =	sadd.s32 s6, s16;
	s18 =	sand.u32 $0x1FFFFFF0, s18;
	s20 =	spop (v2sf)  }
0x68: {  	[tilespmem:s11], [sflag:$0x1] =	stream.linear.gather [hbm4b:s16+s25], $0x80, $0x38;
	[tilespmem:$0x18880] =	vst v63  }
0x69: {  	s23 =	sadd.s32 $0xA00, s26;
	(v2sf) =	vpush v0, $0xA;
	s28 =	sadd.s32 s6, s18;
	s29 =	spop (v2sf)  }
0x6a: {  	[tilespmem:s7], [sflag:$0x1] =	stream.linear.gather [hbm4b:s28+s25], $0x80, $0x38;
	[tilespmem:$0x18880] =	vst v63  }
0x6b: {  	s11 =	sadd.s32 $0xD80, s26;
	s30 =	sand.u32 $0x1FFFFFF0, s20;
	(v2sf) =	vpush v0, $0xB;
	s31 =	spop (v2sf)  }
0x6c: {  	s16 =	sadd.s32 s6, s30;
	s7 =	sadd.s32 $0xD00, s26;
	s20 =	sand.u32 $0x1FFFFFF0, s31  }
0x6d: {  	(v2sf) =	vpush v0, $0xC;
	[tilespmem:s17], [sflag:$0x1] =	stream.linear.gather [hbm4b:s16+s25], $0x80, $0x38;
	[tilespmem:$0x18880] =	vst v63  }
0x6e: {  	s28 =	sand.u32 $0x1FFFFFF0, s29;
	s29 =	spop (v2sf);
	s30 =	sadd.s32 s6, s20  }
0x6f: {  	(v2sf) =	vpush v0, $0xD;
	[tilespmem:s23], [sflag:$0x1] =	stream.linear.gather [hbm4b:s30+s25], $0x80, $0x38;
	[tilespmem:$0x18880] =	vst v63  }
0x70: {  	s16 =	sadd.s32 s6, s28;
	s17 =	sand.u32 $0x1FFFFFF0, s29;
	s31 =	spop (v2sf)  }
0x71: {  	(v2sf) =	vpush v0, $0xE;
	[tilespmem:s12], [sflag:$0x1] =	stream.linear.gather [hbm4b:s16+s25], $0x80, $0x38;
	[tilespmem:$0x18880] =	vst v63  }
0x72: {  	s17 =	sadd.s32 s6, s17;
	s20 =	sand.u32 $0x1FFFFFF0, s31;
	s23 =	spop (v2sf)  }
0x73: {  	(v2sf) =	vpush v0, $0xF;
	[tilespmem:s9], [sflag:$0x1] =	stream.linear.gather [hbm4b:s17+s25], $0x80, $0x38;
	[tilespmem:$0x18880] =	vst v63  }
0x74: {  	s28 =	sand.u32 $0x1FFFFFF0, s23;
	s29 =	spop (v2sf);
	s12 =	sadd.s32 s6, s20  }
0x75: {  	[tilespmem:s13], [sflag:$0x1] =	stream.linear.gather [hbm4b:s12+s25], $0x80, $0x38;
	[tilespmem:$0x18880] =	vst v63  }
0x76: {  	s30 =	sand.u32 $0x1FFFFFF0, s29;
	s9 =	sadd.s32 s6, s28;
	s31 =	spop (v2sf)  }
0x77: {  	[tilespmem:s8], [sflag:$0x1] =	stream.linear.gather [hbm4b:s9+s25], $0x80, $0x38;
	[tilespmem:$0x18880] =	vst v63  }
0x78: {  	s12 =	sadd.s32 s6, s30;
	s13 =	sand.u32 $0x1FFFFFF0, s31;
	s16 =	spop (v2sf)  }
0x79: {  	[tilespmem:s10], [sflag:$0x1] =	stream.linear.gather [hbm4b:s12+s25], $0x80, $0x38;
	[tilespmem:$0x18880] =	vst v63  }
0x7a: {  	s9 =	sand.u32 $0x1FFFFFF0, s16;
	s8 =	sadd.s32 s6, s13;
	s17 =	spop (v2sf)  }
0x7b: {  	[tilespmem:s7], [sflag:$0x1] =	stream.linear.gather [hbm4b:s8+s25], $0x80, $0x38;
	[tilespmem:$0x18880] =	vst v63  }
0x7c: {  	s9 =	sadd.s32 s6, s9;
	s18 =	sand.u32 $0x1FFFFFF0, s17;
	s20 =	spop (v2sf)  }
0x7d: {  	[tilespmem:s11], [sflag:$0x1] =	stream.linear.gather [hbm4b:s9+s25], $0x80, $0x38;
	[tilespmem:$0x18880] =	vst v63  }
0x7e: {  	s7 =	sadd.s32 s6, s18;
	s8 =	sand.u32 $0x1FFFFFF0, s20;
	s23 =	spop (v2sf)  }
0x7f: {  	[tilespmem:s4], [sflag:$0x1] =	stream.linear.gather [hbm4b:s7+s25], $0x80, $0x38;
	[tilespmem:$0x18880] =	vst v63  }
0x80: {  	s28 =	sand.u32 $0x1FFFFFF0, s23;
	s8 =	sadd.s32 s6, s8;
	s29 =	spop (v2sf)  }
0x81: {  	[tilespmem:s0], [sflag:$0x1] =	stream.linear.gather [hbm4b:s8+s25], $0x80, $0x38;
	[tilespmem:$0x18880] =	vst v63  }
0x82: {  	s30 =	sand.u32 $0x1FFFFFF0, s29;
	s31 =	spop (v2sf);
	s4 =	sadd.s32 s6, s28  }
0x83: {  	[tilespmem:s3], [sflag:$0x1] =	stream.linear.gather [hbm4b:s4+s25], $0x80, $0x38;
	[tilespmem:$0x18880] =	vst v63  }
0x84: {  	s7 =	sand.u32 $0x1FFFFFF0, s31;
	s8 =	sadd.s32 $0xF80, s26;
	s0 =	sadd.s32 s6, s30  }
0x85: {  	[tilespmem:s8], [sflag:$0x1] =	stream.linear.gather [hbm4b:s0+s25], $0x80, $0x38;
	[tilespmem:$0x18880] =	vst v63  }
0x86: {  	s9 =	sadd.s32 $0x1000, s26;
	s3 =	sadd.s32 s6, s7  }
0x87: {  	[tilespmem:s9], [sflag:$0x1] =	stream.linear.gather [hbm4b:s3+s25], $0x80, $0x38;
	[tilespmem:$0x18880] =	vst v63  }
0x88: {  	s25 =	simm.s32 $0x200  }
0x89: {  	v63 =	vld [tilespmem:s25+$0x0];
	_ =	sdelay $0x4  }
0x8a: {  	v0 =	vshll.u32 v63, $0x4  }
0x8b: {  	(v2sf) =	vpush v0, $0x0;
	_ =	sdelay $0x1  }
0x8c: {  	(v2sf) =	vpush v0, $0x1;
	_ =	sdelay $0x3  }
0x8d: {  	(v2sf) =	vpush v0, $0x2;
	_ =	sdelay $0x3  }
0x8e: {  	(v2sf) =	vpush v0, $0x3;
	_ =	sdelay $0x3  }
0x8f: {  	(v2sf) =	vpush v0, $0x4  }
0x90: {  	s10 =	spop (v2sf)  }
0x91: {  	s13 =	simm.s32 $0x8880;
	s16 =	simm.s32 $0x10880;
	s0 =	sand.u32 $0x1FFFFFF0, s10  }
0x92: {  	s18 =	simm.s32 $0x8900;
	s11 =	spop (v2sf);
	s12 =	sadd.s32 s2, s0  }
0x93: {  	(v2sf) =	vpush v0, $0x5;
	[tilespmem:s13], [sflag:$0x2] =	stream.linear.gather [hbm4b:s12+s5], $0x80, $0x38;
	[tilespmem:$0x18880] =	vst v63  }
0x94: {  	s23 =	simm.s32 $0x10900;
	s3 =	sand.u32 $0x1FFFFFF0, s11;
	s0 =	sadd.s32 s1, s0  }
0x95: {  	[tilespmem:s16], [sflag:$0x2] =	stream.linear.gather [hbm4b:s0+s5], $0x80, $0x38;
	[tilespmem:$0x18880] =	vst v63  }
0x96: {  	s28 =	simm.s32 $0x8980;
	s17 =	spop (v2sf);
	s20 =	sadd.s32 s2, s3  }
0x97: {  	(v2sf) =	vpush v0, $0x6;
	[tilespmem:s18], [sflag:$0x2] =	stream.linear.gather [hbm4b:s20+s5], $0x80, $0x38;
	[tilespmem:$0x18880] =	vst v63  }
0x98: {  	s30 =	simm.s32 $0x10980;
	s3 =	sadd.s32 s1, s3;
	s0 =	sand.u32 $0x1FFFFFF0, s17  }
0x99: {  	(v2sf) =	vpush v0, $0x7;
	[tilespmem:s23], [sflag:$0x2] =	stream.linear.gather [hbm4b:s3+s5], $0x80, $0x38;
	[tilespmem:$0x18880] =	vst v63  }
0x9a: {  	s7 =	simm.s32 $0x8E00;
	s26 =	spop (v2sf);
	s29 =	sadd.s32 s2, s0  }
0x9b: {  	[tilespmem:s28], [sflag:$0x2] =	stream.linear.gather [hbm4b:s29+s5], $0x80, $0x38;
	[tilespmem:$0x18880] =	vst v63  }
0x9c: {  	s8 =	simm.s32 $0x8A00;
	s0 =	sadd.s32 s1, s0;
	s3 =	sand.u32 $0x1FFFFFF0, s26  }
0x9d: {  	[tilespmem:s30], [sflag:$0x2] =	stream.linear.gather [hbm4b:s0+s5], $0x80, $0x38;
	[tilespmem:$0x18880] =	vst v63  }
0x9e: {  	s10 =	simm.s32 $0x10A00;
	s31 =	spop (v2sf);
	s9 =	sadd.s32 s2, s3  }
0x9f: {  	(v2sf) =	vpush v0, $0x8;
	[tilespmem:s8], [sflag:$0x2] =	stream.linear.gather [hbm4b:s9+s5], $0x80, $0x38;
	[tilespmem:$0x18880] =	vst v63  }
0xa0: {  	s12 =	simm.s32 $0x8A80;
	s3 =	sadd.s32 s1, s3;
	s0 =	sand.u32 $0x1FFFFFF0, s31  }
0xa1: {  	[tilespmem:s10], [sflag:$0x2] =	stream.linear.gather [hbm4b:s3+s5], $0x80, $0x38;
	[tilespmem:$0x18880] =	vst v63  }
0xa2: {  	s16 =	simm.s32 $0x10A80;
	s13 =	sadd.s32 s2, s0;
	s11 =	spop (v2sf)  }
0xa3: {  	(v2sf) =	vpush v0, $0x9;
	[tilespmem:s12], [sflag:$0x2] =	stream.linear.gather [hbm4b:s13+s5], $0x80, $0x38;
	[tilespmem:$0x18880] =	vst v63  }
0xa4: {  	s18 =	simm.s32 $0x8B00;
	s0 =	sadd.s32 s1, s0;
	s3 =	sand.u32 $0x1FFFFFF0, s11  }
0xa5: {  	[tilespmem:s16], [sflag:$0x2] =	stream.linear.gather [hbm4b:s0+s5], $0x80, $0x38;
	[tilespmem:$0x18880] =	vst v63  }
0xa6: {  	s23 =	simm.s32 $0x10B00;
	s17 =	spop (v2sf);
	s20 =	sadd.s32 s2, s3  }
0xa7: {  	(v2sf) =	vpush v0, $0xA;
	[tilespmem:s18], [sflag:$0x2] =	stream.linear.gather [hbm4b:s20+s5], $0x80, $0x38;
	[tilespmem:$0x18880] =	vst v63  }
0xa8: {  	s26 =	spop (v2sf);
	s3 =	sadd.s32 s1, s3;
	s0 =	sand.u32 $0x1FFFFFF0, s17  }
0xa9: {  	(v2sf) =	vpush v0, $0xB;
	[tilespmem:s23], [sflag:$0x2] =	stream.linear.gather [hbm4b:s3+s5], $0x80, $0x38;
	[tilespmem:$0x18880] =	vst v63  }
0xaa: {  	s28 =	simm.s32 $0x8B80;
	s30 =	simm.s32 $0x10B80;
	s29 =	sadd.s32 s2, s0  }
0xab: {  	[tilespmem:s28], [sflag:$0x2] =	stream.linear.gather [hbm4b:s29+s5], $0x80, $0x38;
	[tilespmem:$0x18880] =	vst v63  }
0xac: {  	s8 =	simm.s32 $0x8C00;
	s0 =	sadd.s32 s1, s0;
	s3 =	sand.u32 $0x1FFFFFF0, s26  }
0xad: {  	[tilespmem:s30], [sflag:$0x2] =	stream.linear.gather [hbm4b:s0+s5], $0x80, $0x38;
	[tilespmem:$0x18880] =	vst v63  }
0xae: {  	s10 =	simm.s32 $0x10C00;
	s31 =	spop (v2sf);
	s9 =	sadd.s32 s2, s3  }
0xaf: {  	(v2sf) =	vpush v0, $0xC;
	[tilespmem:s8], [sflag:$0x2] =	stream.linear.gather [hbm4b:s9+s5], $0x80, $0x38;
	[tilespmem:$0x18880] =	vst v63  }
0xb0: {  	s12 =	simm.s32 $0x8C80;
	s3 =	sadd.s32 s1, s3;
	s0 =	sand.u32 $0x1FFFFFF0, s31  }
0xb1: {  	[tilespmem:s10], [sflag:$0x2] =	stream.linear.gather [hbm4b:s3+s5], $0x80, $0x38;
	[tilespmem:$0x18880] =	vst v63  }
0xb2: {  	s16 =	simm.s32 $0x10C80;
	s11 =	spop (v2sf);
	s13 =	sadd.s32 s2, s0  }
0xb3: {  	(v2sf) =	vpush v0, $0xD;
	[tilespmem:s12], [sflag:$0x2] =	stream.linear.gather [hbm4b:s13+s5], $0x80, $0x38;
	[tilespmem:$0x18880] =	vst v63  }
0xb4: {  	s18 =	simm.s32 $0x8D00;
	s0 =	sadd.s32 s1, s0;
	s3 =	sand.u32 $0x1FFFFFF0, s11  }
0xb5: {  	[tilespmem:s16], [sflag:$0x2] =	stream.linear.gather [hbm4b:s0+s5], $0x80, $0x38;
	[tilespmem:$0x18880] =	vst v63  }
0xb6: {  	s23 =	simm.s32 $0x10D00;
	s17 =	spop (v2sf);
	s20 =	sadd.s32 s2, s3  }
0xb7: {  	(v2sf) =	vpush v0, $0xE;
	[tilespmem:s18], [sflag:$0x2] =	stream.linear.gather [hbm4b:s20+s5], $0x80, $0x38;
	[tilespmem:$0x18880] =	vst v63  }
0xb8: {  	s26 =	spop (v2sf);
	s3 =	sadd.s32 s1, s3;
	s0 =	sand.u32 $0x1FFFFFF0, s17  }
0xb9: {  	(v2sf) =	vpush v0, $0xF;
	[tilespmem:s23], [sflag:$0x2] =	stream.linear.gather [hbm4b:s3+s5], $0x80, $0x38;
	[tilespmem:$0x18880] =	vst v63  }
0xba: {  	s28 =	simm.s32 $0x8D80;
	s30 =	simm.s32 $0x10D80;
	s29 =	sadd.s32 s2, s0  }
0xbb: {  	[tilespmem:s28], [sflag:$0x2] =	stream.linear.gather [hbm4b:s29+s5], $0x80, $0x38;
	[tilespmem:$0x18880] =	vst v63  }
0xbc: {  	s9 =	simm.s32 $0x10E00;
	s0 =	sadd.s32 s1, s0;
	s3 =	sand.u32 $0x1FFFFFF0, s26  }
0xbd: {  	[tilespmem:s30], [sflag:$0x2] =	stream.linear.gather [hbm4b:s0+s5], $0x80, $0x38;
	[tilespmem:$0x18880] =	vst v63  }
0xbe: {  	s31 =	spop (v2sf);
	s11 =	simm.s32 $0x8E80;
	s8 =	sadd.s32 s2, s3  }
0xbf: {  	[tilespmem:s7], [sflag:$0x2] =	stream.linear.gather [hbm4b:s8+s5], $0x80, $0x38;
	[tilespmem:$0x18880] =	vst v63  }
0xc0: {  	s13 =	simm.s32 $0x10E80;
	s3 =	sadd.s32 s1, s3;
	s0 =	sand.u32 $0x1FFFFFF0, s31  }
0xc1: {  	[tilespmem:s9], [sflag:$0x2] =	stream.linear.gather [hbm4b:s3+s5], $0x80, $0x38;
	[tilespmem:$0x18880] =	vst v63  }
0xc2: {  	s17 =	simm.s32 $0x8F00;
	s10 =	spop (v2sf);
	s12 =	sadd.s32 s2, s0  }
0xc3: {  	[tilespmem:s11], [sflag:$0x2] =	stream.linear.gather [hbm4b:s12+s5], $0x80, $0x38;
	[tilespmem:$0x18880] =	vst v63  }
0xc4: {  	s20 =	simm.s32 $0x10F00;
	s0 =	sadd.s32 s1, s0;
	s3 =	sand.u32 $0x1FFFFFF0, s10  }
0xc5: {  	[tilespmem:s13], [sflag:$0x2] =	stream.linear.gather [hbm4b:s0+s5], $0x80, $0x38;
	[tilespmem:$0x18880] =	vst v63  }
0xc6: {  	s26 =	simm.s32 $0x8F80;
	s16 =	spop (v2sf);
	s18 =	sadd.s32 s2, s3  }
0xc7: {  	[tilespmem:s17], [sflag:$0x2] =	stream.linear.gather [hbm4b:s18+s5], $0x80, $0x38;
	[tilespmem:$0x18880] =	vst v63  }
0xc8: {  	s23 =	spop (v2sf);
	s3 =	sadd.s32 s1, s3;
	s0 =	sand.u32 $0x1FFFFFF0, s16  }
0xc9: {  	[tilespmem:s20], [sflag:$0x2] =	stream.linear.gather [hbm4b:s3+s5], $0x80, $0x38;
	[tilespmem:$0x18880] =	vst v63  }
0xca: {  	s29 =	simm.s32 $0x10F80;
	s28 =	sadd.s32 s2, s0;
	s3 =	sand.u32 $0x1FFFFFF0, s23  }
0xcb: {  	[tilespmem:s26], [sflag:$0x2] =	stream.linear.gather [hbm4b:s28+s5], $0x80, $0x38;
	[tilespmem:$0x18880] =	vst v63  }
0xcc: {  	s30 =	simm.s32 $0x9000;
	s0 =	sadd.s32 s1, s0;
	s31 =	sadd.s32 s2, s3  }
0xcd: {  	[tilespmem:s29], [sflag:$0x2] =	stream.linear.gather [hbm4b:s0+s5], $0x80, $0x38;
	[tilespmem:$0x18880] =	vst v63  }
0xce: {  	s3 =	sadd.s32 s1, s3;
	s26 =	simm.s32 $0x2000;
	s0 =	simm.s32 $0x11000  }
0xcf: {  	[tilespmem:s30], [sflag:$0x2] =	stream.linear.gather [hbm4b:s31+s5], $0x80, $0x38;
	[tilespmem:$0x18880] =	vst v63  }
.LBB2_4:
0xd0: {  	p0 =	sne.s32 s26, $0x1E000  }
0xd1: {  	s25 =	sadd.s32 $0x10, s25;
	s4 =	smov.u32 s26;
	s26 =	sadd.s32 $0x2000, s26  }
0xd2: {  	[tilespmem:s0], [sflag:$0x2] =	stream.linear.gather [hbm4b:s3+s5], $0x80, $0x38;
	[tilespmem:$0x18880] =	vst v63  }
0xd3: {  	v0 =	vld [tilespmem:s25+$0x0];
	_ =	sdelay $0x4  }
0xd4: {  	v0 =	vshll.u32 v0, $0x4  }
0xd5: {  	(v2sf) =	vpush v0, $0x0  }
0xd6: {  	(v2sf) =	vpush v0, $0x1  }
0xd7: {  	(v2sf) =	vpush v0, $0x2;
	_ =	sdelay $0x2  }
0xd8: {  	(v2sf) =	vpush v0, $0x3;
	_ =	sdelay $0x3  }
0xd9: {  	(v2sf) =	vpush v0, $0x4;
	_ =	sdelay $0x3  }
0xda: {  	(v2sf) =	vpush v0, $0x5;
	_ =	sdelay $0x1  }
0xdb: {  	s0 =	spop (v2sf)  }
0xdc: {  	s28 =	sshra.s32 s4, $0x2;
	s0 =	sand.u32 $0x1FFFFFF0, s0;
	s3 =	spop (v2sf)  }
0xdd: {  	s7 =	sadd.s32 $0x10880, s28;
	s4 =	sadd.s32 s2, s0;
	s8 =	spop (v2sf);
	(v2sf) =	vpush v0, $0x6  }
0xde: {  	s9 =	sadd.s32 $0x8880, s28;
	s3 =	sand.u32 $0x1FFFFFF0, s3;
	s8 =	sand.u32 $0x1FFFFFF0, s8  }
0xdf: {  	[tilespmem:s9], [sflag:$0x2] =	stream.linear.gather [hbm4b:s4+s5], $0x80, $0x38;
	[tilespmem:$0x18880] =	vst v63  }
0xe0: {  	s0 =	sadd.s32 s1, s0;
	s4 =	sadd.s32 $0x8900, s28;
	s9 =	spop (v2sf)  }
0xe1: {  	[tilespmem:s7], [sflag:$0x2] =	stream.linear.gather [hbm4b:s0+s5], $0x80, $0x38;
	(v2sf) =	vpush v0, $0x7;
	[tilespmem:$0x18880] =	vst v63  }
0xe2: {  	s0 =	sadd.s32 s2, s3;
	s7 =	sadd.s32 $0x10900, s28;
	s9 =	sand.u32 $0x1FFFFFF0, s9  }
0xe3: {  	[tilespmem:s4], [sflag:$0x2] =	stream.linear.gather [hbm4b:s0+s5], $0x80, $0x38;
	[tilespmem:$0x18880] =	vst v63  }
0xe4: {  	s0 =	sadd.s32 s1, s3;
	s3 =	sadd.s32 $0x8980, s28;
	s4 =	spop (v2sf)  }
0xe5: {  	[tilespmem:s7], [sflag:$0x2] =	stream.linear.gather [hbm4b:s0+s5], $0x80, $0x38;
	[tilespmem:$0x18880] =	vst v63  }
0xe6: {  	s0 =	sadd.s32 s2, s8;
	s7 =	sadd.s32 $0x10980, s28;
	s4 =	sand.u32 $0x1FFFFFF0, s4  }
0xe7: {  	[tilespmem:s3], [sflag:$0x2] =	stream.linear.gather [hbm4b:s0+s5], $0x80, $0x38;
	(v2sf) =	vpush v0, $0x8;
	[tilespmem:$0x18880] =	vst v63  }
0xe8: {  	s0 =	sadd.s32 s1, s8;
	s3 =	sadd.s32 $0x8A00, s28;
	s8 =	spop (v2sf)  }
0xe9: {  	[tilespmem:s7], [sflag:$0x2] =	stream.linear.gather [hbm4b:s0+s5], $0x80, $0x38;
	[tilespmem:$0x18880] =	vst v63  }
0xea: {  	s0 =	sadd.s32 s2, s9;
	s7 =	sadd.s32 $0x10A00, s28;
	s8 =	sand.u32 $0x1FFFFFF0, s8  }
0xeb: {  	[tilespmem:s3], [sflag:$0x2] =	stream.linear.gather [hbm4b:s0+s5], $0x80, $0x38;
	(v2sf) =	vpush v0, $0x9;
	[tilespmem:$0x18880] =	vst v63  }
0xec: {  	s0 =	sadd.s32 s1, s9;
	s3 =	sadd.s32 $0x8A80, s28;
	s9 =	spop (v2sf)  }
0xed: {  	[tilespmem:s7], [sflag:$0x2] =	stream.linear.gather [hbm4b:s0+s5], $0x80, $0x38;
	[tilespmem:$0x18880] =	vst v63  }
0xee: {  	s0 =	sadd.s32 s2, s4;
	s7 =	sadd.s32 $0x10A80, s28;
	s9 =	sand.u32 $0x1FFFFFF0, s9  }
0xef: {  	[tilespmem:s3], [sflag:$0x2] =	stream.linear.gather [hbm4b:s0+s5], $0x80, $0x38;
	(v2sf) =	vpush v0, $0xA;
	[tilespmem:$0x18880] =	vst v63  }
0xf0: {  	s0 =	sadd.s32 s1, s4;
	s3 =	sadd.s32 $0x8B00, s28;
	s4 =	spop (v2sf)  }
0xf1: {  	[tilespmem:s7], [sflag:$0x2] =	stream.linear.gather [hbm4b:s0+s5], $0x80, $0x38;
	[tilespmem:$0x18880] =	vst v63  }
0xf2: {  	s0 =	sadd.s32 s2, s8;
	s7 =	sadd.s32 $0x10B00, s28;
	s4 =	sand.u32 $0x1FFFFFF0, s4  }
0xf3: {  	[tilespmem:s3], [sflag:$0x2] =	stream.linear.gather [hbm4b:s0+s5], $0x80, $0x38;
	(v2sf) =	vpush v0, $0xB;
	[tilespmem:$0x18880] =	vst v63  }
0xf4: {  	s0 =	sadd.s32 s1, s8;
	s3 =	sadd.s32 $0x8B80, s28;
	s8 =	sadd.s32 s2, s9  }
0xf5: {  	[tilespmem:s7], [sflag:$0x2] =	stream.linear.gather [hbm4b:s0+s5], $0x80, $0x38;
	[tilespmem:$0x18880] =	vst v63  }
0xf6: {  	s0 =	sadd.s32 $0x10B80, s28;
	s7 =	sadd.s32 s1, s9;
	s9 =	spop (v2sf)  }
0xf7: {  	[tilespmem:s3], [sflag:$0x2] =	stream.linear.gather [hbm4b:s8+s5], $0x80, $0x38;
	(v2sf) =	vpush v0, $0xC;
	[tilespmem:$0x18880] =	vst v63  }
0xf8: {  	s3 =	sadd.s32 $0x8C00, s28;
	s8 =	sadd.s32 s2, s4;
	s9 =	sand.u32 $0x1FFFFFF0, s9  }
0xf9: {  	[tilespmem:s0], [sflag:$0x2] =	stream.linear.gather [hbm4b:s7+s5], $0x80, $0x38;
	[tilespmem:$0x18880] =	vst v63  }
0xfa: {  	s4 =	sadd.s32 s1, s4;
	s0 =	sadd.s32 $0x10C00, s28;
	s7 =	spop (v2sf)  }
0xfb: {  	[tilespmem:s3], [sflag:$0x2] =	stream.linear.gather [hbm4b:s8+s5], $0x80, $0x38;
	(v2sf) =	vpush v0, $0xD;
	[tilespmem:$0x18880] =	vst v63  }
0xfc: {  	s3 =	sadd.s32 $0x8C80, s28;
	s8 =	sadd.s32 s2, s9;
	s7 =	sand.u32 $0x1FFFFFF0, s7  }
0xfd: {  	[tilespmem:s0], [sflag:$0x2] =	stream.linear.gather [hbm4b:s4+s5], $0x80, $0x38;
	[tilespmem:$0x18880] =	vst v63  }
0xfe: {  	s0 =	sadd.s32 $0x10C80, s28;
	s4 =	sadd.s32 s1, s9;
	s9 =	spop (v2sf)  }
0xff: {  	[tilespmem:s3], [sflag:$0x2] =	stream.linear.gather [hbm4b:s8+s5], $0x80, $0x38;
	(v2sf) =	vpush v0, $0xE;
	[tilespmem:$0x18880] =	vst v63  }
0x100: {  	s3 =	sadd.s32 $0x8D00, s28;
	s8 =	sadd.s32 s2, s7;
	s9 =	sand.u32 $0x1FFFFFF0, s9  }
0x101: {  	[tilespmem:s0], [sflag:$0x2] =	stream.linear.gather [hbm4b:s4+s5], $0x80, $0x38;
	[tilespmem:$0x18880] =	vst v63  }
0x102: {  	s0 =	sadd.s32 $0x10D00, s28;
	s4 =	sadd.s32 s1, s7;
	s7 =	spop (v2sf)  }
0x103: {  	[tilespmem:s3], [sflag:$0x2] =	stream.linear.gather [hbm4b:s8+s5], $0x80, $0x38;
	(v2sf) =	vpush v0, $0xF;
	[tilespmem:$0x18880] =	vst v63  }
0x104: {  	s3 =	sadd.s32 $0x8D80, s28;
	s8 =	sadd.s32 s2, s9;
	s7 =	sand.u32 $0x1FFFFFF0, s7  }
0x105: {  	[tilespmem:s0], [sflag:$0x2] =	stream.linear.gather [hbm4b:s4+s5], $0x80, $0x38;
	[tilespmem:$0x18880] =	vst v63  }
0x106: {  	s0 =	sadd.s32 $0x10D80, s28;
	s4 =	sadd.s32 s1, s9;
	s9 =	spop (v2sf)  }
0x107: {  	[tilespmem:s3], [sflag:$0x2] =	stream.linear.gather [hbm4b:s8+s5], $0x80, $0x38;
	[tilespmem:$0x18880] =	vst v63  }
0x108: {  	s3 =	sadd.s32 $0x8E00, s28;
	s8 =	sadd.s32 s2, s7;
	s9 =	sand.u32 $0x1FFFFFF0, s9  }
0x109: {  	[tilespmem:s0], [sflag:$0x2] =	stream.linear.gather [hbm4b:s4+s5], $0x80, $0x38;
	[tilespmem:$0x18880] =	vst v63  }
0x10a: {  	s0 =	sadd.s32 $0x10E00, s28;
	s4 =	sadd.s32 s1, s7;
	s7 =	spop (v2sf)  }
0x10b: {  	[tilespmem:s3], [sflag:$0x2] =	stream.linear.gather [hbm4b:s8+s5], $0x80, $0x38;
	[tilespmem:$0x18880] =	vst v63  }
0x10c: {  	s3 =	sadd.s32 $0x8E80, s28;
	s8 =	sadd.s32 s2, s9;
	s7 =	sand.u32 $0x1FFFFFF0, s7  }
0x10d: {  	[tilespmem:s0], [sflag:$0x2] =	stream.linear.gather [hbm4b:s4+s5], $0x80, $0x38;
	[tilespmem:$0x18880] =	vst v63  }
0x10e: {  	s0 =	sadd.s32 $0x10E80, s28;
	s4 =	sadd.s32 s1, s9;
	s9 =	spop (v2sf)  }
0x10f: {  	[tilespmem:s3], [sflag:$0x2] =	stream.linear.gather [hbm4b:s8+s5], $0x80, $0x38;
	[tilespmem:$0x18880] =	vst v63  }
0x110: {  	s3 =	sadd.s32 $0x8F00, s28;
	s8 =	sadd.s32 s2, s7;
	s9 =	sand.u32 $0x1FFFFFF0, s9  }
0x111: {  	[tilespmem:s0], [sflag:$0x2] =	stream.linear.gather [hbm4b:s4+s5], $0x80, $0x38;
	[tilespmem:$0x18880] =	vst v63  }
0x112: {  	s0 =	sadd.s32 $0x10F00, s28;
	s4 =	sadd.s32 s1, s7;
	s7 =	spop (v2sf)  }
0x113: {  	[tilespmem:s3], [sflag:$0x2] =	stream.linear.gather [hbm4b:s8+s5], $0x80, $0x38;
	[tilespmem:$0x18880] =	vst v63  }
0x114: {  	s3 =	sadd.s32 $0x8F80, s28;
	s8 =	sadd.s32 s2, s9;
	s7 =	sand.u32 $0x1FFFFFF0, s7  }
0x115: {  	[tilespmem:s0], [sflag:$0x2] =	stream.linear.gather [hbm4b:s4+s5], $0x80, $0x38;
	[tilespmem:$0x18880] =	vst v63  }
0x116: {  	s0 =	sadd.s32 $0x10F80, s28;
	s4 =	sadd.s32 s1, s9  }
0x117: {  	[tilespmem:s3], [sflag:$0x2] =	stream.linear.gather [hbm4b:s8+s5], $0x80, $0x38;
	[tilespmem:$0x18880] =	vst v63  }
.Ltmp1:
0x118: {  	_ = 	snop;
	(pc) =	sbr.rel @p0 .LBB2_4-.Ltmp1, $4  }
0x119: {  	s9 =	sadd.s32 s2, s7;
	s8 =	sadd.s32 $0x9000, s28  }
0x11a: {  	[tilespmem:s0], [sflag:$0x2] =	stream.linear.gather [hbm4b:s4+s5], $0x80, $0x38;
	[tilespmem:$0x18880] =	vst v63  }
0x11b: {  	s3 =	sadd.s32 s1, s7;
	s0 =	sadd.s32 $0x11000, s28  }
0x11c: {  	[tilespmem:s8], [sflag:$0x2] =	stream.linear.gather [hbm4b:s9+s5], $0x80, $0x38;
	[tilespmem:$0x18880] =	vst v63  }
0x11d: {  	[tilespmem:s0], [sflag:$0x2] =	stream.linear.gather [hbm4b:s3+s5], $0x80, $0x38;
	[tilespmem:$0x18880] =	vst v63  }
0x11e: {  	s0 =	simm.s32 $0x0  }
0x11f: {  	v1 =	vld [tilespmem:s0+$0x400];
	_ =	sdelay $0x1  }
0x120: {  	v0 =	vld [tilespmem:$0x800];
	_ =	sdelay $0x2  }
0x121: {  	s3 =	simm.s32 $0x10;
	v1 =	vcvt.s32.f32 v1  }
0x122: {  	v2 =	vld [tilespmem:s3+$0x400]  }
0x123: {  	v1 =	vmul.f32 v1, v0;
	_ =	sdelay $0x1  }
0x124: {  	v1 =	vmul.f32 $1.442695020e+00, v1;
	_ =	sdelay $0x1  }
0x125: {  	s4 =	simm.s32 $0x20;
	v2 =	vcvt.s32.f32 v2;
	(erf) = vpow2.f32 v1  }
0x126: {  	v1 =	vld [tilespmem:s4+$0x400]  }
0x127: {  	v2 =	vmul.f32 v2, v0;
	_ =	sdelay $0x1  }
0x128: {  	s16 =	simm.s32 $0xC0;
	v2 =	vmul.f32 $1.442695020e+00, v2  }
.LBB2_6:
0x129: {  	p0 =	sne.s32 s16, $0x7C0  }
.Ltmp2:
0x12a: {  	s7 =	sshra.s32 s16, $0x2;
	s16 =	sadd.s32 $0x40, s16;
	v4 =	vcvt.s32.f32 v1;
	(erf) = vpow2.f32 v2;
	(pc) =	sbr.rel @p0 .LBB2_6-.Ltmp2, $4  }
0x12b: {  	v1 =	vld [tilespmem:s7+$0x400]  }
0x12c: {  	v2 =	vmul.f32 v4, v0  }
0x12d: {  	v3 =	vpop (erf)  }
0x12e: {  	v2 =	vmul.f32 $1.442695020e+00, v2;
	[tilespmem:s0+$0x600] =	vst v3;
	s0 =	smov.u32 s3;
	s3 =	smov.u32 s4;
	s4 =	smov.u32 s7  }
0x12f: {  	_ = 	snop  }
0x130: {  	v1 =	vcvt.s32.f32 v1;
	_ =	sdelay $0x1  }
0x131: {  	v0 =	vmul.f32 v1, v0;
	_ =	sdelay $0x1  }
0x132: {  	v0 =	vmul.f32 $1.442695020e+00, v0  }
0x133: {  	(erf) = vpow2.f32 v2  }
0x134: {  	(erf) = vpow2.f32 v0;
	_ =	sdelay $0x6  }
0x135: {  	v0 =	vpop (erf)  }
0x136: {  	[tilespmem:s0+$0x600] =	vst v0;
	v0 =	vpop (erf)  }
0x137: {  	[tilespmem:s3+$0x600] =	vst v0;
	v0 =	vpop (erf)  }
0x138: {  	[tilespmem:s4+$0x600] =	vst v0  }
0x139: {  	_ =	swait.ge [sflag:s19], $0x8000  }
0x13a: {  	s25 =	simm.s32 $0x0;
	[sflag:s19] =	ssyncset.done $0x0  }
0x13b: {  	s30 =	simm.s32 $0x880;
	s29 =	rddreg [dreg:$0xb];
	[sflag:s19] =	ssyncadd.s32 $0xFFFF8000  }
0x13c: {  	[hbm4b:s29+s25] =	stream.linear.scatter [tilespmem:s30], [sflag:$0x3], $0x8000, $0x38;
	[tilespmem:$0x18880] =	vst v63  }
0x13d: {  	_ =	swait.ge [sflag:s15], $0x8000  }
0x13e: {  	[sflag:s15] =	ssyncset.done $0x0  }
0x13f: {  	s31 =	sand.u32 $0xF0, s25;
	[sflag:s15] =	ssyncadd.s32 $0xFFFF8000  }
0x140: {  	v0 =	vld [tilespmem:s31+$0x100];
	_ =	sdelay $0x4  }
0x141: {  	v0 =	vshll.u32 v0, $0x4  }
0x142: {  	(v2sf) =	vpush v0, $0x0  }
0x143: {  	(v2sf) =	vpush v0, $0x2  }
0x144: {  	(v2sf) =	vpush v0, $0x1;
	_ =	sdelay $0x1  }
0x145: {  	(v2sf) =	vpush v0, $0x3  }
0x146: {  	(v2sf) =	vpush v0, $0x4;
	_ =	sdelay $0x2  }
0x147: {  	s26 =	simm.s32 $0x2000;
	s28 =	simm.s32 $0x10  }
.LBB2_8:
0x148: {  	p0 =	sne.s32 s26, $0x1E000;
	(v2sf) =	vpush v0, $0x5;
	s0 =	smov.u32 s26;
	s26 =	sadd.s32 $0x2000, s26  }
0x149: {  	s29 =	sshra.s32 s25, $0x2;
	s25 =	smov.u32 s0  }
0x14a: {  	s7 =	sadd.s32 $0x900, s29;
	(v2sf) =	vpush v0, $0x6  }
0x14b: {  	s8 =	sadd.s32 $0x880, s29  }
0x14c: {  	s30 =	sadd.s32 $0xE00, s29;
	s4 =	sadd.s32 $0xE80, s29;
	s0 =	sadd.s32 $0xF00, s29;
	(v2sf) =	vpush v0, $0x7  }
0x14d: {  	s16 =	sadd.s32 $0xC80, s29;
	s3 =	sadd.s32 $0xD00, s29;
	s31 =	sadd.s32 $0xD80, s29  }
0x14e: {  	s9 =	sadd.s32 $0xB80, s29;
	s17 =	sadd.s32 $0xC00, s29;
	s10 =	spop (v2sf);
	(v2sf) =	vpush v0, $0x8  }
0x14f: {  	s11 =	sadd.s32 $0x980, s29;
	s10 =	sand.u32 $0x1FFFFFF0, s10;
	s12 =	spop (v2sf)  }
0x150: {  	s13 =	sadd.s32 $0xB00, s29;
	s10 =	sadd.s32 s6, s10;
	s18 =	spop (v2sf);
	(v2sf) =	vpush v0, $0x9  }
0x151: {  	[tilespmem:s8], [sflag:$0x1] =	stream.linear.gather [hbm4b:s10+s5], $0x80, $0x38;
	[tilespmem:$0x18880] =	vst v63  }
0x152: {  	s8 =	sand.u32 $0x1FFFFFF0, s18;
	s10 =	sand.u32 $0x1FFFFFF0, s12;
	s12 =	spop (v2sf);
	(v2sf) =	vpush v0, $0xA  }
0x153: {  	s18 =	sadd.s32 $0xA80, s29;
	s8 =	sadd.s32 s6, s8;
	s20 =	spop (v2sf)  }
0x154: {  	[tilespmem:s7], [sflag:$0x1] =	stream.linear.gather [hbm4b:s8+s5], $0x80, $0x38;
	(v2sf) =	vpush v0, $0xB;
	[tilespmem:$0x18880] =	vst v63  }
0x155: {  	s7 =	sadd.s32 s6, s10;
	s8 =	sand.u32 $0x1FFFFFF0, s12;
	s10 =	sand.u32 $0x1FFFFFF0, s20  }
0x156: {  	[tilespmem:s11], [sflag:$0x1] =	stream.linear.gather [hbm4b:s7+s5], $0x80, $0x38;
	(v2sf) =	vpush v0, $0xC;
	[tilespmem:$0x18880] =	vst v63  }
0x157: {  	s8 =	sadd.s32 s6, s8;
	s7 =	sadd.s32 $0xA00, s29;
	s11 =	spop (v2sf)  }
0x158: {  	[tilespmem:s7], [sflag:$0x1] =	stream.linear.gather [hbm4b:s8+s5], $0x80, $0x38;
	(v2sf) =	vpush v0, $0xD;
	[tilespmem:$0x18880] =	vst v63  }
0x159: {  	s7 =	sadd.s32 s6, s10;
	s8 =	sand.u32 $0x1FFFFFF0, s11;
	s10 =	spop (v2sf)  }
0x15a: {  	[tilespmem:s18], [sflag:$0x1] =	stream.linear.gather [hbm4b:s7+s5], $0x80, $0x38;
	(v2sf) =	vpush v0, $0xE;
	[tilespmem:$0x18880] =	vst v63  }
0x15b: {  	s7 =	sadd.s32 s6, s8;
	s8 =	sand.u32 $0x1FFFFFF0, s10;
	s10 =	spop (v2sf)  }
0x15c: {  	[tilespmem:s13], [sflag:$0x1] =	stream.linear.gather [hbm4b:s7+s5], $0x80, $0x38;
	(v2sf) =	vpush v0, $0xF;
	[tilespmem:$0x18880] =	vst v63  }
0x15d: {  	s7 =	sadd.s32 s6, s8;
	s8 =	sand.u32 $0x1FFFFFF0, s10;
	s10 =	spop (v2sf)  }
0x15e: {  	[tilespmem:s9], [sflag:$0x1] =	stream.linear.gather [hbm4b:s7+s5], $0x80, $0x38;
	[tilespmem:$0x18880] =	vst v63  }
0x15f: {  	s7 =	sadd.s32 s6, s8;
	s8 =	sand.u32 $0x1FFFFFF0, s10;
	s9 =	spop (v2sf)  }
0x160: {  	[tilespmem:s17], [sflag:$0x1] =	stream.linear.gather [hbm4b:s7+s5], $0x80, $0x38;
	[tilespmem:$0x18880] =	vst v63  }
0x161: {  	s7 =	sadd.s32 s6, s8;
	s8 =	sand.u32 $0x1FFFFFF0, s9;
	s9 =	spop (v2sf)  }
0x162: {  	[tilespmem:s16], [sflag:$0x1] =	stream.linear.gather [hbm4b:s7+s5], $0x80, $0x38;
	[tilespmem:$0x18880] =	vst v63  }
0x163: {  	s7 =	sadd.s32 s6, s8;
	s8 =	sand.u32 $0x1FFFFFF0, s9;
	s9 =	spop (v2sf)  }
0x164: {  	[tilespmem:s3], [sflag:$0x1] =	stream.linear.gather [hbm4b:s7+s5], $0x80, $0x38;
	[tilespmem:$0x18880] =	vst v63  }
0x165: {  	s3 =	sadd.s32 s6, s8;
	s7 =	sand.u32 $0x1FFFFFF0, s9;
	s8 =	spop (v2sf)  }
0x166: {  	[tilespmem:s31], [sflag:$0x1] =	stream.linear.gather [hbm4b:s3+s5], $0x80, $0x38;
	[tilespmem:$0x18880] =	vst v63  }
0x167: {  	s3 =	sadd.s32 s6, s7;
	s7 =	sand.u32 $0x1FFFFFF0, s8;
	s8 =	spop (v2sf)  }
0x168: {  	[tilespmem:s30], [sflag:$0x1] =	stream.linear.gather [hbm4b:s3+s5], $0x80, $0x38;
	[tilespmem:$0x18880] =	vst v63  }
0x169: {  	s3 =	sadd.s32 s6, s7;
	s7 =	sand.u32 $0x1FFFFFF0, s8;
	s8 =	spop (v2sf)  }
0x16a: {  	[tilespmem:s4], [sflag:$0x1] =	stream.linear.gather [hbm4b:s3+s5], $0x80, $0x38;
	[tilespmem:$0x18880] =	vst v63  }
0x16b: {  	s3 =	sadd.s32 s6, s7;
	s4 =	sand.u32 $0x1FFFFFF0, s8;
	s7 =	spop (v2sf)  }
0x16c: {  	[tilespmem:s0], [sflag:$0x1] =	stream.linear.gather [hbm4b:s3+s5], $0x80, $0x38;
	[tilespmem:$0x18880] =	vst v63  }
0x16d: {  	s0 =	sadd.s32 $0xF80, s29;
	s3 =	sadd.s32 s6, s4;
	s4 =	sand.u32 $0x1FFFFFF0, s7  }
0x16e: {  	[tilespmem:s0], [sflag:$0x1] =	stream.linear.gather [hbm4b:s3+s5], $0x80, $0x38;
	[tilespmem:$0x18880] =	vst v63  }
0x16f: {  	s4 =	sadd.s32 s6, s4;
	s0 =	sand.u32 $0xF0, s28;
	s3 =	sadd.s32 $0x1000, s29  }
0x170: {  	[tilespmem:s3], [sflag:$0x1] =	stream.linear.gather [hbm4b:s4+s5], $0x80, $0x38;
	[tilespmem:$0x18880] =	vst v63  }
0x171: {  	v0 =	vld [tilespmem:s0+$0x100];
	_ =	sdelay $0x4  }
0x172: {  	v0 =	vshll.u32 v0, $0x4  }
0x173: {  	(v2sf) =	vpush v0, $0x0  }
0x174: {  	(v2sf) =	vpush v0, $0x2  }
0x175: {  	(v2sf) =	vpush v0, $0x1;
	_ =	sdelay $0x1  }
.Ltmp3:
0x176: {  	(v2sf) =	vpush v0, $0x3;
	(pc) =	sbr.rel @p0 .LBB2_8-.Ltmp3, $2  }
0x177: {  	(v2sf) =	vpush v0, $0x4;
	_ =	sdelay $0x2  }
0x178: {  	s28 =	sadd.s32 $0x10, s28  }
0x179: {  	(v2sf) =	vpush v0, $0x5;
	_ =	sdelay $0x1  }
0x17a: {  	s0 =	sshra.s32 s25, $0x2;
	(v2sf) =	vpush v0, $0x6  }
0x17b: {  	s7 =	sadd.s32 $0x900, s0;
	s8 =	sadd.s32 $0x880, s0  }
0x17c: {  	s16 =	sadd.s32 $0xE00, s0;
	s4 =	sadd.s32 $0xE80, s0;
	s3 =	sadd.s32 $0xF00, s0;
	(v2sf) =	vpush v0, $0x7  }
0x17d: {  	s9 =	sadd.s32 $0xC80, s0;
	s10 =	sadd.s32 $0xD00, s0;
	s11 =	sadd.s32 $0xD80, s0  }
0x17e: {  	s12 =	sadd.s32 $0xB80, s0;
	s13 =	sadd.s32 $0xC00, s0;
	s17 =	spop (v2sf);
	(v2sf) =	vpush v0, $0x8  }
0x17f: {  	s18 =	sadd.s32 $0x980, s0;
	s17 =	sand.u32 $0x1FFFFFF0, s17;
	s20 =	spop (v2sf)  }
0x180: {  	s23 =	sadd.s32 $0xB00, s0;
	s17 =	sadd.s32 s6, s17;
	s28 =	spop (v2sf);
	(v2sf) =	vpush v0, $0x9  }
0x181: {  	[tilespmem:s8], [sflag:$0x1] =	stream.linear.gather [hbm4b:s17+s5], $0x80, $0x38;
	[tilespmem:$0x18880] =	vst v63  }
0x182: {  	s25 =	sadd.s32 $0xA80, s0;
	s29 =	sand.u32 $0x1FFFFFF0, s28;
	s31 =	spop (v2sf);
	(v2sf) =	vpush v0, $0xA  }
0x183: {  	s30 =	sand.u32 $0x1FFFFFF0, s20;
	s8 =	sadd.s32 s6, s29;
	s26 =	spop (v2sf)  }
0x184: {  	[tilespmem:s7], [sflag:$0x1] =	stream.linear.gather [hbm4b:s8+s5], $0x80, $0x38;
	(v2sf) =	vpush v0, $0xB;
	[tilespmem:$0x18880] =	vst v63  }
0x185: {  	s17 =	sadd.s32 s6, s30;
	s30 =	sadd.s32 $0xA00, s0;
	s28 =	sand.u32 $0x1FFFFFF0, s31  }
0x186: {  	(v2sf) =	vpush v0, $0xC;
	[tilespmem:s18], [sflag:$0x1] =	stream.linear.gather [hbm4b:s17+s5], $0x80, $0x38;
	[tilespmem:$0x18880] =	vst v63  }
0x187: {  	s29 =	sand.u32 $0x1FFFFFF0, s26;
	s8 =	sadd.s32 s6, s28;
	s31 =	spop (v2sf)  }
0x188: {  	[tilespmem:s30], [sflag:$0x1] =	stream.linear.gather [hbm4b:s8+s5], $0x80, $0x38;
	(v2sf) =	vpush v0, $0xD;
	[tilespmem:$0x18880] =	vst v63  }
0x189: {  	s17 =	sadd.s32 s6, s29;
	s18 =	sand.u32 $0x1FFFFFF0, s31;
	s20 =	spop (v2sf)  }
0x18a: {  	(v2sf) =	vpush v0, $0xE;
	[tilespmem:s25], [sflag:$0x1] =	stream.linear.gather [hbm4b:s17+s5], $0x80, $0x38;
	[tilespmem:$0x18880] =	vst v63  }
0x18b: {  	s25 =	sadd.s32 s6, s18;
	s26 =	sand.u32 $0x1FFFFFF0, s20;
	s28 =	spop (v2sf)  }
0x18c: {  	(v2sf) =	vpush v0, $0xF;
	[tilespmem:s23], [sflag:$0x1] =	stream.linear.gather [hbm4b:s25+s5], $0x80, $0x38;
	[tilespmem:$0x18880] =	vst v63  }
0x18d: {  	s29 =	sadd.s32 s6, s26;
	s30 =	sand.u32 $0x1FFFFFF0, s28;
	s31 =	spop (v2sf)  }
0x18e: {  	[tilespmem:s12], [sflag:$0x1] =	stream.linear.gather [hbm4b:s29+s5], $0x80, $0x38;
	[tilespmem:$0x18880] =	vst v63  }
0x18f: {  	s8 =	sadd.s32 s6, s30;
	s12 =	sand.u32 $0x1FFFFFF0, s31;
	s17 =	spop (v2sf)  }
0x190: {  	[tilespmem:s13], [sflag:$0x1] =	stream.linear.gather [hbm4b:s8+s5], $0x80, $0x38;
	[tilespmem:$0x18880] =	vst v63  }
0x191: {  	s18 =	sadd.s32 s6, s12;
	s20 =	sand.u32 $0x1FFFFFF0, s17;
	s23 =	spop (v2sf)  }
0x192: {  	[tilespmem:s9], [sflag:$0x1] =	stream.linear.gather [hbm4b:s18+s5], $0x80, $0x38;
	[tilespmem:$0x18880] =	vst v63  }
0x193: {  	s25 =	sadd.s32 s6, s20;
	s26 =	sand.u32 $0x1FFFFFF0, s23;
	s28 =	spop (v2sf)  }
0x194: {  	[tilespmem:s10], [sflag:$0x1] =	stream.linear.gather [hbm4b:s25+s5], $0x80, $0x38;
	[tilespmem:$0x18880] =	vst v63  }
0x195: {  	s29 =	sadd.s32 s6, s26;
	s30 =	sand.u32 $0x1FFFFFF0, s28;
	s31 =	spop (v2sf)  }
0x196: {  	[tilespmem:s11], [sflag:$0x1] =	stream.linear.gather [hbm4b:s29+s5], $0x80, $0x38;
	[tilespmem:$0x18880] =	vst v63  }
0x197: {  	s10 =	sadd.s32 s6, s30;
	s11 =	sand.u32 $0x1FFFFFF0, s31;
	s12 =	spop (v2sf)  }
0x198: {  	[tilespmem:s16], [sflag:$0x1] =	stream.linear.gather [hbm4b:s10+s5], $0x80, $0x38;
	[tilespmem:$0x18880] =	vst v63  }
0x199: {  	s13 =	sadd.s32 s6, s11;
	s16 =	sand.u32 $0x1FFFFFF0, s12;
	s17 =	spop (v2sf)  }
0x19a: {  	[tilespmem:s4], [sflag:$0x1] =	stream.linear.gather [hbm4b:s13+s5], $0x80, $0x38;
	[tilespmem:$0x18880] =	vst v63  }
0x19b: {  	s18 =	sadd.s32 s6, s16;
	s20 =	sand.u32 $0x1FFFFFF0, s17;
	s23 =	spop (v2sf)  }
0x19c: {  	[tilespmem:s3], [sflag:$0x1] =	stream.linear.gather [hbm4b:s18+s5], $0x80, $0x38;
	[tilespmem:$0x18880] =	vst v63  }
0x19d: {  	s25 =	sadd.s32 $0xF80, s0;
	s26 =	sadd.s32 s6, s20;
	s28 =	sand.u32 $0x1FFFFFF0, s23  }
0x19e: {  	[tilespmem:s25], [sflag:$0x1] =	stream.linear.gather [hbm4b:s26+s5], $0x80, $0x38;
	[tilespmem:$0x18880] =	vst v63  }
0x19f: {  	s0 =	sadd.s32 $0x1000, s0;
	s29 =	sadd.s32 s6, s28  }
0x1a0: {  	[tilespmem:s0], [sflag:$0x1] =	stream.linear.gather [hbm4b:s29+s5], $0x80, $0x38;
	[tilespmem:$0x18880] =	vst v63  }
0x1a1: {  	s30 =	simm.s32 $0x0;
	_ =	swait.ge [sflag:s21], $0x8000  }
0x1a2: {  	v0 =	vmov s30;
	[sflag:s21] =	ssyncset.done $0x0  }
0x1a3: {  	[sflag:s21] =	ssyncadd.s32 $0xFFFF8000  }
0x1a4: {  	_ =	swait.ge [sflag:s21], $0x8000  }
0x1a5: {  	[sflag:s21] =	ssyncset.done $0x0  }
0x1a6: {  	[sflag:s21] =	ssyncadd.s32 $0xFFFF8000  }
0x1a7: {  	s0 =	simm.s32 $0x88A0;
	v0 =	vld.idx.msk [tilespmem:v0+s22+$0x0], $0xffff  }
0x1a8: {  	v1 =	vld [tilespmem:s0+$0xFFFFFFE0]  }
0x1a9: {  	s4 =	simm.s32 $0x108A0  }
0x1aa: {  	v2 =	vld [tilespmem:s4+$0xFFFFFFE0];
	_ =	sdelay $0x2  }
0x1ab: {  	v1 =	vmul.f32 v1, v0;
	_ =	sdelay $0x1  }
0x1ac: {  	v1 =	vadd.f32 v2, v1  }
0x1ad: {  	v2 =	vld [tilespmem:s0+$0xFFFFFFF0]  }
0x1ae: {  	[tilespmem:s0+$0xFFFFFFE0] =	vst v1  }
0x1af: {  	v1 =	vld [tilespmem:s4+$0xFFFFFFF0];
	_ =	sdelay $0x2  }
0x1b0: {  	v2 =	vmul.f32 v2, v0;
	_ =	sdelay $0x1  }
0x1b1: {  	v1 =	vadd.f32 v1, v2  }
0x1b2: {  	v2 =	vld [tilespmem:s0+$0x0]  }
0x1b3: {  	[tilespmem:s0+$0xFFFFFFF0] =	vst v1  }
0x1b4: {  	v1 =	vld [tilespmem:s4+$0x0];
	_ =	sdelay $0x2  }
0x1b5: {  	v2 =	vmul.f32 v2, v0;
	_ =	sdelay $0x1  }
0x1b6: {  	v1 =	vadd.f32 v1, v2  }
0x1b7: {  	v2 =	vld [tilespmem:s0+$0x10]  }
0x1b8: {  	[tilespmem:s0+$0x0] =	vst v1  }
0x1b9: {  	v1 =	vld [tilespmem:s4+$0x10];
	_ =	sdelay $0x1  }
0x1ba: {  	s31 =	simm.s32 $0x1  }
0x1bb: {  	v2 =	vmul.f32 v2, v0;
	v0 =	vmov s31;
	_ =	sdelay $0x1  }
0x1bc: {  	s3 =	simm.s32 $0x2;
	v1 =	vadd.f32 v1, v2  }
.LBB2_10:
0x1bd: {  	s4 =	sadd.s32 $0x80, s4  }
0x1be: {  	s7 =	smov.u32 s3;
	s8 =	sadd.s32 $0x1, s3;
	[tilespmem:s0+$0x10] =	vst v1;
	s0 =	sadd.s32 $0x80, s0  }
0x1bf: {  	p0 =	sne.s32 s3, $0xFF;
	v1 =	vld.idx.msk [tilespmem:v0+s22+$0x0], $0xffff  }
0x1c0: {  	v0 =	vld [tilespmem:s0+$0xFFFFFFE0];
	_ =	sdelay $0x1  }
0x1c1: {  	v2 =	vld [tilespmem:s4+$0xFFFFFFE0];
	_ =	sdelay $0x2  }
0x1c2: {  	v0 =	vmul.f32 v0, v1;
	_ =	sdelay $0x1  }
0x1c3: {  	v0 =	vadd.f32 v2, v0  }
0x1c4: {  	v2 =	vld [tilespmem:s0+$0xFFFFFFF0]  }
0x1c5: {  	[tilespmem:s0+$0xFFFFFFE0] =	vst v0  }
0x1c6: {  	v0 =	vld [tilespmem:s4+$0xFFFFFFF0];
	_ =	sdelay $0x2  }
0x1c7: {  	v2 =	vmul.f32 v2, v1;
	_ =	sdelay $0x1  }
0x1c8: {  	v0 =	vadd.f32 v0, v2  }
0x1c9: {  	v2 =	vld [tilespmem:s0+$0x0]  }
0x1ca: {  	[tilespmem:s0+$0xFFFFFFF0] =	vst v0  }
0x1cb: {  	v0 =	vld [tilespmem:s4+$0x0];
	_ =	sdelay $0x2  }
0x1cc: {  	v2 =	vmul.f32 v2, v1;
	_ =	sdelay $0x1  }
0x1cd: {  	v0 =	vadd.f32 v0, v2  }
0x1ce: {  	v2 =	vld [tilespmem:s0+$0x10]  }
0x1cf: {  	[tilespmem:s0+$0x0] =	vst v0  }
0x1d0: {  	v3 =	vld [tilespmem:s4+$0x10]  }
.Ltmp4:
0x1d1: {  	(pc) =	sbr.rel @p0 .LBB2_10-.Ltmp4, $3  }
0x1d2: {  	_ = 	snop  }
0x1d3: {  	v0 =	vmov s7;
	v1 =	vmul.f32 v2, v1;
	_ =	sdelay $0x1  }
0x1d4: {  	s3 =	smov.u32 s8;
	v1 =	vadd.f32 v3, v1  }
0x1d5: {  	_ =	sdelay $0x2  }
0x1d6: {  	[tilespmem:s0+$0x10] =	vst v1  }
0x1d7: {  	s8 =	sadd.s32 $0x80, s0;
	v0 =	vld.idx.msk [tilespmem:v0+s22+$0x0], $0xffff  }
0x1d8: {  	v1 =	vld [tilespmem:s8+$0xFFFFFFE0]  }
0x1d9: {  	s3 =	sadd.s32 $0x80, s4  }
0x1da: {  	v2 =	vld [tilespmem:s3+$0xFFFFFFE0];
	_ =	sdelay $0x2  }
0x1db: {  	v1 =	vmul.f32 v1, v0;
	_ =	sdelay $0x1  }
0x1dc: {  	v1 =	vadd.f32 v2, v1  }
0x1dd: {  	v60 =	vld [tilespmem:s8+$0xFFFFFFF0]  }
0x1de: {  	[tilespmem:s8+$0xFFFFFFE0] =	vst v1  }
0x1df: {  	v1 =	vld [tilespmem:s3+$0xFFFFFFF0];
	_ =	sdelay $0x2  }
0x1e0: {  	v2 =	vmul.f32 v60, v0;
	_ =	sdelay $0x1  }
0x1e1: {  	v1 =	vadd.f32 v1, v2  }
0x1e2: {  	v61 =	vld [tilespmem:s8+$0x0]  }
0x1e3: {  	[tilespmem:s8+$0xFFFFFFF0] =	vst v1  }
0x1e4: {  	v1 =	vld [tilespmem:s3+$0x0];
	_ =	sdelay $0x2  }
0x1e5: {  	v2 =	vmul.f32 v61, v0;
	_ =	sdelay $0x1  }
0x1e6: {  	v1 =	vadd.f32 v1, v2  }
0x1e7: {  	v62 =	vld [tilespmem:s8+$0x10]  }
0x1e8: {  	[tilespmem:s8+$0x0] =	vst v1  }
0x1e9: {  	v1 =	vld [tilespmem:s3+$0x10];
	_ =	sdelay $0x2  }
0x1ea: {  	v0 =	vmul.f32 v62, v0;
	_ =	sdelay $0x1  }
0x1eb: {  	v0 =	vadd.f32 v1, v0;
	_ =	sdelay $0x1  }
0x1ec: {  	s9 =	simm.s32 $0x0;
	s11 =	rddreg [dreg:$0xc];
	s10 =	simm.s32 $0x8880;
	[tilespmem:s8+$0x10] =	vst v0  }
0x1ed: {  	[hbm4b:s11+s9] =	stream.linear.scatter [tilespmem:s10], [sflag:$0x3], $0x8000, $0x38;
	[tilespmem:$0x18880] =	vst v63  }
0x1ee: {  	_ =	swait.ge [sflag:s15], $0x8000  }
0x1ef: {  	[sflag:s15] =	ssyncset.done $0x0  }
0x1f0: {  	s0 =	sand.u32 $0xF0, s9;
	[sflag:s15] =	ssyncadd.s32 $0xFFFF8000  }
0x1f1: {  	v63 =	vld [tilespmem:s0+$0x300];
	_ =	sdelay $0x4  }
0x1f2: {  	v0 =	vshll.u32 v63, $0x4  }
0x1f3: {  	(v2sf) =	vpush v0, $0x0;
	_ =	sdelay $0x1  }
0x1f4: {  	(v2sf) =	vpush v0, $0x1;
	_ =	sdelay $0x3  }
0x1f5: {  	(v2sf) =	vpush v0, $0x2;
	_ =	sdelay $0x3  }
0x1f6: {  	(v2sf) =	vpush v0, $0x3;
	_ =	sdelay $0x3  }
0x1f7: {  	(v2sf) =	vpush v0, $0x4  }
0x1f8: {  	s7 =	simm.s32 $0x8880;
	s12 =	spop (v2sf)  }
0x1f9: {  	s17 =	simm.s32 $0x10880;
	s20 =	simm.s32 $0x8900;
	s0 =	sand.u32 $0x1FFFFFF0, s12  }
0x1fa: {  	s25 =	simm.s32 $0x10900;
	s13 =	spop (v2sf);
	s16 =	sadd.s32 s2, s0  }
0x1fb: {  	(v2sf) =	vpush v0, $0x5;
	[tilespmem:s7], [sflag:$0x2] =	stream.linear.gather [hbm4b:s16+s5], $0x80, $0x38;
	[tilespmem:$0x18880] =	vst v63  }
0x1fc: {  	s28 =	simm.s32 $0x8980;
	s3 =	sand.u32 $0x1FFFFFF0, s13;
	s0 =	sadd.s32 s1, s0  }
0x1fd: {  	[tilespmem:s17], [sflag:$0x2] =	stream.linear.gather [hbm4b:s0+s5], $0x80, $0x38;
	[tilespmem:$0x18880] =	vst v63  }
0x1fe: {  	s30 =	simm.s32 $0x10980;
	s18 =	spop (v2sf);
	s23 =	sadd.s32 s2, s3  }
0x1ff: {  	(v2sf) =	vpush v0, $0x6;
	[tilespmem:s20], [sflag:$0x2] =	stream.linear.gather [hbm4b:s23+s5], $0x80, $0x38;
	[tilespmem:$0x18880] =	vst v63  }
0x200: {  	s8 =	simm.s32 $0x8A00;
	s3 =	sadd.s32 s1, s3;
	s0 =	sand.u32 $0x1FFFFFF0, s18  }
0x201: {  	(v2sf) =	vpush v0, $0x7;
	[tilespmem:s25], [sflag:$0x2] =	stream.linear.gather [hbm4b:s3+s5], $0x80, $0x38;
	[tilespmem:$0x18880] =	vst v63  }
0x202: {  	s11 =	simm.s32 $0x10A00;
	s26 =	spop (v2sf);
	s29 =	sadd.s32 s2, s0  }
0x203: {  	[tilespmem:s28], [sflag:$0x2] =	stream.linear.gather [hbm4b:s29+s5], $0x80, $0x38;
	[tilespmem:$0x18880] =	vst v63  }
0x204: {  	s13 =	simm.s32 $0x8A80;
	s0 =	sadd.s32 s1, s0;
	s3 =	sand.u32 $0x1FFFFFF0, s26  }
0x205: {  	(v2sf) =	vpush v0, $0x8;
	[tilespmem:s30], [sflag:$0x2] =	stream.linear.gather [hbm4b:s0+s5], $0x80, $0x38;
	[tilespmem:$0x18880] =	vst v63  }
0x206: {  	s7 =	simm.s32 $0x8E00;
	s31 =	spop (v2sf);
	s9 =	sadd.s32 s2, s3  }
0x207: {  	[tilespmem:s8], [sflag:$0x2] =	stream.linear.gather [hbm4b:s9+s5], $0x80, $0x38;
	[tilespmem:$0x18880] =	vst v63  }
0x208: {  	s17 =	simm.s32 $0x10A80;
	s3 =	sadd.s32 s1, s3;
	s0 =	sand.u32 $0x1FFFFFF0, s31  }
0x209: {  	[tilespmem:s11], [sflag:$0x2] =	stream.linear.gather [hbm4b:s3+s5], $0x80, $0x38;
	[tilespmem:$0x18880] =	vst v63  }
0x20a: {  	s20 =	simm.s32 $0x8B00;
	s16 =	sadd.s32 s2, s0;
	s12 =	spop (v2sf)  }
0x20b: {  	(v2sf) =	vpush v0, $0x9;
	[tilespmem:s13], [sflag:$0x2] =	stream.linear.gather [hbm4b:s16+s5], $0x80, $0x38;
	[tilespmem:$0x18880] =	vst v63  }
0x20c: {  	s25 =	simm.s32 $0x10B00;
	s0 =	sadd.s32 s1, s0;
	s3 =	sand.u32 $0x1FFFFFF0, s12  }
0x20d: {  	[tilespmem:s17], [sflag:$0x2] =	stream.linear.gather [hbm4b:s0+s5], $0x80, $0x38;
	[tilespmem:$0x18880] =	vst v63  }
0x20e: {  	s28 =	simm.s32 $0x8B80;
	s18 =	spop (v2sf);
	s23 =	sadd.s32 s2, s3  }
0x20f: {  	(v2sf) =	vpush v0, $0xA;
	[tilespmem:s20], [sflag:$0x2] =	stream.linear.gather [hbm4b:s23+s5], $0x80, $0x38;
	[tilespmem:$0x18880] =	vst v63  }
0x210: {  	s26 =	spop (v2sf);
	s3 =	sadd.s32 s1, s3;
	s0 =	sand.u32 $0x1FFFFFF0, s18  }
0x211: {  	(v2sf) =	vpush v0, $0xB;
	[tilespmem:s25], [sflag:$0x2] =	stream.linear.gather [hbm4b:s3+s5], $0x80, $0x38;
	[tilespmem:$0x18880] =	vst v63  }
0x212: {  	s30 =	simm.s32 $0x10B80;
	s8 =	simm.s32 $0x8C00;
	s29 =	sadd.s32 s2, s0  }
0x213: {  	[tilespmem:s28], [sflag:$0x2] =	stream.linear.gather [hbm4b:s29+s5], $0x80, $0x38;
	[tilespmem:$0x18880] =	vst v63  }
0x214: {  	s31 =	spop (v2sf);
	s0 =	sadd.s32 s1, s0;
	s3 =	sand.u32 $0x1FFFFFF0, s26  }
0x215: {  	(v2sf) =	vpush v0, $0xC;
	[tilespmem:s30], [sflag:$0x2] =	stream.linear.gather [hbm4b:s0+s5], $0x80, $0x38;
	[tilespmem:$0x18880] =	vst v63  }
0x216: {  	s11 =	simm.s32 $0x10C00;
	s13 =	simm.s32 $0x8C80;
	s9 =	sadd.s32 s2, s3  }
0x217: {  	[tilespmem:s8], [sflag:$0x2] =	stream.linear.gather [hbm4b:s9+s5], $0x80, $0x38;
	[tilespmem:$0x18880] =	vst v63  }
0x218: {  	s17 =	simm.s32 $0x10C80;
	s3 =	sadd.s32 s1, s3;
	s0 =	sand.u32 $0x1FFFFFF0, s31  }
0x219: {  	[tilespmem:s11], [sflag:$0x2] =	stream.linear.gather [hbm4b:s3+s5], $0x80, $0x38;
	[tilespmem:$0x18880] =	vst v63  }
0x21a: {  	s20 =	simm.s32 $0x8D00;
	s12 =	spop (v2sf);
	s16 =	sadd.s32 s2, s0  }
0x21b: {  	(v2sf) =	vpush v0, $0xD;
	[tilespmem:s13], [sflag:$0x2] =	stream.linear.gather [hbm4b:s16+s5], $0x80, $0x38;
	[tilespmem:$0x18880] =	vst v63  }
0x21c: {  	s25 =	simm.s32 $0x10D00;
	s0 =	sadd.s32 s1, s0;
	s3 =	sand.u32 $0x1FFFFFF0, s12  }
0x21d: {  	[tilespmem:s17], [sflag:$0x2] =	stream.linear.gather [hbm4b:s0+s5], $0x80, $0x38;
	[tilespmem:$0x18880] =	vst v63  }
0x21e: {  	s28 =	simm.s32 $0x8D80;
	s18 =	spop (v2sf);
	s23 =	sadd.s32 s2, s3  }
0x21f: {  	(v2sf) =	vpush v0, $0xE;
	[tilespmem:s20], [sflag:$0x2] =	stream.linear.gather [hbm4b:s23+s5], $0x80, $0x38;
	[tilespmem:$0x18880] =	vst v63  }
0x220: {  	s26 =	spop (v2sf);
	s3 =	sadd.s32 s1, s3;
	s0 =	sand.u32 $0x1FFFFFF0, s18  }
0x221: {  	(v2sf) =	vpush v0, $0xF;
	[tilespmem:s25], [sflag:$0x2] =	stream.linear.gather [hbm4b:s3+s5], $0x80, $0x38;
	[tilespmem:$0x18880] =	vst v63  }
0x222: {  	s30 =	simm.s32 $0x10D80;
	s9 =	simm.s32 $0x10E00;
	s29 =	sadd.s32 s2, s0  }
0x223: {  	[tilespmem:s28], [sflag:$0x2] =	stream.linear.gather [hbm4b:s29+s5], $0x80, $0x38;
	[tilespmem:$0x18880] =	vst v63  }
0x224: {  	s31 =	spop (v2sf);
	s0 =	sadd.s32 s1, s0;
	s3 =	sand.u32 $0x1FFFFFF0, s26  }
0x225: {  	[tilespmem:s30], [sflag:$0x2] =	stream.linear.gather [hbm4b:s0+s5], $0x80, $0x38;
	[tilespmem:$0x18880] =	vst v63  }
0x226: {  	s12 =	simm.s32 $0x8E80;
	s16 =	simm.s32 $0x10E80;
	s8 =	sadd.s32 s2, s3  }
0x227: {  	[tilespmem:s7], [sflag:$0x2] =	stream.linear.gather [hbm4b:s8+s5], $0x80, $0x38;
	[tilespmem:$0x18880] =	vst v63  }
0x228: {  	s18 =	simm.s32 $0x8F00;
	s3 =	sadd.s32 s1, s3;
	s0 =	sand.u32 $0x1FFFFFF0, s31  }
0x229: {  	[tilespmem:s9], [sflag:$0x2] =	stream.linear.gather [hbm4b:s3+s5], $0x80, $0x38;
	[tilespmem:$0x18880] =	vst v63  }
0x22a: {  	s23 =	simm.s32 $0x10F00;
	s11 =	spop (v2sf);
	s13 =	sadd.s32 s2, s0  }
0x22b: {  	[tilespmem:s12], [sflag:$0x2] =	stream.linear.gather [hbm4b:s13+s5], $0x80, $0x38;
	[tilespmem:$0x18880] =	vst v63  }
0x22c: {  	s26 =	simm.s32 $0x8F80;
	s0 =	sadd.s32 s1, s0;
	s3 =	sand.u32 $0x1FFFFFF0, s11  }
0x22d: {  	[tilespmem:s16], [sflag:$0x2] =	stream.linear.gather [hbm4b:s0+s5], $0x80, $0x38;
	[tilespmem:$0x18880] =	vst v63  }
0x22e: {  	s29 =	simm.s32 $0x10F80;
	s17 =	spop (v2sf);
	s20 =	sadd.s32 s2, s3  }
0x22f: {  	[tilespmem:s18], [sflag:$0x2] =	stream.linear.gather [hbm4b:s20+s5], $0x80, $0x38;
	[tilespmem:$0x18880] =	vst v63  }
0x230: {  	s25 =	spop (v2sf);
	s3 =	sadd.s32 s1, s3;
	s0 =	sand.u32 $0x1FFFFFF0, s17  }
0x231: {  	[tilespmem:s23], [sflag:$0x2] =	stream.linear.gather [hbm4b:s3+s5], $0x80, $0x38;
	[tilespmem:$0x18880] =	vst v63  }
0x232: {  	s30 =	simm.s32 $0x9000;
	s28 =	sadd.s32 s2, s0;
	s3 =	sand.u32 $0x1FFFFFF0, s25  }
0x233: {  	[tilespmem:s26], [sflag:$0x2] =	stream.linear.gather [hbm4b:s28+s5], $0x80, $0x38;
	[tilespmem:$0x18880] =	vst v63  }
0x234: {  	s0 =	sadd.s32 s1, s0;
	s25 =	simm.s32 $0x2000;
	s31 =	sadd.s32 s2, s3  }
0x235: {  	[tilespmem:s29], [sflag:$0x2] =	stream.linear.gather [hbm4b:s0+s5], $0x80, $0x38;
	[tilespmem:$0x18880] =	vst v63  }
0x236: {  	s3 =	sadd.s32 s1, s3;
	s26 =	simm.s32 $0x10;
	s0 =	simm.s32 $0x11000  }
0x237: {  	[tilespmem:s30], [sflag:$0x2] =	stream.linear.gather [hbm4b:s31+s5], $0x80, $0x38;
	[tilespmem:$0x18880] =	vst v63  }
.LBB2_12:
0x238: {  	s4 =	sand.u32 $0xF0, s26  }
0x239: {  	p0 =	sne.s32 s25, $0x1E000;
	s7 =	smov.u32 s25;
	s25 =	sadd.s32 $0x2000, s25  }
0x23a: {  	[tilespmem:s0], [sflag:$0x2] =	stream.linear.gather [hbm4b:s3+s5], $0x80, $0x38;
	[tilespmem:$0x18880] =	vst v63  }
0x23b: {  	v0 =	vld [tilespmem:s4+$0x300];
	_ =	sdelay $0x4  }
0x23c: {  	v0 =	vshll.u32 v0, $0x4  }
0x23d: {  	(v2sf) =	vpush v0, $0x0  }
0x23e: {  	(v2sf) =	vpush v0, $0x1  }
0x23f: {  	(v2sf) =	vpush v0, $0x2;
	_ =	sdelay $0x2  }
0x240: {  	(v2sf) =	vpush v0, $0x3;
	_ =	sdelay $0x3  }
0x241: {  	(v2sf) =	vpush v0, $0x4;
	_ =	sdelay $0x3  }
0x242: {  	(v2sf) =	vpush v0, $0x5;
	_ =	sdelay $0x1  }
0x243: {  	s0 =	spop (v2sf)  }
0x244: {  	s28 =	sshra.s32 s7, $0x2;
	s0 =	sand.u32 $0x1FFFFFF0, s0;
	s3 =	spop (v2sf)  }
0x245: {  	s7 =	sadd.s32 $0x10880, s28;
	s4 =	sadd.s32 s2, s0;
	s8 =	spop (v2sf);
	(v2sf) =	vpush v0, $0x6  }
0x246: {  	s9 =	sadd.s32 $0x8880, s28;
	s3 =	sand.u32 $0x1FFFFFF0, s3;
	s8 =	sand.u32 $0x1FFFFFF0, s8  }
0x247: {  	[tilespmem:s9], [sflag:$0x2] =	stream.linear.gather [hbm4b:s4+s5], $0x80, $0x38;
	[tilespmem:$0x18880] =	vst v63  }
0x248: {  	s0 =	sadd.s32 s1, s0;
	s4 =	sadd.s32 $0x8900, s28;
	s9 =	spop (v2sf)  }
0x249: {  	[tilespmem:s7], [sflag:$0x2] =	stream.linear.gather [hbm4b:s0+s5], $0x80, $0x38;
	(v2sf) =	vpush v0, $0x7;
	[tilespmem:$0x18880] =	vst v63  }
0x24a: {  	s0 =	sadd.s32 s2, s3;
	s7 =	sadd.s32 $0x10900, s28;
	s9 =	sand.u32 $0x1FFFFFF0, s9  }
0x24b: {  	[tilespmem:s4], [sflag:$0x2] =	stream.linear.gather [hbm4b:s0+s5], $0x80, $0x38;
	[tilespmem:$0x18880] =	vst v63  }
0x24c: {  	s0 =	sadd.s32 s1, s3;
	s3 =	sadd.s32 $0x8980, s28;
	s4 =	spop (v2sf)  }
0x24d: {  	[tilespmem:s7], [sflag:$0x2] =	stream.linear.gather [hbm4b:s0+s5], $0x80, $0x38;
	[tilespmem:$0x18880] =	vst v63  }
0x24e: {  	s0 =	sadd.s32 s2, s8;
	s7 =	sadd.s32 $0x10980, s28;
	s4 =	sand.u32 $0x1FFFFFF0, s4  }
0x24f: {  	[tilespmem:s3], [sflag:$0x2] =	stream.linear.gather [hbm4b:s0+s5], $0x80, $0x38;
	(v2sf) =	vpush v0, $0x8;
	[tilespmem:$0x18880] =	vst v63  }
0x250: {  	s0 =	sadd.s32 s1, s8;
	s3 =	sadd.s32 $0x8A00, s28;
	s8 =	spop (v2sf)  }
0x251: {  	[tilespmem:s7], [sflag:$0x2] =	stream.linear.gather [hbm4b:s0+s5], $0x80, $0x38;
	[tilespmem:$0x18880] =	vst v63  }
0x252: {  	s0 =	sadd.s32 s2, s9;
	s7 =	sadd.s32 $0x10A00, s28;
	s8 =	sand.u32 $0x1FFFFFF0, s8  }
0x253: {  	[tilespmem:s3], [sflag:$0x2] =	stream.linear.gather [hbm4b:s0+s5], $0x80, $0x38;
	(v2sf) =	vpush v0, $0x9;
	[tilespmem:$0x18880] =	vst v63  }
0x254: {  	s0 =	sadd.s32 s1, s9;
	s3 =	sadd.s32 $0x8A80, s28;
	s9 =	spop (v2sf)  }
0x255: {  	[tilespmem:s7], [sflag:$0x2] =	stream.linear.gather [hbm4b:s0+s5], $0x80, $0x38;
	[tilespmem:$0x18880] =	vst v63  }
0x256: {  	s0 =	sadd.s32 s2, s4;
	s7 =	sadd.s32 $0x10A80, s28;
	s9 =	sand.u32 $0x1FFFFFF0, s9  }
0x257: {  	[tilespmem:s3], [sflag:$0x2] =	stream.linear.gather [hbm4b:s0+s5], $0x80, $0x38;
	(v2sf) =	vpush v0, $0xA;
	[tilespmem:$0x18880] =	vst v63  }
0x258: {  	s0 =	sadd.s32 s1, s4;
	s3 =	sadd.s32 $0x8B00, s28;
	s4 =	spop (v2sf)  }
0x259: {  	[tilespmem:s7], [sflag:$0x2] =	stream.linear.gather [hbm4b:s0+s5], $0x80, $0x38;
	[tilespmem:$0x18880] =	vst v63  }
0x25a: {  	s0 =	sadd.s32 s2, s8;
	s7 =	sadd.s32 $0x10B00, s28;
	s4 =	sand.u32 $0x1FFFFFF0, s4  }
0x25b: {  	[tilespmem:s3], [sflag:$0x2] =	stream.linear.gather [hbm4b:s0+s5], $0x80, $0x38;
	(v2sf) =	vpush v0, $0xB;
	[tilespmem:$0x18880] =	vst v63  }
0x25c: {  	s0 =	sadd.s32 s1, s8;
	s3 =	sadd.s32 $0x8B80, s28;
	s8 =	sadd.s32 s2, s9  }
0x25d: {  	[tilespmem:s7], [sflag:$0x2] =	stream.linear.gather [hbm4b:s0+s5], $0x80, $0x38;
	[tilespmem:$0x18880] =	vst v63  }
0x25e: {  	s0 =	sadd.s32 $0x10B80, s28;
	s7 =	sadd.s32 s1, s9;
	s9 =	spop (v2sf)  }
0x25f: {  	[tilespmem:s3], [sflag:$0x2] =	stream.linear.gather [hbm4b:s8+s5], $0x80, $0x38;
	(v2sf) =	vpush v0, $0xC;
	[tilespmem:$0x18880] =	vst v63  }
0x260: {  	s3 =	sadd.s32 $0x8C00, s28;
	s8 =	sadd.s32 s2, s4;
	s9 =	sand.u32 $0x1FFFFFF0, s9  }
0x261: {  	[tilespmem:s0], [sflag:$0x2] =	stream.linear.gather [hbm4b:s7+s5], $0x80, $0x38;
	[tilespmem:$0x18880] =	vst v63  }
0x262: {  	s4 =	sadd.s32 s1, s4;
	s0 =	sadd.s32 $0x10C00, s28;
	s7 =	spop (v2sf)  }
0x263: {  	[tilespmem:s3], [sflag:$0x2] =	stream.linear.gather [hbm4b:s8+s5], $0x80, $0x38;
	(v2sf) =	vpush v0, $0xD;
	[tilespmem:$0x18880] =	vst v63  }
0x264: {  	s3 =	sadd.s32 $0x8C80, s28;
	s8 =	sadd.s32 s2, s9;
	s7 =	sand.u32 $0x1FFFFFF0, s7  }
0x265: {  	[tilespmem:s0], [sflag:$0x2] =	stream.linear.gather [hbm4b:s4+s5], $0x80, $0x38;
	[tilespmem:$0x18880] =	vst v63  }
0x266: {  	s0 =	sadd.s32 $0x10C80, s28;
	s4 =	sadd.s32 s1, s9;
	s9 =	spop (v2sf)  }
0x267: {  	[tilespmem:s3], [sflag:$0x2] =	stream.linear.gather [hbm4b:s8+s5], $0x80, $0x38;
	(v2sf) =	vpush v0, $0xE;
	[tilespmem:$0x18880] =	vst v63  }
0x268: {  	s3 =	sadd.s32 $0x8D00, s28;
	s8 =	sadd.s32 s2, s7;
	s9 =	sand.u32 $0x1FFFFFF0, s9  }
0x269: {  	[tilespmem:s0], [sflag:$0x2] =	stream.linear.gather [hbm4b:s4+s5], $0x80, $0x38;
	[tilespmem:$0x18880] =	vst v63  }
0x26a: {  	s0 =	sadd.s32 $0x10D00, s28;
	s4 =	sadd.s32 s1, s7;
	s7 =	spop (v2sf)  }
0x26b: {  	[tilespmem:s3], [sflag:$0x2] =	stream.linear.gather [hbm4b:s8+s5], $0x80, $0x38;
	(v2sf) =	vpush v0, $0xF;
	[tilespmem:$0x18880] =	vst v63  }
0x26c: {  	s3 =	sadd.s32 $0x8D80, s28;
	s8 =	sadd.s32 s2, s9;
	s7 =	sand.u32 $0x1FFFFFF0, s7  }
0x26d: {  	[tilespmem:s0], [sflag:$0x2] =	stream.linear.gather [hbm4b:s4+s5], $0x80, $0x38;
	[tilespmem:$0x18880] =	vst v63  }
0x26e: {  	s0 =	sadd.s32 $0x10D80, s28;
	s4 =	sadd.s32 s1, s9;
	s9 =	spop (v2sf)  }
0x26f: {  	[tilespmem:s3], [sflag:$0x2] =	stream.linear.gather [hbm4b:s8+s5], $0x80, $0x38;
	[tilespmem:$0x18880] =	vst v63  }
0x270: {  	s3 =	sadd.s32 $0x8E00, s28;
	s8 =	sadd.s32 s2, s7;
	s9 =	sand.u32 $0x1FFFFFF0, s9  }
0x271: {  	[tilespmem:s0], [sflag:$0x2] =	stream.linear.gather [hbm4b:s4+s5], $0x80, $0x38;
	[tilespmem:$0x18880] =	vst v63  }
0x272: {  	s0 =	sadd.s32 $0x10E00, s28;
	s4 =	sadd.s32 s1, s7;
	s7 =	spop (v2sf)  }
0x273: {  	[tilespmem:s3], [sflag:$0x2] =	stream.linear.gather [hbm4b:s8+s5], $0x80, $0x38;
	[tilespmem:$0x18880] =	vst v63  }
0x274: {  	s3 =	sadd.s32 $0x8E80, s28;
	s8 =	sadd.s32 s2, s9;
	s7 =	sand.u32 $0x1FFFFFF0, s7  }
0x275: {  	[tilespmem:s0], [sflag:$0x2] =	stream.linear.gather [hbm4b:s4+s5], $0x80, $0x38;
	[tilespmem:$0x18880] =	vst v63  }
0x276: {  	s0 =	sadd.s32 $0x10E80, s28;
	s4 =	sadd.s32 s1, s9;
	s9 =	spop (v2sf)  }
0x277: {  	[tilespmem:s3], [sflag:$0x2] =	stream.linear.gather [hbm4b:s8+s5], $0x80, $0x38;
	[tilespmem:$0x18880] =	vst v63  }
0x278: {  	s3 =	sadd.s32 $0x8F00, s28;
	s8 =	sadd.s32 s2, s7;
	s9 =	sand.u32 $0x1FFFFFF0, s9  }
0x279: {  	[tilespmem:s0], [sflag:$0x2] =	stream.linear.gather [hbm4b:s4+s5], $0x80, $0x38;
	[tilespmem:$0x18880] =	vst v63  }
0x27a: {  	s0 =	sadd.s32 $0x10F00, s28;
	s4 =	sadd.s32 s1, s7;
	s7 =	spop (v2sf)  }
0x27b: {  	[tilespmem:s3], [sflag:$0x2] =	stream.linear.gather [hbm4b:s8+s5], $0x80, $0x38;
	[tilespmem:$0x18880] =	vst v63  }
0x27c: {  	s3 =	sadd.s32 $0x8F80, s28;
	s8 =	sadd.s32 s2, s9;
	s7 =	sand.u32 $0x1FFFFFF0, s7  }
0x27d: {  	[tilespmem:s0], [sflag:$0x2] =	stream.linear.gather [hbm4b:s4+s5], $0x80, $0x38;
	[tilespmem:$0x18880] =	vst v63  }
0x27e: {  	s0 =	sadd.s32 $0x10F80, s28;
	s4 =	sadd.s32 s1, s9  }
0x27f: {  	[tilespmem:s3], [sflag:$0x2] =	stream.linear.gather [hbm4b:s8+s5], $0x80, $0x38;
	[tilespmem:$0x18880] =	vst v63  }
.Ltmp5:
0x280: {  	_ = 	snop;
	(pc) =	sbr.rel @p0 .LBB2_12-.Ltmp5, $4  }
0x281: {  	s9 =	sadd.s32 s2, s7;
	s8 =	sadd.s32 $0x9000, s28  }
0x282: {  	[tilespmem:s0], [sflag:$0x2] =	stream.linear.gather [hbm4b:s4+s5], $0x80, $0x38;
	[tilespmem:$0x18880] =	vst v63  }
0x283: {  	s26 =	sadd.s32 $0x10, s26;
	s3 =	sadd.s32 s1, s7;
	s0 =	sadd.s32 $0x11000, s28  }
0x284: {  	[tilespmem:s8], [sflag:$0x2] =	stream.linear.gather [hbm4b:s9+s5], $0x80, $0x38;
	[tilespmem:$0x18880] =	vst v63  }
0x285: {  	[tilespmem:s0], [sflag:$0x2] =	stream.linear.gather [hbm4b:s3+s5], $0x80, $0x38;
	[tilespmem:$0x18880] =	vst v63  }
0x286: {  	_ =	swait.ge [sflag:s19], $0x8000  }
0x287: {  	s29 =	simm.s32 $0x0;
	[sflag:s19] =	ssyncset.done $0x0  }
0x288: {  	s4 =	simm.s32 $0x880;
	s30 =	rddreg [dreg:$0xd];
	[sflag:s19] =	ssyncadd.s32 $0xFFFF8000  }
0x289: {  	[hbm4b:s30+s29] =	stream.linear.scatter [tilespmem:s4], [sflag:$0x3], $0x8000, $0x38;
	[tilespmem:$0x18880] =	vst v63  }
0x28a: {  	_ =	swait.ge [sflag:s15], $0x8000  }
0x28b: {  	v0 =	vmov s29;
	[sflag:s15] =	ssyncset.done $0x0  }
0x28c: {  	v0 =	vadd.s32 $0x100, v0;
	[sflag:s15] =	ssyncadd.s32 $0xFFFF8000  }
0x28d: {  	v0 =	vbroadcast v0, $0x0;
	_ =	swait.ge [sflag:s21], $0x8000  }
0x28e: {  	[sflag:s21] =	ssyncset.done $0x0  }
0x28f: {  	[sflag:s21] =	ssyncadd.s32 $0xFFFF8000  }
0x290: {  	_ =	swait.ge [sflag:s21], $0x8000  }
0x291: {  	[sflag:s21] =	ssyncset.done $0x0  }
0x292: {  	[sflag:s21] =	ssyncadd.s32 $0xFFFF8000  }
0x293: {  	s0 =	simm.s32 $0x88A0;
	v0 =	vld.idx.msk [tilespmem:v0+s22+$0x0], $0xffff  }
0x294: {  	v1 =	vld [tilespmem:s0+$0xFFFFFFE0]  }
0x295: {  	s4 =	simm.s32 $0x108A0  }
0x296: {  	v2 =	vld [tilespmem:s4+$0xFFFFFFE0];
	_ =	sdelay $0x2  }
0x297: {  	v1 =	vmul.f32 v1, v0;
	_ =	sdelay $0x1  }
0x298: {  	v1 =	vadd.f32 v2, v1  }
0x299: {  	v2 =	vld [tilespmem:s0+$0xFFFFFFF0]  }
0x29a: {  	[tilespmem:s0+$0xFFFFFFE0] =	vst v1  }
0x29b: {  	v1 =	vld [tilespmem:s4+$0xFFFFFFF0];
	_ =	sdelay $0x2  }
0x29c: {  	v2 =	vmul.f32 v2, v0;
	_ =	sdelay $0x1  }
0x29d: {  	v1 =	vadd.f32 v1, v2  }
0x29e: {  	v2 =	vld [tilespmem:s0+$0x0]  }
0x29f: {  	[tilespmem:s0+$0xFFFFFFF0] =	vst v1  }
0x2a0: {  	v1 =	vld [tilespmem:s4+$0x0];
	_ =	sdelay $0x2  }
0x2a1: {  	v2 =	vmul.f32 v2, v0;
	_ =	sdelay $0x1  }
0x2a2: {  	v1 =	vadd.f32 v1, v2;
	v2 =	vld [tilespmem:s0+$0x10];
	_ =	sdelay $0x2  }
0x2a3: {  	s31 =	simm.s32 $0x1;
	[tilespmem:s0+$0x0] =	vst v1  }
0x2a4: {  	v3 =	vmov s31;
	v1 =	vld [tilespmem:s4+$0x10]  }
0x2a5: {  	v2 =	vmul.f32 v2, v0;
	v0 =	vadd.s32 $0x100, v3  }
0x2a6: {  	v0 =	vbroadcast v0, $0x0;
	_ =	sdelay $0x2  }
0x2a7: {  	s3 =	simm.s32 $0x2;
	v1 =	vadd.f32 v1, v2  }
.LBB2_14:
0x2a8: {  	s4 =	sadd.s32 $0x80, s4  }
0x2a9: {  	s7 =	smov.u32 s3;
	s8 =	sadd.s32 $0x1, s3;
	[tilespmem:s0+$0x10] =	vst v1;
	s0 =	sadd.s32 $0x80, s0  }
0x2aa: {  	p0 =	sne.s32 s3, $0xFF;
	v1 =	vld.idx.msk [tilespmem:v0+s22+$0x0], $0xffff  }
0x2ab: {  	v0 =	vld [tilespmem:s0+$0xFFFFFFE0];
	_ =	sdelay $0x1  }
0x2ac: {  	v2 =	vld [tilespmem:s4+$0xFFFFFFE0];
	_ =	sdelay $0x2  }
0x2ad: {  	v0 =	vmul.f32 v0, v1;
	_ =	sdelay $0x1  }
0x2ae: {  	v0 =	vadd.f32 v2, v0  }
0x2af: {  	v2 =	vld [tilespmem:s0+$0xFFFFFFF0]  }
0x2b0: {  	[tilespmem:s0+$0xFFFFFFE0] =	vst v0  }
0x2b1: {  	v0 =	vld [tilespmem:s4+$0xFFFFFFF0];
	_ =	sdelay $0x2  }
0x2b2: {  	v2 =	vmul.f32 v2, v1;
	_ =	sdelay $0x1  }
0x2b3: {  	v0 =	vadd.f32 v0, v2  }
0x2b4: {  	v2 =	vld [tilespmem:s0+$0x0]  }
0x2b5: {  	[tilespmem:s0+$0xFFFFFFF0] =	vst v0  }
0x2b6: {  	v0 =	vld [tilespmem:s4+$0x0];
	_ =	sdelay $0x2  }
0x2b7: {  	v2 =	vmul.f32 v2, v1;
	_ =	sdelay $0x1  }
0x2b8: {  	v0 =	vadd.f32 v0, v2  }
0x2b9: {  	v2 =	vld [tilespmem:s0+$0x10]  }
0x2ba: {  	[tilespmem:s0+$0x0] =	vst v0  }
0x2bb: {  	v0 =	vmov s7;
	v3 =	vld [tilespmem:s4+$0x10]  }
.Ltmp6:
0x2bc: {  	v0 =	vadd.s32 $0x100, v0;
	(pc) =	sbr.rel @p0 .LBB2_14-.Ltmp6, $3  }
0x2bd: {  	v0 =	vbroadcast v0, $0x0  }
0x2be: {  	v1 =	vmul.f32 v2, v1;
	_ =	sdelay $0x1  }
0x2bf: {  	s3 =	smov.u32 s8;
	v1 =	vadd.f32 v3, v1  }
0x2c0: {  	_ =	sdelay $0x2  }
0x2c1: {  	[tilespmem:s0+$0x10] =	vst v1  }
0x2c2: {  	s30 =	sadd.s32 $0x80, s0;
	v0 =	vld.idx.msk [tilespmem:v0+s22+$0x0], $0xffff  }
0x2c3: {  	v1 =	vld [tilespmem:s30+$0xFFFFFFE0]  }
0x2c4: {  	s3 =	sadd.s32 $0x80, s4  }
0x2c5: {  	v2 =	vld [tilespmem:s3+$0xFFFFFFE0];
	_ =	sdelay $0x2  }
0x2c6: {  	v1 =	vmul.f32 v1, v0;
	_ =	sdelay $0x1  }
0x2c7: {  	v1 =	vadd.f32 v2, v1  }
0x2c8: {  	v61 =	vld [tilespmem:s30+$0xFFFFFFF0]  }
0x2c9: {  	[tilespmem:s30+$0xFFFFFFE0] =	vst v1  }
0x2ca: {  	v1 =	vld [tilespmem:s3+$0xFFFFFFF0];
	_ =	sdelay $0x2  }
0x2cb: {  	v2 =	vmul.f32 v61, v0;
	_ =	sdelay $0x1  }
0x2cc: {  	v1 =	vadd.f32 v1, v2  }
0x2cd: {  	v62 =	vld [tilespmem:s30+$0x0]  }
0x2ce: {  	[tilespmem:s30+$0xFFFFFFF0] =	vst v1  }
0x2cf: {  	v1 =	vld [tilespmem:s3+$0x0];
	_ =	sdelay $0x2  }
0x2d0: {  	v2 =	vmul.f32 v62, v0;
	_ =	sdelay $0x1  }
0x2d1: {  	v1 =	vadd.f32 v1, v2  }
0x2d2: {  	v63 =	vld [tilespmem:s30+$0x10]  }
0x2d3: {  	[tilespmem:s30+$0x0] =	vst v1  }
0x2d4: {  	v1 =	vld [tilespmem:s3+$0x10];
	_ =	sdelay $0x2  }
0x2d5: {  	v0 =	vmul.f32 v63, v0;
	_ =	sdelay $0x1  }
0x2d6: {  	s24 =	sadd.s32 $0x1, s24;
	v0 =	vadd.f32 v1, v0  }
0x2d7: {  	p0 =	sne.s32 s24, s14  }
.Ltmp7:
0x2d8: {  	s31 =	rddreg [dreg:$0xe];
	[tilespmem:s30+$0x10] =	vst v0;
	(pc) =	sbr.rel @p0 .LBB2_1-.Ltmp7, $4  }
0x2d9: {  	[hbm4b:s31+s5] =	stream.linear.scatter [tilespmem:s10], [sflag:$0x3], $0x8000, $0x38;
	[tilespmem:$0x18880] =	vst v63  }
0x2da: {  	_ =	swait.ge [sflag:s15], $0x8000  }
0x2db: {  	[sflag:s15] =	ssyncset.done $0x0  }
0x2dc: {  	[sflag:s15] =	ssyncadd.s32 $0xFFFF8000  }
0x2dd: {  	_ =	sfence.sel $0x180000  }
0x2de: {  	[bflag:$0x0] =	sbarrier.arrive $0xFFFF  }
0x2df: {  	_ =	strace $0x90000047  }
0x2e0: {  	s0 =	stileid.u32;
	[bflag:$0x2] =	sbarrier.arrive $0xFFFF  }
0x2e1: {  	p0 =	sne.s32 s0, $0x0;
	s0 =	rddreg [dreg:$0x7]  }
0x2e2: {  	s0 =	sadd.s32 @!p0 $0x100000, s0  }
0x2e3: {  	[sflag:s0] =	ssyncadd.tile.s32 @!p0 $0x1;
	_ =	shalt  }
.Lfunc_end2:
_tile_overlayer_lowered:
.L_overlay_start_2:
0x2e4: {  	(tag) =	ssettag $0x2  }
0x2e5: {  	s0 =	rddreg [dreg:$0x0];
	s2 =	stileid.u32  }
0x2e6: {  	s1 =	rddreg [dreg:$0x1];
	p0 =	sne.s32 s2, $0x0  }
0x2e7: {  	s3 =	rddreg [dreg:$0x2];
	[bflag:$0x3] =	sbarrier.arrive $0xFFFF;
	s2 =	simm.s32 @!p0 $0x1C03  }
0x2e8: {  	[timem:s3], [sflag:s2] =	dma.local @!p0 [hbm:s0], s1  }
0x2e9: {  	s0 =	simm.s32 @!p0 $0x3  }
0x2ea: {  	_ =	swait.ge @!p0 [sflag:s0], s1  }
0x2eb: {  	s1 =	ssub.s32 @!p0 $0x0, s1;
	[sflag:s0] =	ssyncset.done @!p0 $0x0  }
0x2ec: {  	[sflag:s0] =	ssyncadd.s32 @!p0 s1  }
0x2ed: {  	[bflag:$0x3] =	sbarrier.arrive $0xFFFF  }
0x2ee: {  	_ =	shalt  }

</sc_bundles>
